<compile_context>
chip_gen: v7x
topology: tpu7x:2x2x1
jax: 0.10.2.dev20260603
libtpu: 0.0.44.dev20260713+nightly
codegen_flags: <defaults>
</compile_context>

<pallas_src>
import functools

import jax
import jax.numpy as jnp
from jax import lax
from jax.experimental import pallas as pl
from jax.experimental.pallas import tpu as pltpu
from jax.experimental.pallas import tpu_sc as plsc

NC = 2
NS = 16
NW = NC * NS
L = 16
CHUNK = 80
BE = 512


def _mesh():
    return plsc.VectorSubcoreMesh(core_axis_name="c", subcore_axis_name="s",
                                  num_cores=NC, num_subcores=NS)


_SC_PARAMS = pltpu.CompilerParams(needs_layout_passes=False)


def _pq_tc(h, wat, wbt):
    n, _ = h.shape
    hdim = wat.shape[1]

    def body(h_ref, wa_ref, wb_ref, p_ref, q_ref):
        hv = h_ref[...]
        p_ref[...] = jnp.dot(hv, wa_ref[...], preferred_element_type=jnp.float32)
        q_ref[...] = jnp.dot(hv, wb_ref[...], preferred_element_type=jnp.float32)

    return pl.pallas_call(
        body,
        out_shape=[jax.ShapeDtypeStruct((n, hdim), jnp.float32)] * 2,
    )(h, wat, wbt)


def _gather_sc(p, q, xflat, iv, jv):
    n, hdim = p.shape
    e = iv.shape[0]
    epw = e // NW
    nchunks = epw // CHUNK
    assert epw % CHUNK == 0

    @functools.partial(
        pl.kernel,
        out_type=[
            jax.ShapeDtypeStruct((e, hdim), jnp.float32),
            jax.ShapeDtypeStruct((e, 8), jnp.float32),
        ],
        mesh=_mesh(),
        scratch_types=[
            pltpu.VMEM((n * 4,), jnp.float32),
            pltpu.VMEM((CHUNK,), jnp.int32),
            pltpu.VMEM((CHUNK,), jnp.int32),
            pltpu.VMEM((CHUNK, hdim), jnp.float32),
            pltpu.VMEM((CHUNK, hdim), jnp.float32),
            pltpu.VMEM((CHUNK, 8), jnp.float32),
            pltpu.SemaphoreType.DMA,
            pltpu.SemaphoreType.DMA,
        ],
        compiler_params=_SC_PARAMS,
    )
    def k(p_hbm, q_hbm, x_hbm, i_hbm, j_hbm, g_out, aux_out,
          xtab, ivb, jvb, bufp, bufq, bufa, semp, semq):
        wid = lax.axis_index("s") * NC + lax.axis_index("c")
        base0 = wid * epw
        pltpu.sync_copy(x_hbm, xtab)
        lanes = lax.iota(jnp.int32, L)

        def chunk_body(kk, _):
            base = base0 + kk * CHUNK
            pltpu.sync_copy(i_hbm.at[pl.ds(base, CHUNK)], ivb)
            pltpu.sync_copy(j_hbm.at[pl.ds(base, CHUNK)], jvb)
            cp = pltpu.async_copy(p_hbm.at[ivb], bufp, semp)
            cq = pltpu.async_copy(q_hbm.at[jvb], bufq, semq)
            for g in range(CHUNK // L):
                sl = pl.ds(g * L, L)
                ii = ivb[sl]
                jj = jvb[sl]
                xi = [plsc.load_gather(xtab, [ii * 4 + c]) for c in range(4)]
                xj = [plsc.load_gather(xtab, [jj * 4 + c]) for c in range(4)]
                xd = [a - b for a, b in zip(xi, xj)]
                ps = [v * v for v in xd]
                dq = [a * b for a, b in zip(xi, xj)]
                vals = [xd[0], xd[1], xd[2], xd[3],
                        ps[0] - ps[1] - ps[2] - ps[3],
                        dq[0] - dq[1] - dq[2] - dq[3]]
                rows = lanes + (g * L)
                for c, v in enumerate(vals):
                    colv = jnp.full((L,), c, jnp.int32)
                    plsc.store_scatter(bufa, [rows, colv], v)
            cp.wait()
            cq.wait()

            def add_row(r, _):
                for c in range(hdim // L):
                    s2 = pl.ds(c * L, L)
                    bufp[r, s2] = bufp[r, s2] + bufq[r, s2]
                return 0

            lax.fori_loop(0, CHUNK, add_row, 0)
            pltpu.sync_copy(bufp, g_out.at[pl.ds(base, CHUNK)])
            pltpu.sync_copy(bufa, aux_out.at[pl.ds(base, CHUNK)])
            return 0

        lax.fori_loop(0, nchunks, chunk_body, 0)

    return k(p, q, xflat, iv, jv)


def _psi(v):
    return jnp.sign(v) * jnp.log(jnp.abs(v) + 1.0)


def _stats_tc(g, aux, wn, wd):
    e, hdim = g.shape
    nb = e // BE

    def body(g_ref, a_ref, wn_ref, wd_ref, o_ref):
        @pl.when(pl.program_id(0) == 0)
        def _():
            o_ref[...] = jnp.zeros_like(o_ref)

        gv = g_ref[...]
        nr = a_ref[:, 4:5]
        dr = a_ref[:, 5:6]
        op = gv + _psi(nr) * wn_ref[...] + _psi(dr) * wd_ref[...]
        o_ref[0:1, :] += jnp.sum(op, axis=0, keepdims=True)
        o_ref[1:2, :] += jnp.sum(op * op, axis=0, keepdims=True)

    return pl.pallas_call(
        body,
        grid=(nb,),
        in_specs=[
            pl.BlockSpec((BE, hdim), lambda k: (k, 0)),
            pl.BlockSpec((BE, 8), lambda k: (k, 0)),
            pl.BlockSpec((1, hdim), lambda k: (0, 0)),
            pl.BlockSpec((1, hdim), lambda k: (0, 0)),
        ],
        out_specs=pl.BlockSpec((2, hdim), lambda k: (0, 0)),
        out_shape=jax.ShapeDtypeStruct((2, hdim), jnp.float32),
    )(g, aux, wn, wd)


def _mlp_tc(g, aux, wn, wd, scale, shift, we1t, be1, wm, bm, wx0t, bx0, wx1):
    e, hdim = g.shape
    nb = e // BE

    def body(g_ref, a_ref, wn_ref, wd_ref, sc_ref, sh_ref, w1_ref, b1_ref,
             wm_ref, bm_ref, wx0_ref, bx0_ref, wx1_ref, m_ref, p_ref):
        gv = g_ref[...]
        nr = a_ref[:, 4:5]
        dr = a_ref[:, 5:6]
        op = gv + _psi(nr) * wn_ref[...] + _psi(dr) * wd_ref[...]
        out = jnp.maximum(op * sc_ref[...] + sh_ref[...], 0.0)
        out = jnp.maximum(
            jnp.dot(out, w1_ref[...], preferred_element_type=jnp.float32)
            + b1_ref[...], 0.0)
        wg = jax.nn.sigmoid(
            jnp.sum(out * wm_ref[...], axis=1, keepdims=True) + bm_ref[...])
        m = out * wg
        m_ref[...] = m
        t1 = jnp.maximum(
            jnp.dot(m, wx0_ref[...], preferred_element_type=jnp.float32)
            + bx0_ref[...], 0.0)
        mx = jnp.sum(t1 * wx1_ref[...], axis=1, keepdims=True)
        cols = []
        for c in range(4):
            xc = a_ref[:, c:c + 1]
            cols.append(jnp.clip(xc * mx, -100.0, 100.0))
        one = jnp.ones_like(mx)
        zz = jnp.zeros((mx.shape[0], 123), jnp.float32)
        p_ref[...] = jnp.concatenate(cols + [one, zz], axis=1)

    blk0 = lambda k: (0, 0)
    return pl.pallas_call(
        body,
        grid=(nb,),
        in_specs=[
            pl.BlockSpec((BE, hdim), lambda k: (k, 0)),
            pl.BlockSpec((BE, 8), lambda k: (k, 0)),
            pl.BlockSpec((1, hdim), blk0),
            pl.BlockSpec((1, hdim), blk0),
            pl.BlockSpec((1, hdim), blk0),
            pl.BlockSpec((1, hdim), blk0),
            pl.BlockSpec((hdim, hdim), blk0),
            pl.BlockSpec((1, hdim), blk0),
            pl.BlockSpec((1, hdim), blk0),
            pl.BlockSpec((1, 1), blk0),
            pl.BlockSpec((hdim, hdim), blk0),
            pl.BlockSpec((1, hdim), blk0),
            pl.BlockSpec((1, hdim), blk0),
        ],
        out_specs=[
            pl.BlockSpec((BE, hdim), lambda k: (k, 0)),
            pl.BlockSpec((BE, 128), lambda k: (k, 0)),
        ],
        out_shape=[
            jax.ShapeDtypeStruct((e, hdim), jnp.float32),
            jax.ShapeDtypeStruct((e, 128), jnp.float32),
        ],
    )(g, aux, wn, wd, scale, shift, we1t, be1, wm, bm, wx0t, bx0, wx1)


def _scatter_one_sc(rows_arr, iv_sorted, perm, zrows):
    e, w = rows_arr.shape
    n = zrows.shape[0]
    epw = e // NW
    nchunks = epw // CHUNK
    r_main = (((n + NS - 1) // NS) + 7) // 8 * 8
    r_last = n - (NS - 1) * r_main
    assert r_last > 0 and r_last % 8 == 0

    @functools.partial(
        pl.kernel,
        out_type=jax.ShapeDtypeStruct((NC, n, w), jnp.float32),
        mesh=_mesh(),
        scratch_types=[
            pltpu.VMEM((CHUNK,), jnp.int32),
            pltpu.VMEM((CHUNK,), jnp.int32),
            pltpu.VMEM((CHUNK, w), jnp.float32),
            pltpu.VMEM_SHARED((n, w), jnp.float32),
        ],
        compiler_params=_SC_PARAMS,
    )
    def k(r_hbm, i_hbm, perm_hbm, z_hbm, acc_out, ivb, permb, rbuf, acc):
        cid = lax.axis_index("c")
        sid = lax.axis_index("s")
        wid = sid * NC + cid
        r0 = sid * r_main

        @pl.when(sid < NS - 1)
        def _():
            rows = pl.ds(r0, r_main)
            pltpu.sync_copy(z_hbm.at[rows], acc.at[rows])

        @pl.when(sid == NS - 1)
        def _():
            rows = pl.ds(r0, r_last)
            pltpu.sync_copy(z_hbm.at[rows], acc.at[rows])

        plsc.subcore_barrier()

        base0 = wid * epw

        def chunk_body(kk, _):
            base = base0 + kk * CHUNK
            pltpu.sync_copy(i_hbm.at[pl.ds(base, CHUNK)], ivb)
            pltpu.sync_copy(perm_hbm.at[pl.ds(base, CHUNK)], permb)
            pltpu.sync_copy(r_hbm.at[permb], rbuf)
            pltpu.sync_copy(rbuf, acc.at[ivb], add=True)
            return 0

        lax.fori_loop(0, nchunks, chunk_body, 0)
        plsc.subcore_barrier()

        @pl.when(sid < NS - 1)
        def _():
            rows = pl.ds(r0, r_main)
            pltpu.sync_copy(acc.at[rows], acc_out.at[cid, rows])

        @pl.when(sid == NS - 1)
        def _():
            rows = pl.ds(r0, r_last)
            pltpu.sync_copy(acc.at[rows], acc_out.at[cid, rows])

    return k(rows_arr, iv_sorted, perm, zrows)


def _scatter_sc(m, payload, iv_sorted, perm, zm, zp):
    accm = _scatter_one_sc(m, iv_sorted, perm, zm)
    accp = _scatter_one_sc(payload, iv_sorted, perm, zp)
    return accm, accp


def _node_tc(h, x, node_attr, accm, accp, w0h, w0m, w0a, bh0, gh, bh, wh1t, bh1):
    n, d = h.shape

    def body(h_ref, x_ref, na_ref, am_ref, ap_ref, w0h_ref, w0m_ref, w0a_ref,
             b0_ref, g_ref, b_ref, w1_ref, b1_ref, hn_ref, xn_ref):
        agm = am_ref[0] + am_ref[1]
        ap = ap_ref[0] + ap_ref[1]
        aggs = ap[:, 0:4]
        cnt = ap[:, 4:5]
        xn_ref[...] = x_ref[...] + aggs / jnp.maximum(cnt, 1.0)
        hv = h_ref[...]
        y = (jnp.dot(hv, w0h_ref[...], preferred_element_type=jnp.float32)
             + jnp.dot(agm, w0m_ref[...], preferred_element_type=jnp.float32)
             + jnp.dot(na_ref[...], w0a_ref[...], preferred_element_type=jnp.float32)
             + b0_ref[...])
        mu = jnp.mean(y, axis=0, keepdims=True)
        var = jnp.mean(y * y, axis=0, keepdims=True) - mu * mu
        hh = jnp.maximum(
            (y - mu) * lax.rsqrt(var + 1e-5) * g_ref[...] + b_ref[...], 0.0)
        hn_ref[...] = hv + jnp.dot(
            hh, w1_ref[...], preferred_element_type=jnp.float32) + b1_ref[...]

    return pl.pallas_call(
        body,
        out_shape=[
            jax.ShapeDtypeStruct((n, d), jnp.float32),
            jax.ShapeDtypeStruct((n, 4), jnp.float32),
        ],
    )(h, x, node_attr, accm, accp, w0h, w0m, w0a, bh0, gh, bh, wh1t, bh1)


def kernel(h, x, edges, node_attr, We0, ge, be, We1, be1, Wm, bm,
           Wh0, bh0, gh, bh, Wh1, bh1, Wx0, bx0, Wx1):
    n, d = h.shape
    e = edges.shape[1]
    hdim = We0.shape[0]
    iv = edges[0]
    jv = edges[1]

    wat = We0[:, :d].T
    wbt = We0[:, d:2 * d].T
    wn = We0[:, 2 * d][None, :]
    wd = We0[:, 2 * d + 1][None, :]

    p, q = _pq_tc(h, wat, wbt)
    g, aux = _gather_sc(p, q, x.reshape(-1), iv, jv)
    sums = _stats_tc(g, aux, wn, wd)
    mu = sums[0:1, :] / e
    var = sums[1:2, :] / e - mu * mu
    scale = ge[None, :] / jnp.sqrt(var + 1e-5)
    shift = be[None, :] - mu * scale

    m_arr, payload = _mlp_tc(
        g, aux, wn, wd, scale, shift, We1.T, be1[None, :], Wm,
        bm.reshape(1, 1), Wx0.T, bx0[None, :], Wx1)

    zm = jnp.zeros((n, hdim), jnp.float32)
    zp = jnp.zeros((n, 128), jnp.float32)
    perm = jnp.argsort(iv).astype(jnp.int32)
    iv_sorted = jnp.take(iv, perm)
    accm, accp = _scatter_sc(m_arr, payload, iv_sorted, perm, zm, zp)

    h_new, x_new = _node_tc(
        h, x, node_attr, accm, accp,
        Wh0[:, :d].T, Wh0[:, d:d + hdim].T, Wh0[:, d + hdim:].T,
        bh0[None, :], gh[None, :], bh[None, :], Wh1.T, bh1[None, :])
    return (h_new, x_new, m_arr)

# --- scband reference (transcript-rebuilt; emitter-appended) ---
"""Pipeline reference for scband-lgeb-8770323219157 (READ-ONLY COPY).

The authoritative reference and input builder live on the scoring server;
editing this copy changes nothing except your own understanding.
"""

import jax, jax.numpy as jnp
import numpy as np

N = 10000
E = 320000
D = 128
H = 128
NA = 16

def setup_inputs(seed: int = 0):
    key = jax.random.key(seed)
    ks = jax.random.split(key, 16)
    s = 0.05
    inp = {}
    inp["h"] = jax.random.normal(ks[0], (N, D), jnp.float32)
    inp["x"] = jax.random.normal(ks[1], (N, 4), jnp.float32)
    inp["edges"] = jax.random.randint(ks[2], (2, E), 0, N, jnp.int32)
    inp["node_attr"] = jax.random.normal(ks[3], (N, NA), jnp.float32)
    inp["We0"] = jax.random.normal(ks[4], (H, 2 * D + 2), jnp.float32) * s
    inp["ge"] = jnp.ones((H,), jnp.float32)
    inp["be"] = jnp.zeros((H,), jnp.float32)
    inp["We1"] = jax.random.normal(ks[5], (H, H), jnp.float32) * s
    inp["be1"] = jnp.zeros((H,), jnp.float32)
    inp["Wm"] = jax.random.normal(ks[6], (1, H), jnp.float32) * s
    inp["bm"] = jnp.zeros((1,), jnp.float32)
    inp["Wh0"] = jax.random.normal(ks[7], (H, H + D + NA), jnp.float32) * s
    inp["bh0"] = jnp.zeros((H,), jnp.float32)
    inp["gh"] = jnp.ones((H,), jnp.float32)
    inp["bh"] = jnp.zeros((H,), jnp.float32)
    inp["Wh1"] = jax.random.normal(ks[8], (D, H), jnp.float32) * s
    inp["bh1"] = jnp.zeros((D,), jnp.float32)
    inp["Wx0"] = jax.random.normal(ks[9], (H, H), jnp.float32) * s
    inp["bx0"] = jnp.zeros((H,), jnp.float32)
    inp["Wx1"] = jax.random.normal(ks[10], (1, H), jnp.float32) * 0.001
    return inp

def _psi(p):
    return jnp.sign(p) * jnp.log(jnp.abs(p) + 1.0)

def _bn(y, g, b):
    mu = y.mean(axis=0)
    var = y.var(axis=0)
    return (y - mu) / jnp.sqrt(var + 1e-5) * g + b

def _forward(h, x, node_attr, edges, We0, ge, be, We1, be1, Wm, bm, Wh0, bh0, gh, bh, Wh1, bh1, Wx0, bx0, Wx1):
    n = h.shape[0]
    i = edges[0]
    j = edges[1]
    xi = x[i]
    xj = x[j]
    x_diff = xi - xj
    psq = x_diff * x_diff
    norms = _psi(2.0 * psq[..., 0] - psq.sum(axis=-1))[:, None]
    dsq = xi * xj
    dots = _psi(2.0 * dsq[..., 0] - dsq.sum(axis=-1))[:, None]
    out = jnp.concatenate([h[i], h[j], norms, dots], axis=1)
    out = out @ We0.T
    out = _bn(out, ge, be)
    out = jax.nn.relu(out)
    out = out @ We1.T + be1
    out = jax.nn.relu(out)
    w = jax.nn.sigmoid(out @ Wm.T + bm)
    m = out * w
    mx = jax.nn.relu(m @ Wx0.T + bx0) @ Wx1.T
    trans = jnp.clip(x_diff * mx, -100.0, 100.0)
    agg_sum = jnp.zeros((n, 4), trans.dtype).at[i].add(trans)
    cnt = jnp.zeros((n, 4), trans.dtype).at[i].add(jnp.ones_like(trans))
    x_new = x + (agg_sum / jnp.maximum(cnt, 1.0)) * 1.0
    agg_m = jnp.zeros((n, m.shape[1]), m.dtype).at[i].add(m)
    hh = jnp.concatenate([h, agg_m, node_attr], axis=1)
    hh = hh @ Wh0.T + bh0
    hh = _bn(hh, gh, bh)
    hh = jax.nn.relu(hh)
    hh = hh @ Wh1.T + bh1
    h_new = h + hh
    return (h_new, x_new, m)

def reference(h, x, edges, node_attr, We0, ge, be, We1, be1, Wm, bm, Wh0, bh0, gh, bh, Wh1, bh1, Wx0, bx0, Wx1):
    return _forward(h, x, node_attr, edges, We0, ge, be, We1, be1, Wm, bm, Wh0, bh0, gh, bh, Wh1, bh1, Wx0, bx0, Wx1)

if __name__ == "__main__":
    import jax
    _d = setup_inputs()
    print(jax.jit(kernel)(*tuple(_d.values())))

</pallas_src>

<mosaic_0001>
#map = affine_map<(d0, d1) -> (0, 0)>
#map1 = affine_map<(d0, d1) -> (0)>
module attributes {stable_mosaic.version = 14 : i64} {
  func.func @k(%arg0: i32, %arg1: i32, %arg2: memref<10000x128xf32, #tpu.memory_space<hbm>>, %arg3: memref<10000x128xf32, #tpu.memory_space<hbm>>, %arg4: memref<40000xf32, #tpu.memory_space<hbm>>, %arg5: memref<320000xi32, #tpu.memory_space<hbm>>, %arg6: memref<320000xi32, #tpu.memory_space<hbm>>, %arg7: memref<320000x128xf32, #tpu.memory_space<hbm>>, %arg8: memref<320000x8xf32, #tpu.memory_space<hbm>>, %arg9: memref<40000xf32, #tpu.memory_space<vmem>>, %arg10: memref<80xi32, #tpu.memory_space<vmem>>, %arg11: memref<80xi32, #tpu.memory_space<vmem>>, %arg12: memref<80x128xf32, #tpu.memory_space<vmem>>, %arg13: memref<80x128xf32, #tpu.memory_space<vmem>>, %arg14: memref<80x8xf32, #tpu.memory_space<vmem>>, %arg15: memref<!tpu.dma_semaphore, #tpu.memory_space<semaphore_mem>>, %arg16: memref<!tpu.dma_semaphore, #tpu.memory_space<semaphore_mem>>) attributes {dimension_semantics = [#tpu.dimension_semantics<core_parallel>, #tpu.dimension_semantics<subcore_parallel>], iteration_bounds = array<i64: 2, 16>, scalar_prefetch = 0 : i64, scratch_operands = 8 : i64, tpu.core_type = #tpu.core_type<sc_vector_subcore>, window_params = [{transform_indices = #map}, {transform_indices = #map}, {transform_indices = #map1}, {transform_indices = #map1}, {transform_indices = #map1}, {transform_indices = #map}, {transform_indices = #map}]} {
    %mul3A = arith.constant 2 : i32
    %mul3A_0 = arith.muli %arg1, %mul3A : i32
    %add3A = arith.addi %mul3A_0, %arg0 : i32
    %mul3A_1 = arith.constant 10000 : i32
    %mul3A_2 = arith.muli %add3A, %mul3A_1 : i32
    "tpu.region"() ({
      %run_scoped3A = tpu.sem_alloc : memref<!tpu.dma_semaphore, #tpu.memory_space<semaphore_mem>>
      tpu.enqueue_dma source(%arg4 : memref<40000xf32, #tpu.memory_space<hbm>>) target(%arg9 : memref<40000xf32, #tpu.memory_space<vmem>>) target_semaphore(%run_scoped3A : memref<!tpu.dma_semaphore, #tpu.memory_space<semaphore_mem>>)
      tpu.wait_dma2 semaphore(%run_scoped3A : memref<!tpu.dma_semaphore, #tpu.memory_space<semaphore_mem>>) src(%arg4 : memref<40000xf32, #tpu.memory_space<hbm>>) dst(%arg9 : memref<40000xf32, #tpu.memory_space<vmem>>)
      tpu.yield
    }) : () -> ()
    %iota3A = tpu.iota {dimensions = array<i32: 0>} : vector<16xi32>
    %scan3A = arith.constant 0 : i32
    %scan3A_3 = arith.constant 0 : i32
    %scan3A_4 = arith.constant 125 : i32
    %scan3A_5 = arith.addi %scan3A_3, %scan3A_4 : i32
    %scan3A_6 = arith.constant 1 : i32
    %scan3A_7 = scf.for %scan3A_9 = %scan3A_3 to %scan3A_5 step %scan3A_6 iter_args(%scan3A_10 = %scan3A) -> (i32)  : i32 {
      %mul3A_11 = arith.constant 80 : i32
      %mul3A_12 = arith.muli %scan3A_9, %mul3A_11 : i32
      %add3A_13 = arith.addi %mul3A_2, %mul3A_12 : i32
      "tpu.region"() ({
        %run_scoped3A = tpu.sem_alloc : memref<!tpu.dma_semaphore, #tpu.memory_space<semaphore_mem>>
        %dma_start3A_493 = tpu.memref_slice %arg5[%add3A_13] : memref<320000xi32, #tpu.memory_space<hbm>> -> memref<80xi32, #tpu.memory_space<hbm>>
        %dma_start3A_494 = tpu.memref_slice %arg5[%add3A_13] : memref<320000xi32, #tpu.memory_space<hbm>> -> memref<80xi32, #tpu.memory_space<hbm>>
        tpu.enqueue_dma source(%dma_start3A_494 : memref<80xi32, #tpu.memory_space<hbm>>) target(%arg10 : memref<80xi32, #tpu.memory_space<vmem>>) target_semaphore(%run_scoped3A : memref<!tpu.dma_semaphore, #tpu.memory_space<semaphore_mem>>)
        %dma_wait3A_495 = tpu.memref_slice %arg5[%add3A_13] : memref<320000xi32, #tpu.memory_space<hbm>> -> memref<80xi32, #tpu.memory_space<hbm>>
        %dma_wait3A_496 = tpu.memref_slice %arg5[%add3A_13] : memref<320000xi32, #tpu.memory_space<hbm>> -> memref<80xi32, #tpu.memory_space<hbm>>
        tpu.wait_dma2 semaphore(%run_scoped3A : memref<!tpu.dma_semaphore, #tpu.memory_space<semaphore_mem>>) src(%dma_wait3A_496 : memref<80xi32, #tpu.memory_space<hbm>>) dst(%arg10 : memref<80xi32, #tpu.memory_space<vmem>>)
        tpu.yield
      }) : () -> ()
      "tpu.region"() ({
        %run_scoped3A = tpu.sem_alloc : memref<!tpu.dma_semaphore, #tpu.memory_space<semaphore_mem>>
        %dma_start3A_493 = tpu.memref_slice %arg6[%add3A_13] : memref<320000xi32, #tpu.memory_space<hbm>> -> memref<80xi32, #tpu.memory_space<hbm>>
        %dma_start3A_494 = tpu.memref_slice %arg6[%add3A_13] : memref<320000xi32, #tpu.memory_space<hbm>> -> memref<80xi32, #tpu.memory_space<hbm>>
        tpu.enqueue_dma source(%dma_start3A_494 : memref<80xi32, #tpu.memory_space<hbm>>) target(%arg11 : memref<80xi32, #tpu.memory_space<vmem>>) target_semaphore(%run_scoped3A : memref<!tpu.dma_semaphore, #tpu.memory_space<semaphore_mem>>)
        %dma_wait3A_495 = tpu.memref_slice %arg6[%add3A_13] : memref<320000xi32, #tpu.memory_space<hbm>> -> memref<80xi32, #tpu.memory_space<hbm>>
        %dma_wait3A_496 = tpu.memref_slice %arg6[%add3A_13] : memref<320000xi32, #tpu.memory_space<hbm>> -> memref<80xi32, #tpu.memory_space<hbm>>
        tpu.wait_dma2 semaphore(%run_scoped3A : memref<!tpu.dma_semaphore, #tpu.memory_space<semaphore_mem>>) src(%dma_wait3A_496 : memref<80xi32, #tpu.memory_space<hbm>>) dst(%arg11 : memref<80xi32, #tpu.memory_space<vmem>>)
        tpu.yield
      }) : () -> ()
      %dma_start3A = arith.constant 0 : i32
      %dma_start3A_14 = arith.constant 0 : i32
      %dma_start3A_15 = tpu.memref_slice %arg2[%dma_start3A, %dma_start3A_14] : memref<10000x128xf32, #tpu.memory_space<hbm>> -> memref<10000x128xf32, #tpu.memory_space<hbm>>
      tpu.enqueue_indirect_dma source(%dma_start3A_15 : memref<10000x128xf32, #tpu.memory_space<hbm>>) target(%arg12 : memref<80x128xf32, #tpu.memory_space<vmem>>) offsets(%arg10 : memref<80xi32, #tpu.memory_space<vmem>>) semaphore(%arg15 : memref<!tpu.dma_semaphore, #tpu.memory_space<semaphore_mem>>)
      %dma_start3A_16 = arith.constant 0 : i32
      %dma_start3A_17 = arith.constant 0 : i32
      %dma_start3A_18 = tpu.memref_slice %arg3[%dma_start3A_16, %dma_start3A_17] : memref<10000x128xf32, #tpu.memory_space<hbm>> -> memref<10000x128xf32, #tpu.memory_space<hbm>>
      tpu.enqueue_indirect_dma source(%dma_start3A_18 : memref<10000x128xf32, #tpu.memory_space<hbm>>) target(%arg13 : memref<80x128xf32, #tpu.memory_space<vmem>>) offsets(%arg11 : memref<80xi32, #tpu.memory_space<vmem>>) semaphore(%arg16 : memref<!tpu.dma_semaphore, #tpu.memory_space<semaphore_mem>>)
      %get3A = arith.constant 0 : index
      %get3A_19 = tpu.vector_load %arg10[%get3A] {strides = array<i32>} : memref<80xi32, #tpu.memory_space<vmem>>, vector<16xi32>,
      %get3A_20 = arith.constant 0 : index
      %get3A_21 = tpu.vector_load %arg11[%get3A_20] {strides = array<i32>} : memref<80xi32, #tpu.memory_space<vmem>>, vector<16xi32>,
      %mul3A_22 = arith.constant 4 : i32
      %mul3A_23 = vector.broadcast %mul3A_22 : i32 to vector<16xi32>
      %mul3A_24 = arith.muli %get3A_19, %mul3A_23 : vector<16xi32>
      %add3A_25 = arith.constant 0 : i32
      %add3A_26 = vector.broadcast %add3A_25 : i32 to vector<16xi32>
      %add3A_27 = arith.addi %mul3A_24, %add3A_26 : vector<16xi32>
      %gather3A = tpu.vector_load_idx %arg9[%add3A_27] : memref<40000xf32, #tpu.memory_space<vmem>>[vector<16xi32>], vector<16xf32>,
      %mul3A_28 = arith.constant 4 : i32
      %mul3A_29 = vector.broadcast %mul3A_28 : i32 to vector<16xi32>
      %mul3A_30 = arith.muli %get3A_19, %mul3A_29 : vector<16xi32>
      %add3A_31 = arith.constant 1 : i32
      %add3A_32 = vector.broadcast %add3A_31 : i32 to vector<16xi32>
      %add3A_33 = arith.addi %mul3A_30, %add3A_32 : vector<16xi32>
      %gather3A_34 = tpu.vector_load_idx %arg9[%add3A_33] : memref<40000xf32, #tpu.memory_space<vmem>>[vector<16xi32>], vector<16xf32>,
      %mul3A_35 = arith.constant 4 : i32
      %mul3A_36 = vector.broadcast %mul3A_35 : i32 to vector<16xi32>
      %mul3A_37 = arith.muli %get3A_19, %mul3A_36 : vector<16xi32>
      %add3A_38 = arith.constant 2 : i32
      %add3A_39 = vector.broadcast %add3A_38 : i32 to vector<16xi32>
      %add3A_40 = arith.addi %mul3A_37, %add3A_39 : vector<16xi32>
      %gather3A_41 = tpu.vector_load_idx %arg9[%add3A_40] : memref<40000xf32, #tpu.memory_space<vmem>>[vector<16xi32>], vector<16xf32>,
      %mul3A_42 = arith.constant 4 : i32
      %mul3A_43 = vector.broadcast %mul3A_42 : i32 to vector<16xi32>
      %mul3A_44 = arith.muli %get3A_19, %mul3A_43 : vector<16xi32>
      %add3A_45 = arith.constant 3 : i32
      %add3A_46 = vector.broadcast %add3A_45 : i32 to vector<16xi32>
      %add3A_47 = arith.addi %mul3A_44, %add3A_46 : vector<16xi32>
      %gather3A_48 = tpu.vector_load_idx %arg9[%add3A_47] : memref<40000xf32, #tpu.memory_space<vmem>>[vector<16xi32>], vector<16xf32>,
      %mul3A_49 = arith.constant 4 : i32
      %mul3A_50 = vector.broadcast %mul3A_49 : i32 to vector<16xi32>
      %mul3A_51 = arith.muli %get3A_21, %mul3A_50 : vector<16xi32>
      %add3A_52 = arith.constant 0 : i32
      %add3A_53 = vector.broadcast %add3A_52 : i32 to vector<16xi32>
      %add3A_54 = arith.addi %mul3A_51, %add3A_53 : vector<16xi32>
      %gather3A_55 = tpu.vector_load_idx %arg9[%add3A_54] : memref<40000xf32, #tpu.memory_space<vmem>>[vector<16xi32>], vector<16xf32>,
      %mul3A_56 = arith.constant 4 : i32
      %mul3A_57 = vector.broadcast %mul3A_56 : i32 to vector<16xi32>
      %mul3A_58 = arith.muli %get3A_21, %mul3A_57 : vector<16xi32>
      %add3A_59 = arith.constant 1 : i32
      %add3A_60 = vector.broadcast %add3A_59 : i32 to vector<16xi32>
      %add3A_61 = arith.addi %mul3A_58, %add3A_60 : vector<16xi32>
      %gather3A_62 = tpu.vector_load_idx %arg9[%add3A_61] : memref<40000xf32, #tpu.memory_space<vmem>>[vector<16xi32>], vector<16xf32>,
      %mul3A_63 = arith.constant 4 : i32
      %mul3A_64 = vector.broadcast %mul3A_63 : i32 to vector<16xi32>
      %mul3A_65 = arith.muli %get3A_21, %mul3A_64 : vector<16xi32>
      %add3A_66 = arith.constant 2 : i32
      %add3A_67 = vector.broadcast %add3A_66 : i32 to vector<16xi32>
      %add3A_68 = arith.addi %mul3A_65, %add3A_67 : vector<16xi32>
      %gather3A_69 = tpu.vector_load_idx %arg9[%add3A_68] : memref<40000xf32, #tpu.memory_space<vmem>>[vector<16xi32>], vector<16xf32>,
      %mul3A_70 = arith.constant 4 : i32
      %mul3A_71 = vector.broadcast %mul3A_70 : i32 to vector<16xi32>
      %mul3A_72 = arith.muli %get3A_21, %mul3A_71 : vector<16xi32>
      %add3A_73 = arith.constant 3 : i32
      %add3A_74 = vector.broadcast %add3A_73 : i32 to vector<16xi32>
      %add3A_75 = arith.addi %mul3A_72, %add3A_74 : vector<16xi32>
      %gather3A_76 = tpu.vector_load_idx %arg9[%add3A_75] : memref<40000xf32, #tpu.memory_space<vmem>>[vector<16xi32>], vector<16xf32>,
      %sub3A = arith.subf %gather3A, %gather3A_55 : vector<16xf32>
      %sub3A_77 = arith.subf %gather3A_34, %gather3A_62 : vector<16xf32>
      %sub3A_78 = arith.subf %gather3A_41, %gather3A_69 : vector<16xf32>
      %sub3A_79 = arith.subf %gather3A_48, %gather3A_76 : vector<16xf32>
      %mul3A_80 = arith.mulf %sub3A, %sub3A : vector<16xf32>
      %mul3A_81 = arith.mulf %sub3A_77, %sub3A_77 : vector<16xf32>
      %mul3A_82 = arith.mulf %sub3A_78, %sub3A_78 : vector<16xf32>
      %mul3A_83 = arith.mulf %sub3A_79, %sub3A_79 : vector<16xf32>
      %mul3A_84 = arith.mulf %gather3A, %gather3A_55 : vector<16xf32>
      %mul3A_85 = arith.mulf %gather3A_34, %gather3A_62 : vector<16xf32>
      %mul3A_86 = arith.mulf %gather3A_41, %gather3A_69 : vector<16xf32>
      %mul3A_87 = arith.mulf %gather3A_48, %gather3A_76 : vector<16xf32>
      %sub3A_88 = arith.subf %mul3A_80, %mul3A_81 : vector<16xf32>
      %sub3A_89 = arith.subf %sub3A_88, %mul3A_82 : vector<16xf32>
      %sub3A_90 = arith.subf %sub3A_89, %mul3A_83 : vector<16xf32>
      %sub3A_91 = arith.subf %mul3A_84, %mul3A_85 : vector<16xf32>
      %sub3A_92 = arith.subf %sub3A_91, %mul3A_86 : vector<16xf32>
      %sub3A_93 = arith.subf %sub3A_92, %mul3A_87 : vector<16xf32>
      %add3A_94 = arith.constant 0 : i32
      %add3A_95 = vector.broadcast %add3A_94 : i32 to vector<16xi32>
      %add3A_96 = arith.addi %iota3A, %add3A_95 : vector<16xi32>
      %broadcast_in_dim3A = arith.constant 0 : i32
      %broadcast_in_dim3A_97 = vector.broadcast %broadcast_in_dim3A : i32 to vector<16xi32>
      tpu.vector_store_idx %arg14[%add3A_96, %broadcast_in_dim3A_97], %sub3A : memref<80x8xf32, #tpu.memory_space<vmem>>[vector<16xi32>, vector<16xi32>], vector<16xf32>,
      %broadcast_in_dim3A_98 = arith.constant 1 : i32
      %broadcast_in_dim3A_99 = vector.broadcast %broadcast_in_dim3A_98 : i32 to vector<16xi32>
      tpu.vector_store_idx %arg14[%add3A_96, %broadcast_in_dim3A_99], %sub3A_77 : memref<80x8xf32, #tpu.memory_space<vmem>>[vector<16xi32>, vector<16xi32>], vector<16xf32>,
      %broadcast_in_dim3A_100 = arith.constant 2 : i32
      %broadcast_in_dim3A_101 = vector.broadcast %broadcast_in_dim3A_100 : i32 to vector<16xi32>
      tpu.vector_store_idx %arg14[%add3A_96, %broadcast_in_dim3A_101], %sub3A_78 : memref<80x8xf32, #tpu.memory_space<vmem>>[vector<16xi32>, vector<16xi32>], vector<16xf32>,
      %broadcast_in_dim3A_102 = arith.constant 3 : i32
      %broadcast_in_dim3A_103 = vector.broadcast %broadcast_in_dim3A_102 : i32 to vector<16xi32>
      tpu.vector_store_idx %arg14[%add3A_96, %broadcast_in_dim3A_103], %sub3A_79 : memref<80x8xf32, #tpu.memory_space<vmem>>[vector<16xi32>, vector<16xi32>], vector<16xf32>,
      %broadcast_in_dim3A_104 = arith.constant 4 : i32
      %broadcast_in_dim3A_105 = vector.broadcast %broadcast_in_dim3A_104 : i32 to vector<16xi32>
      tpu.vector_store_idx %arg14[%add3A_96, %broadcast_in_dim3A_105], %sub3A_90 : memref<80x8xf32, #tpu.memory_space<vmem>>[vector<16xi32>, vector<16xi32>], vector<16xf32>,
      %broadcast_in_dim3A_106 = arith.constant 5 : i32
      %broadcast_in_dim3A_107 = vector.broadcast %broadcast_in_dim3A_106 : i32 to vector<16xi32>
      tpu.vector_store_idx %arg14[%add3A_96, %broadcast_in_dim3A_107], %sub3A_93 : memref<80x8xf32, #tpu.memory_space<vmem>>[vector<16xi32>, vector<16xi32>], vector<16xf32>,
      %get3A_108 = arith.constant 16 : index
      %get3A_109 = tpu.vector_load %arg10[%get3A_108] {strides = array<i32>} : memref<80xi32, #tpu.memory_space<vmem>>, vector<16xi32>,
      %get3A_110 = arith.constant 16 : index
      %get3A_111 = tpu.vector_load %arg11[%get3A_110] {strides = array<i32>} : memref<80xi32, #tpu.memory_space<vmem>>, vector<16xi32>,
      %mul3A_112 = arith.constant 4 : i32
      %mul3A_113 = vector.broadcast %mul3A_112 : i32 to vector<16xi32>
      %mul3A_114 = arith.muli %get3A_109, %mul3A_113 : vector<16xi32>
      %add3A_115 = arith.constant 0 : i32
      %add3A_116 = vector.broadcast %add3A_115 : i32 to vector<16xi32>
      %add3A_117 = arith.addi %mul3A_114, %add3A_116 : vector<16xi32>
      %gather3A_118 = tpu.vector_load_idx %arg9[%add3A_117] : memref<40000xf32, #tpu.memory_space<vmem>>[vector<16xi32>], vector<16xf32>,
      %mul3A_119 = arith.constant 4 : i32
      %mul3A_120 = vector.broadcast %mul3A_119 : i32 to vector<16xi32>
      %mul3A_121 = arith.muli %get3A_109, %mul3A_120 : vector<16xi32>
      %add3A_122 = arith.constant 1 : i32
      %add3A_123 = vector.broadcast %add3A_122 : i32 to vector<16xi32>
      %add3A_124 = arith.addi %mul3A_121, %add3A_123 : vector<16xi32>
      %gather3A_125 = tpu.vector_load_idx %arg9[%add3A_124] : memref<40000xf32, #tpu.memory_space<vmem>>[vector<16xi32>], vector<16xf32>,
      %mul3A_126 = arith.constant 4 : i32
      %mul3A_127 = vector.broadcast %mul3A_126 : i32 to vector<16xi32>
      %mul3A_128 = arith.muli %get3A_109, %mul3A_127 : vector<16xi32>
      %add3A_129 = arith.constant 2 : i32
      %add3A_130 = vector.broadcast %add3A_129 : i32 to vector<16xi32>
      %add3A_131 = arith.addi %mul3A_128, %add3A_130 : vector<16xi32>
      %gather3A_132 = tpu.vector_load_idx %arg9[%add3A_131] : memref<40000xf32, #tpu.memory_space<vmem>>[vector<16xi32>], vector<16xf32>,
      %mul3A_133 = arith.constant 4 : i32
      %mul3A_134 = vector.broadcast %mul3A_133 : i32 to vector<16xi32>
      %mul3A_135 = arith.muli %get3A_109, %mul3A_134 : vector<16xi32>
      %add3A_136 = arith.constant 3 : i32
      %add3A_137 = vector.broadcast %add3A_136 : i32 to vector<16xi32>
      %add3A_138 = arith.addi %mul3A_135, %add3A_137 : vector<16xi32>
      %gather3A_139 = tpu.vector_load_idx %arg9[%add3A_138] : memref<40000xf32, #tpu.memory_space<vmem>>[vector<16xi32>], vector<16xf32>,
      %mul3A_140 = arith.constant 4 : i32
      %mul3A_141 = vector.broadcast %mul3A_140 : i32 to vector<16xi32>
      %mul3A_142 = arith.muli %get3A_111, %mul3A_141 : vector<16xi32>
      %add3A_143 = arith.constant 0 : i32
      %add3A_144 = vector.broadcast %add3A_143 : i32 to vector<16xi32>
      %add3A_145 = arith.addi %mul3A_142, %add3A_144 : vector<16xi32>
      %gather3A_146 = tpu.vector_load_idx %arg9[%add3A_145] : memref<40000xf32, #tpu.memory_space<vmem>>[vector<16xi32>], vector<16xf32>,
      %mul3A_147 = arith.constant 4 : i32
      %mul3A_148 = vector.broadcast %mul3A_147 : i32 to vector<16xi32>
      %mul3A_149 = arith.muli %get3A_111, %mul3A_148 : vector<16xi32>
      %add3A_150 = arith.constant 1 : i32
      %add3A_151 = vector.broadcast %add3A_150 : i32 to vector<16xi32>
      %add3A_152 = arith.addi %mul3A_149, %add3A_151 : vector<16xi32>
      %gather3A_153 = tpu.vector_load_idx %arg9[%add3A_152] : memref<40000xf32, #tpu.memory_space<vmem>>[vector<16xi32>], vector<16xf32>,
      %mul3A_154 = arith.constant 4 : i32
      %mul3A_155 = vector.broadcast %mul3A_154 : i32 to vector<16xi32>
      %mul3A_156 = arith.muli %get3A_111, %mul3A_155 : vector<16xi32>
      %add3A_157 = arith.constant 2 : i32
      %add3A_158 = vector.broadcast %add3A_157 : i32 to vector<16xi32>
      %add3A_159 = arith.addi %mul3A_156, %add3A_158 : vector<16xi32>
      %gather3A_160 = tpu.vector_load_idx %arg9[%add3A_159] : memref<40000xf32, #tpu.memory_space<vmem>>[vector<16xi32>], vector<16xf32>,
      %mul3A_161 = arith.constant 4 : i32
      %mul3A_162 = vector.broadcast %mul3A_161 : i32 to vector<16xi32>
      %mul3A_163 = arith.muli %get3A_111, %mul3A_162 : vector<16xi32>
      %add3A_164 = arith.constant 3 : i32
      %add3A_165 = vector.broadcast %add3A_164 : i32 to vector<16xi32>
      %add3A_166 = arith.addi %mul3A_163, %add3A_165 : vector<16xi32>
      %gather3A_167 = tpu.vector_load_idx %arg9[%add3A_166] : memref<40000xf32, #tpu.memory_space<vmem>>[vector<16xi32>], vector<16xf32>,
      %sub3A_168 = arith.subf %gather3A_118, %gather3A_146 : vector<16xf32>
      %sub3A_169 = arith.subf %gather3A_125, %gather3A_153 : vector<16xf32>
      %sub3A_170 = arith.subf %gather3A_132, %gather3A_160 : vector<16xf32>
      %sub3A_171 = arith.subf %gather3A_139, %gather3A_167 : vector<16xf32>
      %mul3A_172 = arith.mulf %sub3A_168, %sub3A_168 : vector<16xf32>
      %mul3A_173 = arith.mulf %sub3A_169, %sub3A_169 : vector<16xf32>
      %mul3A_174 = arith.mulf %sub3A_170, %sub3A_170 : vector<16xf32>
      %mul3A_175 = arith.mulf %sub3A_171, %sub3A_171 : vector<16xf32>
      %mul3A_176 = arith.mulf %gather3A_118, %gather3A_146 : vector<16xf32>
      %mul3A_177 = arith.mulf %gather3A_125, %gather3A_153 : vector<16xf32>
      %mul3A_178 = arith.mulf %gather3A_132, %gather3A_160 : vector<16xf32>
      %mul3A_179 = arith.mulf %gather3A_139, %gather3A_167 : vector<16xf32>
      %sub3A_180 = arith.subf %mul3A_172, %mul3A_173 : vector<16xf32>
      %sub3A_181 = arith.subf %sub3A_180, %mul3A_174 : vector<16xf32>
      %sub3A_182 = arith.subf %sub3A_181, %mul3A_175 : vector<16xf32>
      %sub3A_183 = arith.subf %mul3A_176, %mul3A_177 : vector<16xf32>
      %sub3A_184 = arith.subf %sub3A_183, %mul3A_178 : vector<16xf32>
      %sub3A_185 = arith.subf %sub3A_184, %mul3A_179 : vector<16xf32>
      %add3A_186 = arith.constant 16 : i32
      %add3A_187 = vector.broadcast %add3A_186 : i32 to vector<16xi32>
      %add3A_188 = arith.addi %iota3A, %add3A_187 : vector<16xi32>
      %broadcast_in_dim3A_189 = arith.constant 0 : i32
      %broadcast_in_dim3A_190 = vector.broadcast %broadcast_in_dim3A_189 : i32 to vector<16xi32>
      tpu.vector_store_idx %arg14[%add3A_188, %broadcast_in_dim3A_190], %sub3A_168 : memref<80x8xf32, #tpu.memory_space<vmem>>[vector<16xi32>, vector<16xi32>], vector<16xf32>,
      %broadcast_in_dim3A_191 = arith.constant 1 : i32
      %broadcast_in_dim3A_192 = vector.broadcast %broadcast_in_dim3A_191 : i32 to vector<16xi32>
      tpu.vector_store_idx %arg14[%add3A_188, %broadcast_in_dim3A_192], %sub3A_169 : memref<80x8xf32, #tpu.memory_space<vmem>>[vector<16xi32>, vector<16xi32>], vector<16xf32>,
      %broadcast_in_dim3A_193 = arith.constant 2 : i32
      %broadcast_in_dim3A_194 = vector.broadcast %broadcast_in_dim3A_193 : i32 to vector<16xi32>
      tpu.vector_store_idx %arg14[%add3A_188, %broadcast_in_dim3A_194], %sub3A_170 : memref<80x8xf32, #tpu.memory_space<vmem>>[vector<16xi32>, vector<16xi32>], vector<16xf32>,
      %broadcast_in_dim3A_195 = arith.constant 3 : i32
      %broadcast_in_dim3A_196 = vector.broadcast %broadcast_in_dim3A_195 : i32 to vector<16xi32>
      tpu.vector_store_idx %arg14[%add3A_188, %broadcast_in_dim3A_196], %sub3A_171 : memref<80x8xf32, #tpu.memory_space<vmem>>[vector<16xi32>, vector<16xi32>], vector<16xf32>,
      %broadcast_in_dim3A_197 = arith.constant 4 : i32
      %broadcast_in_dim3A_198 = vector.broadcast %broadcast_in_dim3A_197 : i32 to vector<16xi32>
      tpu.vector_store_idx %arg14[%add3A_188, %broadcast_in_dim3A_198], %sub3A_182 : memref<80x8xf32, #tpu.memory_space<vmem>>[vector<16xi32>, vector<16xi32>], vector<16xf32>,
      %broadcast_in_dim3A_199 = arith.constant 5 : i32
      %broadcast_in_dim3A_200 = vector.broadcast %broadcast_in_dim3A_199 : i32 to vector<16xi32>
      tpu.vector_store_idx %arg14[%add3A_188, %broadcast_in_dim3A_200], %sub3A_185 : memref<80x8xf32, #tpu.memory_space<vmem>>[vector<16xi32>, vector<16xi32>], vector<16xf32>,
      %get3A_201 = arith.constant 32 : index
      %get3A_202 = tpu.vector_load %arg10[%get3A_201] {strides = array<i32>} : memref<80xi32, #tpu.memory_space<vmem>>, vector<16xi32>,
      %get3A_203 = arith.constant 32 : index
      %get3A_204 = tpu.vector_load %arg11[%get3A_203] {strides = array<i32>} : memref<80xi32, #tpu.memory_space<vmem>>, vector<16xi32>,
      %mul3A_205 = arith.constant 4 : i32
      %mul3A_206 = vector.broadcast %mul3A_205 : i32 to vector<16xi32>
      %mul3A_207 = arith.muli %get3A_202, %mul3A_206 : vector<16xi32>
      %add3A_208 = arith.constant 0 : i32
      %add3A_209 = vector.broadcast %add3A_208 : i32 to vector<16xi32>
      %add3A_210 = arith.addi %mul3A_207, %add3A_209 : vector<16xi32>
      %gather3A_211 = tpu.vector_load_idx %arg9[%add3A_210] : memref<40000xf32, #tpu.memory_space<vmem>>[vector<16xi32>], vector<16xf32>,
      %mul3A_212 = arith.constant 4 : i32
      %mul3A_213 = vector.broadcast %mul3A_212 : i32 to vector<16xi32>
      %mul3A_214 = arith.muli %get3A_202, %mul3A_213 : vector<16xi32>
      %add3A_215 = arith.constant 1 : i32
      %add3A_216 = vector.broadcast %add3A_215 : i32 to vector<16xi32>
      %add3A_217 = arith.addi %mul3A_214, %add3A_216 : vector<16xi32>
      %gather3A_218 = tpu.vector_load_idx %arg9[%add3A_217] : memref<40000xf32, #tpu.memory_space<vmem>>[vector<16xi32>], vector<16xf32>,
      %mul3A_219 = arith.constant 4 : i32
      %mul3A_220 = vector.broadcast %mul3A_219 : i32 to vector<16xi32>
      %mul3A_221 = arith.muli %get3A_202, %mul3A_220 : vector<16xi32>
      %add3A_222 = arith.constant 2 : i32
      %add3A_223 = vector.broadcast %add3A_222 : i32 to vector<16xi32>
      %add3A_224 = arith.addi %mul3A_221, %add3A_223 : vector<16xi32>
      %gather3A_225 = tpu.vector_load_idx %arg9[%add3A_224] : memref<40000xf32, #tpu.memory_space<vmem>>[vector<16xi32>], vector<16xf32>,
      %mul3A_226 = arith.constant 4 : i32
      %mul3A_227 = vector.broadcast %mul3A_226 : i32 to vector<16xi32>
      %mul3A_228 = arith.muli %get3A_202, %mul3A_227 : vector<16xi32>
      %add3A_229 = arith.constant 3 : i32
      %add3A_230 = vector.broadcast %add3A_229 : i32 to vector<16xi32>
      %add3A_231 = arith.addi %mul3A_228, %add3A_230 : vector<16xi32>
      %gather3A_232 = tpu.vector_load_idx %arg9[%add3A_231] : memref<40000xf32, #tpu.memory_space<vmem>>[vector<16xi32>], vector<16xf32>,
      %mul3A_233 = arith.constant 4 : i32
      %mul3A_234 = vector.broadcast %mul3A_233 : i32 to vector<16xi32>
      %mul3A_235 = arith.muli %get3A_204, %mul3A_234 : vector<16xi32>
      %add3A_236 = arith.constant 0 : i32
      %add3A_237 = vector.broadcast %add3A_236 : i32 to vector<16xi32>
      %add3A_238 = arith.addi %mul3A_235, %add3A_237 : vector<16xi32>
      %gather3A_239 = tpu.vector_load_idx %arg9[%add3A_238] : memref<40000xf32, #tpu.memory_space<vmem>>[vector<16xi32>], vector<16xf32>,
      %mul3A_240 = arith.constant 4 : i32
      %mul3A_241 = vector.broadcast %mul3A_240 : i32 to vector<16xi32>
      %mul3A_242 = arith.muli %get3A_204, %mul3A_241 : vector<16xi32>
      %add3A_243 = arith.constant 1 : i32
      %add3A_244 = vector.broadcast %add3A_243 : i32 to vector<16xi32>
      %add3A_245 = arith.addi %mul3A_242, %add3A_244 : vector<16xi32>
      %gather3A_246 = tpu.vector_load_idx %arg9[%add3A_245] : memref<40000xf32, #tpu.memory_space<vmem>>[vector<16xi32>], vector<16xf32>,
      %mul3A_247 = arith.constant 4 : i32
      %mul3A_248 = vector.broadcast %mul3A_247 : i32 to vector<16xi32>
      %mul3A_249 = arith.muli %get3A_204, %mul3A_248 : vector<16xi32>
      %add3A_250 = arith.constant 2 : i32
      %add3A_251 = vector.broadcast %add3A_250 : i32 to vector<16xi32>
      %add3A_252 = arith.addi %mul3A_249, %add3A_251 : vector<16xi32>
      %gather3A_253 = tpu.vector_load_idx %arg9[%add3A_252] : memref<40000xf32, #tpu.memory_space<vmem>>[vector<16xi32>], vector<16xf32>,
      %mul3A_254 = arith.constant 4 : i32
      %mul3A_255 = vector.broadcast %mul3A_254 : i32 to vector<16xi32>
      %mul3A_256 = arith.muli %get3A_204, %mul3A_255 : vector<16xi32>
      %add3A_257 = arith.constant 3 : i32
      %add3A_258 = vector.broadcast %add3A_257 : i32 to vector<16xi32>
      %add3A_259 = arith.addi %mul3A_256, %add3A_258 : vector<16xi32>
      %gather3A_260 = tpu.vector_load_idx %arg9[%add3A_259] : memref<40000xf32, #tpu.memory_space<vmem>>[vector<16xi32>], vector<16xf32>,
      %sub3A_261 = arith.subf %gather3A_211, %gather3A_239 : vector<16xf32>
      %sub3A_262 = arith.subf %gather3A_218, %gather3A_246 : vector<16xf32>
      %sub3A_263 = arith.subf %gather3A_225, %gather3A_253 : vector<16xf32>
      %sub3A_264 = arith.subf %gather3A_232, %gather3A_260 : vector<16xf32>
      %mul3A_265 = arith.mulf %sub3A_261, %sub3A_261 : vector<16xf32>
      %mul3A_266 = arith.mulf %sub3A_262, %sub3A_262 : vector<16xf32>
      %mul3A_267 = arith.mulf %sub3A_263, %sub3A_263 : vector<16xf32>
      %mul3A_268 = arith.mulf %sub3A_264, %sub3A_264 : vector<16xf32>
      %mul3A_269 = arith.mulf %gather3A_211, %gather3A_239 : vector<16xf32>
      %mul3A_270 = arith.mulf %gather3A_218, %gather3A_246 : vector<16xf32>
      %mul3A_271 = arith.mulf %gather3A_225, %gather3A_253 : vector<16xf32>
      %mul3A_272 = arith.mulf %gather3A_232, %gather3A_260 : vector<16xf32>
      %sub3A_273 = arith.subf %mul3A_265, %mul3A_266 : vector<16xf32>
      %sub3A_274 = arith.subf %sub3A_273, %mul3A_267 : vector<16xf32>
      %sub3A_275 = arith.subf %sub3A_274, %mul3A_268 : vector<16xf32>
      %sub3A_276 = arith.subf %mul3A_269, %mul3A_270 : vector<16xf32>
      %sub3A_277 = arith.subf %sub3A_276, %mul3A_271 : vector<16xf32>
      %sub3A_278 = arith.subf %sub3A_277, %mul3A_272 : vector<16xf32>
      %add3A_279 = arith.constant 32 : i32
      %add3A_280 = vector.broadcast %add3A_279 : i32 to vector<16xi32>
      %add3A_281 = arith.addi %iota3A, %add3A_280 : vector<16xi32>
      %broadcast_in_dim3A_282 = arith.constant 0 : i32
      %broadcast_in_dim3A_283 = vector.broadcast %broadcast_in_dim3A_282 : i32 to vector<16xi32>
      tpu.vector_store_idx %arg14[%add3A_281, %broadcast_in_dim3A_283], %sub3A_261 : memref<80x8xf32, #tpu.memory_space<vmem>>[vector<16xi32>, vector<16xi32>], vector<16xf32>,
      %broadcast_in_dim3A_284 = arith.constant 1 : i32
      %broadcast_in_dim3A_285 = vector.broadcast %broadcast_in_dim3A_284 : i32 to vector<16xi32>
      tpu.vector_store_idx %arg14[%add3A_281, %broadcast_in_dim3A_285], %sub3A_262 : memref<80x8xf32, #tpu.memory_space<vmem>>[vector<16xi32>, vector<16xi32>], vector<16xf32>,
      %broadcast_in_dim3A_286 = arith.constant 2 : i32
      %broadcast_in_dim3A_287 = vector.broadcast %broadcast_in_dim3A_286 : i32 to vector<16xi32>
      tpu.vector_store_idx %arg14[%add3A_281, %broadcast_in_dim3A_287], %sub3A_263 : memref<80x8xf32, #tpu.memory_space<vmem>>[vector<16xi32>, vector<16xi32>], vector<16xf32>,
      %broadcast_in_dim3A_288 = arith.constant 3 : i32
      %broadcast_in_dim3A_289 = vector.broadcast %broadcast_in_dim3A_288 : i32 to vector<16xi32>
      tpu.vector_store_idx %arg14[%add3A_281, %broadcast_in_dim3A_289], %sub3A_264 : memref<80x8xf32, #tpu.memory_space<vmem>>[vector<16xi32>, vector<16xi32>], vector<16xf32>,
      %broadcast_in_dim3A_290 = arith.constant 4 : i32
      %broadcast_in_dim3A_291 = vector.broadcast %broadcast_in_dim3A_290 : i32 to vector<16xi32>
      tpu.vector_store_idx %arg14[%add3A_281, %broadcast_in_dim3A_291], %sub3A_275 : memref<80x8xf32, #tpu.memory_space<vmem>>[vector<16xi32>, vector<16xi32>], vector<16xf32>,
      %broadcast_in_dim3A_292 = arith.constant 5 : i32
      %broadcast_in_dim3A_293 = vector.broadcast %broadcast_in_dim3A_292 : i32 to vector<16xi32>
      tpu.vector_store_idx %arg14[%add3A_281, %broadcast_in_dim3A_293], %sub3A_278 : memref<80x8xf32, #tpu.memory_space<vmem>>[vector<16xi32>, vector<16xi32>], vector<16xf32>,
      %get3A_294 = arith.constant 48 : index
      %get3A_295 = tpu.vector_load %arg10[%get3A_294] {strides = array<i32>} : memref<80xi32, #tpu.memory_space<vmem>>, vector<16xi32>,
      %get3A_296 = arith.constant 48 : index
      %get3A_297 = tpu.vector_load %arg11[%get3A_296] {strides = array<i32>} : memref<80xi32, #tpu.memory_space<vmem>>, vector<16xi32>,
      %mul3A_298 = arith.constant 4 : i32
      %mul3A_299 = vector.broadcast %mul3A_298 : i32 to vector<16xi32>
      %mul3A_300 = arith.muli %get3A_295, %mul3A_299 : vector<16xi32>
      %add3A_301 = arith.constant 0 : i32
      %add3A_302 = vector.broadcast %add3A_301 : i32 to vector<16xi32>
      %add3A_303 = arith.addi %mul3A_300, %add3A_302 : vector<16xi32>
      %gather3A_304 = tpu.vector_load_idx %arg9[%add3A_303] : memref<40000xf32, #tpu.memory_space<vmem>>[vector<16xi32>], vector<16xf32>,
      %mul3A_305 = arith.constant 4 : i32
      %mul3A_306 = vector.broadcast %mul3A_305 : i32 to vector<16xi32>
      %mul3A_307 = arith.muli %get3A_295, %mul3A_306 : vector<16xi32>
      %add3A_308 = arith.constant 1 : i32
      %add3A_309 = vector.broadcast %add3A_308 : i32 to vector<16xi32>
      %add3A_310 = arith.addi %mul3A_307, %add3A_309 : vector<16xi32>
      %gather3A_311 = tpu.vector_load_idx %arg9[%add3A_310] : memref<40000xf32, #tpu.memory_space<vmem>>[vector<16xi32>], vector<16xf32>,
      %mul3A_312 = arith.constant 4 : i32
      %mul3A_313 = vector.broadcast %mul3A_312 : i32 to vector<16xi32>
      %mul3A_314 = arith.muli %get3A_295, %mul3A_313 : vector<16xi32>
      %add3A_315 = arith.constant 2 : i32
      %add3A_316 = vector.broadcast %add3A_315 : i32 to vector<16xi32>
      %add3A_317 = arith.addi %mul3A_314, %add3A_316 : vector<16xi32>
      %gather3A_318 = tpu.vector_load_idx %arg9[%add3A_317] : memref<40000xf32, #tpu.memory_space<vmem>>[vector<16xi32>], vector<16xf32>,
      %mul3A_319 = arith.constant 4 : i32
      %mul3A_320 = vector.broadcast %mul3A_319 : i32 to vector<16xi32>
      %mul3A_321 = arith.muli %get3A_295, %mul3A_320 : vector<16xi32>
      %add3A_322 = arith.constant 3 : i32
      %add3A_323 = vector.broadcast %add3A_322 : i32 to vector<16xi32>
      %add3A_324 = arith.addi %mul3A_321, %add3A_323 : vector<16xi32>
      %gather3A_325 = tpu.vector_load_idx %arg9[%add3A_324] : memref<40000xf32, #tpu.memory_space<vmem>>[vector<16xi32>], vector<16xf32>,
      %mul3A_326 = arith.constant 4 : i32
      %mul3A_327 = vector.broadcast %mul3A_326 : i32 to vector<16xi32>
      %mul3A_328 = arith.muli %get3A_297, %mul3A_327 : vector<16xi32>
      %add3A_329 = arith.constant 0 : i32
      %add3A_330 = vector.broadcast %add3A_329 : i32 to vector<16xi32>
      %add3A_331 = arith.addi %mul3A_328, %add3A_330 : vector<16xi32>
      %gather3A_332 = tpu.vector_load_idx %arg9[%add3A_331] : memref<40000xf32, #tpu.memory_space<vmem>>[vector<16xi32>], vector<16xf32>,
      %mul3A_333 = arith.constant 4 : i32
      %mul3A_334 = vector.broadcast %mul3A_333 : i32 to vector<16xi32>
      %mul3A_335 = arith.muli %get3A_297, %mul3A_334 : vector<16xi32>
      %add3A_336 = arith.constant 1 : i32
      %add3A_337 = vector.broadcast %add3A_336 : i32 to vector<16xi32>
      %add3A_338 = arith.addi %mul3A_335, %add3A_337 : vector<16xi32>
      %gather3A_339 = tpu.vector_load_idx %arg9[%add3A_338] : memref<40000xf32, #tpu.memory_space<vmem>>[vector<16xi32>], vector<16xf32>,
      %mul3A_340 = arith.constant 4 : i32
      %mul3A_341 = vector.broadcast %mul3A_340 : i32 to vector<16xi32>
      %mul3A_342 = arith.muli %get3A_297, %mul3A_341 : vector<16xi32>
      %add3A_343 = arith.constant 2 : i32
      %add3A_344 = vector.broadcast %add3A_343 : i32 to vector<16xi32>
      %add3A_345 = arith.addi %mul3A_342, %add3A_344 : vector<16xi32>
      %gather3A_346 = tpu.vector_load_idx %arg9[%add3A_345] : memref<40000xf32, #tpu.memory_space<vmem>>[vector<16xi32>], vector<16xf32>,
      %mul3A_347 = arith.constant 4 : i32
      %mul3A_348 = vector.broadcast %mul3A_347 : i32 to vector<16xi32>
      %mul3A_349 = arith.muli %get3A_297, %mul3A_348 : vector<16xi32>
      %add3A_350 = arith.constant 3 : i32
      %add3A_351 = vector.broadcast %add3A_350 : i32 to vector<16xi32>
      %add3A_352 = arith.addi %mul3A_349, %add3A_351 : vector<16xi32>
      %gather3A_353 = tpu.vector_load_idx %arg9[%add3A_352] : memref<40000xf32, #tpu.memory_space<vmem>>[vector<16xi32>], vector<16xf32>,
      %sub3A_354 = arith.subf %gather3A_304, %gather3A_332 : vector<16xf32>
      %sub3A_355 = arith.subf %gather3A_311, %gather3A_339 : vector<16xf32>
      %sub3A_356 = arith.subf %gather3A_318, %gather3A_346 : vector<16xf32>
      %sub3A_357 = arith.subf %gather3A_325, %gather3A_353 : vector<16xf32>
      %mul3A_358 = arith.mulf %sub3A_354, %sub3A_354 : vector<16xf32>
      %mul3A_359 = arith.mulf %sub3A_355, %sub3A_355 : vector<16xf32>
      %mul3A_360 = arith.mulf %sub3A_356, %sub3A_356 : vector<16xf32>
      %mul3A_361 = arith.mulf %sub3A_357, %sub3A_357 : vector<16xf32>
      %mul3A_362 = arith.mulf %gather3A_304, %gather3A_332 : vector<16xf32>
      %mul3A_363 = arith.mulf %gather3A_311, %gather3A_339 : vector<16xf32>
      %mul3A_364 = arith.mulf %gather3A_318, %gather3A_346 : vector<16xf32>
      %mul3A_365 = arith.mulf %gather3A_325, %gather3A_353 : vector<16xf32>
      %sub3A_366 = arith.subf %mul3A_358, %mul3A_359 : vector<16xf32>
      %sub3A_367 = arith.subf %sub3A_366, %mul3A_360 : vector<16xf32>
      %sub3A_368 = arith.subf %sub3A_367, %mul3A_361 : vector<16xf32>
      %sub3A_369 = arith.subf %mul3A_362, %mul3A_363 : vector<16xf32>
      %sub3A_370 = arith.subf %sub3A_369, %mul3A_364 : vector<16xf32>
      %sub3A_371 = arith.subf %sub3A_370, %mul3A_365 : vector<16xf32>
      %add3A_372 = arith.constant 48 : i32
      %add3A_373 = vector.broadcast %add3A_372 : i32 to vector<16xi32>
      %add3A_374 = arith.addi %iota3A, %add3A_373 : vector<16xi32>
      %broadcast_in_dim3A_375 = arith.constant 0 : i32
      %broadcast_in_dim3A_376 = vector.broadcast %broadcast_in_dim3A_375 : i32 to vector<16xi32>
      tpu.vector_store_idx %arg14[%add3A_374, %broadcast_in_dim3A_376], %sub3A_354 : memref<80x8xf32, #tpu.memory_space<vmem>>[vector<16xi32>, vector<16xi32>], vector<16xf32>,
      %broadcast_in_dim3A_377 = arith.constant 1 : i32
      %broadcast_in_dim3A_378 = vector.broadcast %broadcast_in_dim3A_377 : i32 to vector<16xi32>
      tpu.vector_store_idx %arg14[%add3A_374, %broadcast_in_dim3A_378], %sub3A_355 : memref<80x8xf32, #tpu.memory_space<vmem>>[vector<16xi32>, vector<16xi32>], vector<16xf32>,
      %broadcast_in_dim3A_379 = arith.constant 2 : i32
      %broadcast_in_dim3A_380 = vector.broadcast %broadcast_in_dim3A_379 : i32 to vector<16xi32>
      tpu.vector_store_idx %arg14[%add3A_374, %broadcast_in_dim3A_380], %sub3A_356 : memref<80x8xf32, #tpu.memory_space<vmem>>[vector<16xi32>, vector<16xi32>], vector<16xf32>,
      %broadcast_in_dim3A_381 = arith.constant 3 : i32
      %broadcast_in_dim3A_382 = vector.broadcast %broadcast_in_dim3A_381 : i32 to vector<16xi32>
      tpu.vector_store_idx %arg14[%add3A_374, %broadcast_in_dim3A_382], %sub3A_357 : memref<80x8xf32, #tpu.memory_space<vmem>>[vector<16xi32>, vector<16xi32>], vector<16xf32>,
      %broadcast_in_dim3A_383 = arith.constant 4 : i32
      %broadcast_in_dim3A_384 = vector.broadcast %broadcast_in_dim3A_383 : i32 to vector<16xi32>
      tpu.vector_store_idx %arg14[%add3A_374, %broadcast_in_dim3A_384], %sub3A_368 : memref<80x8xf32, #tpu.memory_space<vmem>>[vector<16xi32>, vector<16xi32>], vector<16xf32>,
      %broadcast_in_dim3A_385 = arith.constant 5 : i32
      %broadcast_in_dim3A_386 = vector.broadcast %broadcast_in_dim3A_385 : i32 to vector<16xi32>
      tpu.vector_store_idx %arg14[%add3A_374, %broadcast_in_dim3A_386], %sub3A_371 : memref<80x8xf32, #tpu.memory_space<vmem>>[vector<16xi32>, vector<16xi32>], vector<16xf32>,
      %get3A_387 = arith.constant 64 : index
      %get3A_388 = tpu.vector_load %arg10[%get3A_387] {strides = array<i32>} : memref<80xi32, #tpu.memory_space<vmem>>, vector<16xi32>,
      %get3A_389 = arith.constant 64 : index
      %get3A_390 = tpu.vector_load %arg11[%get3A_389] {strides = array<i32>} : memref<80xi32, #tpu.memory_space<vmem>>, vector<16xi32>,
      %mul3A_391 = arith.constant 4 : i32
      %mul3A_392 = vector.broadcast %mul3A_391 : i32 to vector<16xi32>
      %mul3A_393 = arith.muli %get3A_388, %mul3A_392 : vector<16xi32>
      %add3A_394 = arith.constant 0 : i32
      %add3A_395 = vector.broadcast %add3A_394 : i32 to vector<16xi32>
      %add3A_396 = arith.addi %mul3A_393, %add3A_395 : vector<16xi32>
      %gather3A_397 = tpu.vector_load_idx %arg9[%add3A_396] : memref<40000xf32, #tpu.memory_space<vmem>>[vector<16xi32>], vector<16xf32>,
      %mul3A_398 = arith.constant 4 : i32
      %mul3A_399 = vector.broadcast %mul3A_398 : i32 to vector<16xi32>
      %mul3A_400 = arith.muli %get3A_388, %mul3A_399 : vector<16xi32>
      %add3A_401 = arith.constant 1 : i32
      %add3A_402 = vector.broadcast %add3A_401 : i32 to vector<16xi32>
      %add3A_403 = arith.addi %mul3A_400, %add3A_402 : vector<16xi32>
      %gather3A_404 = tpu.vector_load_idx %arg9[%add3A_403] : memref<40000xf32, #tpu.memory_space<vmem>>[vector<16xi32>], vector<16xf32>,
      %mul3A_405 = arith.constant 4 : i32
      %mul3A_406 = vector.broadcast %mul3A_405 : i32 to vector<16xi32>
      %mul3A_407 = arith.muli %get3A_388, %mul3A_406 : vector<16xi32>
      %add3A_408 = arith.constant 2 : i32
      %add3A_409 = vector.broadcast %add3A_408 : i32 to vector<16xi32>
      %add3A_410 = arith.addi %mul3A_407, %add3A_409 : vector<16xi32>
      %gather3A_411 = tpu.vector_load_idx %arg9[%add3A_410] : memref<40000xf32, #tpu.memory_space<vmem>>[vector<16xi32>], vector<16xf32>,
      %mul3A_412 = arith.constant 4 : i32
      %mul3A_413 = vector.broadcast %mul3A_412 : i32 to vector<16xi32>
      %mul3A_414 = arith.muli %get3A_388, %mul3A_413 : vector<16xi32>
      %add3A_415 = arith.constant 3 : i32
      %add3A_416 = vector.broadcast %add3A_415 : i32 to vector<16xi32>
      %add3A_417 = arith.addi %mul3A_414, %add3A_416 : vector<16xi32>
      %gather3A_418 = tpu.vector_load_idx %arg9[%add3A_417] : memref<40000xf32, #tpu.memory_space<vmem>>[vector<16xi32>], vector<16xf32>,
      %mul3A_419 = arith.constant 4 : i32
      %mul3A_420 = vector.broadcast %mul3A_419 : i32 to vector<16xi32>
      %mul3A_421 = arith.muli %get3A_390, %mul3A_420 : vector<16xi32>
      %add3A_422 = arith.constant 0 : i32
      %add3A_423 = vector.broadcast %add3A_422 : i32 to vector<16xi32>
      %add3A_424 = arith.addi %mul3A_421, %add3A_423 : vector<16xi32>
      %gather3A_425 = tpu.vector_load_idx %arg9[%add3A_424] : memref<40000xf32, #tpu.memory_space<vmem>>[vector<16xi32>], vector<16xf32>,
      %mul3A_426 = arith.constant 4 : i32
      %mul3A_427 = vector.broadcast %mul3A_426 : i32 to vector<16xi32>
      %mul3A_428 = arith.muli %get3A_390, %mul3A_427 : vector<16xi32>
      %add3A_429 = arith.constant 1 : i32
      %add3A_430 = vector.broadcast %add3A_429 : i32 to vector<16xi32>
      %add3A_431 = arith.addi %mul3A_428, %add3A_430 : vector<16xi32>
      %gather3A_432 = tpu.vector_load_idx %arg9[%add3A_431] : memref<40000xf32, #tpu.memory_space<vmem>>[vector<16xi32>], vector<16xf32>,
      %mul3A_433 = arith.constant 4 : i32
      %mul3A_434 = vector.broadcast %mul3A_433 : i32 to vector<16xi32>
      %mul3A_435 = arith.muli %get3A_390, %mul3A_434 : vector<16xi32>
      %add3A_436 = arith.constant 2 : i32
      %add3A_437 = vector.broadcast %add3A_436 : i32 to vector<16xi32>
      %add3A_438 = arith.addi %mul3A_435, %add3A_437 : vector<16xi32>
      %gather3A_439 = tpu.vector_load_idx %arg9[%add3A_438] : memref<40000xf32, #tpu.memory_space<vmem>>[vector<16xi32>], vector<16xf32>,
      %mul3A_440 = arith.constant 4 : i32
      %mul3A_441 = vector.broadcast %mul3A_440 : i32 to vector<16xi32>
      %mul3A_442 = arith.muli %get3A_390, %mul3A_441 : vector<16xi32>
      %add3A_443 = arith.constant 3 : i32
      %add3A_444 = vector.broadcast %add3A_443 : i32 to vector<16xi32>
      %add3A_445 = arith.addi %mul3A_442, %add3A_444 : vector<16xi32>
      %gather3A_446 = tpu.vector_load_idx %arg9[%add3A_445] : memref<40000xf32, #tpu.memory_space<vmem>>[vector<16xi32>], vector<16xf32>,
      %sub3A_447 = arith.subf %gather3A_397, %gather3A_425 : vector<16xf32>
      %sub3A_448 = arith.subf %gather3A_404, %gather3A_432 : vector<16xf32>
      %sub3A_449 = arith.subf %gather3A_411, %gather3A_439 : vector<16xf32>
      %sub3A_450 = arith.subf %gather3A_418, %gather3A_446 : vector<16xf32>
      %mul3A_451 = arith.mulf %sub3A_447, %sub3A_447 : vector<16xf32>
      %mul3A_452 = arith.mulf %sub3A_448, %sub3A_448 : vector<16xf32>
      %mul3A_453 = arith.mulf %sub3A_449, %sub3A_449 : vector<16xf32>
      %mul3A_454 = arith.mulf %sub3A_450, %sub3A_450 : vector<16xf32>
      %mul3A_455 = arith.mulf %gather3A_397, %gather3A_425 : vector<16xf32>
      %mul3A_456 = arith.mulf %gather3A_404, %gather3A_432 : vector<16xf32>
      %mul3A_457 = arith.mulf %gather3A_411, %gather3A_439 : vector<16xf32>
      %mul3A_458 = arith.mulf %gather3A_418, %gather3A_446 : vector<16xf32>
      %sub3A_459 = arith.subf %mul3A_451, %mul3A_452 : vector<16xf32>
      %sub3A_460 = arith.subf %sub3A_459, %mul3A_453 : vector<16xf32>
      %sub3A_461 = arith.subf %sub3A_460, %mul3A_454 : vector<16xf32>
      %sub3A_462 = arith.subf %mul3A_455, %mul3A_456 : vector<16xf32>
      %sub3A_463 = arith.subf %sub3A_462, %mul3A_457 : vector<16xf32>
      %sub3A_464 = arith.subf %sub3A_463, %mul3A_458 : vector<16xf32>
      %add3A_465 = arith.constant 64 : i32
      %add3A_466 = vector.broadcast %add3A_465 : i32 to vector<16xi32>
      %add3A_467 = arith.addi %iota3A, %add3A_466 : vector<16xi32>
      %broadcast_in_dim3A_468 = arith.constant 0 : i32
      %broadcast_in_dim3A_469 = vector.broadcast %broadcast_in_dim3A_468 : i32 to vector<16xi32>
      tpu.vector_store_idx %arg14[%add3A_467, %broadcast_in_dim3A_469], %sub3A_447 : memref<80x8xf32, #tpu.memory_space<vmem>>[vector<16xi32>, vector<16xi32>], vector<16xf32>,
      %broadcast_in_dim3A_470 = arith.constant 1 : i32
      %broadcast_in_dim3A_471 = vector.broadcast %broadcast_in_dim3A_470 : i32 to vector<16xi32>
      tpu.vector_store_idx %arg14[%add3A_467, %broadcast_in_dim3A_471], %sub3A_448 : memref<80x8xf32, #tpu.memory_space<vmem>>[vector<16xi32>, vector<16xi32>], vector<16xf32>,
      %broadcast_in_dim3A_472 = arith.constant 2 : i32
      %broadcast_in_dim3A_473 = vector.broadcast %broadcast_in_dim3A_472 : i32 to vector<16xi32>
      tpu.vector_store_idx %arg14[%add3A_467, %broadcast_in_dim3A_473], %sub3A_449 : memref<80x8xf32, #tpu.memory_space<vmem>>[vector<16xi32>, vector<16xi32>], vector<16xf32>,
      %broadcast_in_dim3A_474 = arith.constant 3 : i32
      %broadcast_in_dim3A_475 = vector.broadcast %broadcast_in_dim3A_474 : i32 to vector<16xi32>
      tpu.vector_store_idx %arg14[%add3A_467, %broadcast_in_dim3A_475], %sub3A_450 : memref<80x8xf32, #tpu.memory_space<vmem>>[vector<16xi32>, vector<16xi32>], vector<16xf32>,
      %broadcast_in_dim3A_476 = arith.constant 4 : i32
      %broadcast_in_dim3A_477 = vector.broadcast %broadcast_in_dim3A_476 : i32 to vector<16xi32>
      tpu.vector_store_idx %arg14[%add3A_467, %broadcast_in_dim3A_477], %sub3A_461 : memref<80x8xf32, #tpu.memory_space<vmem>>[vector<16xi32>, vector<16xi32>], vector<16xf32>,
      %broadcast_in_dim3A_478 = arith.constant 5 : i32
      %broadcast_in_dim3A_479 = vector.broadcast %broadcast_in_dim3A_478 : i32 to vector<16xi32>
      tpu.vector_store_idx %arg14[%add3A_467, %broadcast_in_dim3A_479], %sub3A_464 : memref<80x8xf32, #tpu.memory_space<vmem>>[vector<16xi32>, vector<16xi32>], vector<16xf32>,
      %dma_wait3A = arith.constant 0 : i32
      %dma_wait3A_480 = arith.constant 0 : i32
      %dma_wait3A_481 = tpu.memref_slice %arg2[%dma_wait3A, %dma_wait3A_480] : memref<10000x128xf32, #tpu.memory_space<hbm>> -> memref<10000x128xf32, #tpu.memory_space<hbm>>
      tpu.wait_indirect_dma semaphore(%arg15 : memref<!tpu.dma_semaphore, #tpu.memory_space<semaphore_mem>>) src(%dma_wait3A_481 : memref<10000x128xf32, #tpu.memory_space<hbm>>) dst(%arg12 : memref<80x128xf32, #tpu.memory_space<vmem>>)
      %dma_wait3A_482 = arith.constant 0 : i32
      %dma_wait3A_483 = arith.constant 0 : i32
      %dma_wait3A_484 = tpu.memref_slice %arg3[%dma_wait3A_482, %dma_wait3A_483] : memref<10000x128xf32, #tpu.memory_space<hbm>> -> memref<10000x128xf32, #tpu.memory_space<hbm>>
      tpu.wait_indirect_dma semaphore(%arg16 : memref<!tpu.dma_semaphore, #tpu.memory_space<semaphore_mem>>) src(%dma_wait3A_484 : memref<10000x128xf32, #tpu.memory_space<hbm>>) dst(%arg13 : memref<80x128xf32, #tpu.memory_space<vmem>>)
      %scan3A_485 = arith.constant 0 : i32
      %scan3A_486 = arith.constant 0 : i32
      %scan3A_487 = arith.constant 80 : i32
      %scan3A_488 = arith.addi %scan3A_486, %scan3A_487 : i32
      %scan3A_489 = arith.constant 1 : i32
      %scan3A_490 = scf.for %scan3A_493 = %scan3A_486 to %scan3A_488 step %scan3A_489 iter_args(%scan3A_494 = %scan3A_485) -> (i32)  : i32 {
        %get3A_495 = arith.index_cast %scan3A_493 : i32 to index
        %get3A_496 = arith.constant 0 : index
        %get3A_497 = tpu.vector_load %arg12[%get3A_495, %get3A_496] {strides = array<i32>} : memref<80x128xf32, #tpu.memory_space<vmem>>, vector<16xf32>,
        %get3A_498 = arith.index_cast %scan3A_493 : i32 to index
        %get3A_499 = arith.constant 0 : index
        %get3A_500 = tpu.vector_load %arg13[%get3A_498, %get3A_499] {strides = array<i32>} : memref<80x128xf32, #tpu.memory_space<vmem>>, vector<16xf32>,
        %add3A_501 = arith.addf %get3A_497, %get3A_500 : vector<16xf32>
        %swap3A = arith.index_cast %scan3A_493 : i32 to index
        %swap3A_502 = arith.constant 0 : index
        %swap3A_503 = tpu.vector_load %arg12[%swap3A, %swap3A_502] {strides = array<i32>} : memref<80x128xf32, #tpu.memory_space<vmem>>, vector<16xf32>,
        tpu.vector_store %arg12[%swap3A, %swap3A_502], %add3A_501 {strides = array<i32>} : memref<80x128xf32, #tpu.memory_space<vmem>>, vector<16xf32>,
        %get3A_504 = arith.index_cast %scan3A_493 : i32 to index
        %get3A_505 = arith.constant 16 : index
        %get3A_506 = tpu.vector_load %arg12[%get3A_504, %get3A_505] {strides = array<i32>} : memref<80x128xf32, #tpu.memory_space<vmem>>, vector<16xf32>,
        %get3A_507 = arith.index_cast %scan3A_493 : i32 to index
        %get3A_508 = arith.constant 16 : index
        %get3A_509 = tpu.vector_load %arg13[%get3A_507, %get3A_508] {strides = array<i32>} : memref<80x128xf32, #tpu.memory_space<vmem>>, vector<16xf32>,
        %add3A_510 = arith.addf %get3A_506, %get3A_509 : vector<16xf32>
        %swap3A_511 = arith.index_cast %scan3A_493 : i32 to index
        %swap3A_512 = arith.constant 16 : index
        %swap3A_513 = tpu.vector_load %arg12[%swap3A_511, %swap3A_512] {strides = array<i32>} : memref<80x128xf32, #tpu.memory_space<vmem>>, vector<16xf32>,
        tpu.vector_store %arg12[%swap3A_511, %swap3A_512], %add3A_510 {strides = array<i32>} : memref<80x128xf32, #tpu.memory_space<vmem>>, vector<16xf32>,
        %get3A_514 = arith.index_cast %scan3A_493 : i32 to index
        %get3A_515 = arith.constant 32 : index
        %get3A_516 = tpu.vector_load %arg12[%get3A_514, %get3A_515] {strides = array<i32>} : memref<80x128xf32, #tpu.memory_space<vmem>>, vector<16xf32>,
        %get3A_517 = arith.index_cast %scan3A_493 : i32 to index
        %get3A_518 = arith.constant 32 : index
        %get3A_519 = tpu.vector_load %arg13[%get3A_517, %get3A_518] {strides = array<i32>} : memref<80x128xf32, #tpu.memory_space<vmem>>, vector<16xf32>,
        %add3A_520 = arith.addf %get3A_516, %get3A_519 : vector<16xf32>
        %swap3A_521 = arith.index_cast %scan3A_493 : i32 to index
        %swap3A_522 = arith.constant 32 : index
        %swap3A_523 = tpu.vector_load %arg12[%swap3A_521, %swap3A_522] {strides = array<i32>} : memref<80x128xf32, #tpu.memory_space<vmem>>, vector<16xf32>,
        tpu.vector_store %arg12[%swap3A_521, %swap3A_522], %add3A_520 {strides = array<i32>} : memref<80x128xf32, #tpu.memory_space<vmem>>, vector<16xf32>,
        %get3A_524 = arith.index_cast %scan3A_493 : i32 to index
        %get3A_525 = arith.constant 48 : index
        %get3A_526 = tpu.vector_load %arg12[%get3A_524, %get3A_525] {strides = array<i32>} : memref<80x128xf32, #tpu.memory_space<vmem>>, vector<16xf32>,
        %get3A_527 = arith.index_cast %scan3A_493 : i32 to index
        %get3A_528 = arith.constant 48 : index
        %get3A_529 = tpu.vector_load %arg13[%get3A_527, %get3A_528] {strides = array<i32>} : memref<80x128xf32, #tpu.memory_space<vmem>>, vector<16xf32>,
        %add3A_530 = arith.addf %get3A_526, %get3A_529 : vector<16xf32>
        %swap3A_531 = arith.index_cast %scan3A_493 : i32 to index
        %swap3A_532 = arith.constant 48 : index
        %swap3A_533 = tpu.vector_load %arg12[%swap3A_531, %swap3A_532] {strides = array<i32>} : memref<80x128xf32, #tpu.memory_space<vmem>>, vector<16xf32>,
        tpu.vector_store %arg12[%swap3A_531, %swap3A_532], %add3A_530 {strides = array<i32>} : memref<80x128xf32, #tpu.memory_space<vmem>>, vector<16xf32>,
        %get3A_534 = arith.index_cast %scan3A_493 : i32 to index
        %get3A_535 = arith.constant 64 : index
        %get3A_536 = tpu.vector_load %arg12[%get3A_534, %get3A_535] {strides = array<i32>} : memref<80x128xf32, #tpu.memory_space<vmem>>, vector<16xf32>,
        %get3A_537 = arith.index_cast %scan3A_493 : i32 to index
        %get3A_538 = arith.constant 64 : index
        %get3A_539 = tpu.vector_load %arg13[%get3A_537, %get3A_538] {strides = array<i32>} : memref<80x128xf32, #tpu.memory_space<vmem>>, vector<16xf32>,
        %add3A_540 = arith.addf %get3A_536, %get3A_539 : vector<16xf32>
        %swap3A_541 = arith.index_cast %scan3A_493 : i32 to index
        %swap3A_542 = arith.constant 64 : index
        %swap3A_543 = tpu.vector_load %arg12[%swap3A_541, %swap3A_542] {strides = array<i32>} : memref<80x128xf32, #tpu.memory_space<vmem>>, vector<16xf32>,
        tpu.vector_store %arg12[%swap3A_541, %swap3A_542], %add3A_540 {strides = array<i32>} : memref<80x128xf32, #tpu.memory_space<vmem>>, vector<16xf32>,
        %get3A_544 = arith.index_cast %scan3A_493 : i32 to index
        %get3A_545 = arith.constant 80 : index
        %get3A_546 = tpu.vector_load %arg12[%get3A_544, %get3A_545] {strides = array<i32>} : memref<80x128xf32, #tpu.memory_space<vmem>>, vector<16xf32>,
        %get3A_547 = arith.index_cast %scan3A_493 : i32 to index
        %get3A_548 = arith.constant 80 : index
        %get3A_549 = tpu.vector_load %arg13[%get3A_547, %get3A_548] {strides = array<i32>} : memref<80x128xf32, #tpu.memory_space<vmem>>, vector<16xf32>,
        %add3A_550 = arith.addf %get3A_546, %get3A_549 : vector<16xf32>
        %swap3A_551 = arith.index_cast %scan3A_493 : i32 to index
        %swap3A_552 = arith.constant 80 : index
        %swap3A_553 = tpu.vector_load %arg12[%swap3A_551, %swap3A_552] {strides = array<i32>} : memref<80x128xf32, #tpu.memory_space<vmem>>, vector<16xf32>,
        tpu.vector_store %arg12[%swap3A_551, %swap3A_552], %add3A_550 {strides = array<i32>} : memref<80x128xf32, #tpu.memory_space<vmem>>, vector<16xf32>,
        %get3A_554 = arith.index_cast %scan3A_493 : i32 to index
        %get3A_555 = arith.constant 96 : index
        %get3A_556 = tpu.vector_load %arg12[%get3A_554, %get3A_555] {strides = array<i32>} : memref<80x128xf32, #tpu.memory_space<vmem>>, vector<16xf32>,
        %get3A_557 = arith.index_cast %scan3A_493 : i32 to index
        %get3A_558 = arith.constant 96 : index
        %get3A_559 = tpu.vector_load %arg13[%get3A_557, %get3A_558] {strides = array<i32>} : memref<80x128xf32, #tpu.memory_space<vmem>>, vector<16xf32>,
        %add3A_560 = arith.addf %get3A_556, %get3A_559 : vector<16xf32>
        %swap3A_561 = arith.index_cast %scan3A_493 : i32 to index
        %swap3A_562 = arith.constant 96 : index
        %swap3A_563 = tpu.vector_load %arg12[%swap3A_561, %swap3A_562] {strides = array<i32>} : memref<80x128xf32, #tpu.memory_space<vmem>>, vector<16xf32>,
        tpu.vector_store %arg12[%swap3A_561, %swap3A_562], %add3A_560 {strides = array<i32>} : memref<80x128xf32, #tpu.memory_space<vmem>>, vector<16xf32>,
        %get3A_564 = arith.index_cast %scan3A_493 : i32 to index
        %get3A_565 = arith.constant 112 : index
        %get3A_566 = tpu.vector_load %arg12[%get3A_564, %get3A_565] {strides = array<i32>} : memref<80x128xf32, #tpu.memory_space<vmem>>, vector<16xf32>,
        %get3A_567 = arith.index_cast %scan3A_493 : i32 to index
        %get3A_568 = arith.constant 112 : index
        %get3A_569 = tpu.vector_load %arg13[%get3A_567, %get3A_568] {strides = array<i32>} : memref<80x128xf32, #tpu.memory_space<vmem>>, vector<16xf32>,
        %add3A_570 = arith.addf %get3A_566, %get3A_569 : vector<16xf32>
        %swap3A_571 = arith.index_cast %scan3A_493 : i32 to index
        %swap3A_572 = arith.constant 112 : index
        %swap3A_573 = tpu.vector_load %arg12[%swap3A_571, %swap3A_572] {strides = array<i32>} : memref<80x128xf32, #tpu.memory_space<vmem>>, vector<16xf32>,
        tpu.vector_store %arg12[%swap3A_571, %swap3A_572], %add3A_570 {strides = array<i32>} : memref<80x128xf32, #tpu.memory_space<vmem>>, vector<16xf32>,
        %scan3A_574 = arith.constant 0 : i32
        scf.yield %scan3A_574 : i32
      }
      %scan3A_491 = arith.constant 80 : i32
      "tpu.region"() ({
        %run_scoped3A = tpu.sem_alloc : memref<!tpu.dma_semaphore, #tpu.memory_space<semaphore_mem>>
        %dma_start3A_493 = arith.constant 0 : i32
        %dma_start3A_494 = tpu.memref_slice %arg7[%add3A_13, %dma_start3A_493] : memref<320000x128xf32, #tpu.memory_space<hbm>> -> memref<80x128xf32, #tpu.memory_space<hbm>>
        %dma_start3A_495 = arith.constant 0 : i32
        %dma_start3A_496 = tpu.memref_slice %arg7[%add3A_13, %dma_start3A_495] : memref<320000x128xf32, #tpu.memory_space<hbm>> -> memref<80x128xf32, #tpu.memory_space<hbm>>
        tpu.enqueue_dma source(%arg12 : memref<80x128xf32, #tpu.memory_space<vmem>>) target(%dma_start3A_496 : memref<80x128xf32, #tpu.memory_space<hbm>>) target_semaphore(%run_scoped3A : memref<!tpu.dma_semaphore, #tpu.memory_space<semaphore_mem>>)
        %dma_wait3A_497 = arith.constant 0 : i32
        %dma_wait3A_498 = tpu.memref_slice %arg7[%add3A_13, %dma_wait3A_497] : memref<320000x128xf32, #tpu.memory_space<hbm>> -> memref<80x128xf32, #tpu.memory_space<hbm>>
        %dma_wait3A_499 = arith.constant 0 : i32
        %dma_wait3A_500 = tpu.memref_slice %arg7[%add3A_13, %dma_wait3A_499] : memref<320000x128xf32, #tpu.memory_space<hbm>> -> memref<80x128xf32, #tpu.memory_space<hbm>>
        tpu.wait_dma2 semaphore(%run_scoped3A : memref<!tpu.dma_semaphore, #tpu.memory_space<semaphore_mem>>) src(%arg12 : memref<80x128xf32, #tpu.memory_space<vmem>>) dst(%dma_wait3A_500 : memref<80x128xf32, #tpu.memory_space<hbm>>)
        tpu.yield
      }) : () -> ()
      "tpu.region"() ({
        %run_scoped3A = tpu.sem_alloc : memref<!tpu.dma_semaphore, #tpu.memory_space<semaphore_mem>>
        %dma_start3A_493 = arith.constant 0 : i32
        %dma_start3A_494 = tpu.memref_slice %arg8[%add3A_13, %dma_start3A_493] : memref<320000x8xf32, #tpu.memory_space<hbm>> -> memref<80x8xf32, #tpu.memory_space<hbm>>
        %dma_start3A_495 = arith.constant 0 : i32
        %dma_start3A_496 = tpu.memref_slice %arg8[%add3A_13, %dma_start3A_495] : memref<320000x8xf32, #tpu.memory_space<hbm>> -> memref<80x8xf32, #tpu.memory_space<hbm>>
        tpu.enqueue_dma source(%arg14 : memref<80x8xf32, #tpu.memory_space<vmem>>) target(%dma_start3A_496 : memref<80x8xf32, #tpu.memory_space<hbm>>) target_semaphore(%run_scoped3A : memref<!tpu.dma_semaphore, #tpu.memory_space<semaphore_mem>>)
        %dma_wait3A_497 = arith.constant 0 : i32
        %dma_wait3A_498 = tpu.memref_slice %arg8[%add3A_13, %dma_wait3A_497] : memref<320000x8xf32, #tpu.memory_space<hbm>> -> memref<80x8xf32, #tpu.memory_space<hbm>>
        %dma_wait3A_499 = arith.constant 0 : i32
        %dma_wait3A_500 = tpu.memref_slice %arg8[%add3A_13, %dma_wait3A_499] : memref<320000x8xf32, #tpu.memory_space<hbm>> -> memref<80x8xf32, #tpu.memory_space<hbm>>
        tpu.wait_dma2 semaphore(%run_scoped3A : memref<!tpu.dma_semaphore, #tpu.memory_space<semaphore_mem>>) src(%arg14 : memref<80x8xf32, #tpu.memory_space<vmem>>) dst(%dma_wait3A_500 : memref<80x8xf32, #tpu.memory_space<hbm>>)
        tpu.yield
      }) : () -> ()
      %scan3A_492 = arith.constant 0 : i32
      scf.yield %scan3A_492 : i32
    }
    %scan3A_8 = arith.constant 125 : i32
    return
  }
}

#map = affine_map<(d0, d1) -> (0, 0)>
#map1 = affine_map<(d0, d1) -> (0)>
#map2 = affine_map<(d0, d1) -> (0, 0, 0)>
module attributes {stable_mosaic.version = 14 : i64} {
  func.func @k(%arg0: i32, %arg1: i32, %arg2: memref<320000x128xf32, #tpu.memory_space<hbm>>, %arg3: memref<320000xi32, #tpu.memory_space<hbm>>, %arg4: memref<320000xi32, #tpu.memory_space<hbm>>, %arg5: memref<10000x128xf32, #tpu.memory_space<hbm>>, %arg6: memref<2x10000x128xf32, #tpu.memory_space<hbm>>, %arg7: memref<80xi32, #tpu.memory_space<vmem>>, %arg8: memref<80xi32, #tpu.memory_space<vmem>>, %arg9: memref<80x128xf32, #tpu.memory_space<vmem>>, %arg10: memref<10000x128xf32, #tpu.memory_space<vmem_shared>>) attributes {dimension_semantics = [#tpu.dimension_semantics<core_parallel>, #tpu.dimension_semantics<subcore_parallel>], iteration_bounds = array<i64: 2, 16>, scalar_prefetch = 0 : i64, scratch_operands = 4 : i64, tpu.core_type = #tpu.core_type<sc_vector_subcore>, window_params = [{transform_indices = #map}, {transform_indices = #map1}, {transform_indices = #map1}, {transform_indices = #map}, {transform_indices = #map2}]} {
    %mul3A = arith.constant 2 : i32
    %mul3A_0 = arith.muli %arg1, %mul3A : i32
    %add3A = arith.addi %mul3A_0, %arg0 : i32
    %mul3A_1 = arith.constant 632 : i32
    %mul3A_2 = arith.muli %arg1, %mul3A_1 : i32
    %lt3A = arith.constant 15 : i32
    %lt3A_3 = arith.cmpi slt, %arg1, %lt3A : i32
    %convert_element_type3A = arith.extui %lt3A_3 : i1 to i32
    %cond3A = arith.constant 0 : i32
    %cond3A_4 = arith.cmpi ne, %convert_element_type3A, %cond3A : i32
    scf.if %cond3A_4 {
      "tpu.region"() ({
        %run_scoped3A = tpu.sem_alloc : memref<!tpu.dma_semaphore, #tpu.memory_space<semaphore_mem>>
        %dma_start3A = arith.constant 0 : i32
        %dma_start3A_28 = tpu.memref_slice %arg10[%mul3A_2, %dma_start3A] : memref<10000x128xf32, #tpu.memory_space<vmem_shared>> -> memref<632x128xf32, #tpu.memory_space<vmem_shared>>
        %dma_start3A_29 = arith.constant 0 : i32
        %dma_start3A_30 = tpu.memref_slice %arg5[%mul3A_2, %dma_start3A_29] : memref<10000x128xf32, #tpu.memory_space<hbm>> -> memref<632x128xf32, #tpu.memory_space<hbm>>
        tpu.enqueue_dma source(%dma_start3A_30 : memref<632x128xf32, #tpu.memory_space<hbm>>) target(%dma_start3A_28 : memref<632x128xf32, #tpu.memory_space<vmem_shared>>) target_semaphore(%run_scoped3A : memref<!tpu.dma_semaphore, #tpu.memory_space<semaphore_mem>>)
        %dma_wait3A = arith.constant 0 : i32
        %dma_wait3A_31 = tpu.memref_slice %arg10[%mul3A_2, %dma_wait3A] : memref<10000x128xf32, #tpu.memory_space<vmem_shared>> -> memref<632x128xf32, #tpu.memory_space<vmem_shared>>
        %dma_wait3A_32 = arith.constant 0 : i32
        %dma_wait3A_33 = tpu.memref_slice %arg5[%mul3A_2, %dma_wait3A_32] : memref<10000x128xf32, #tpu.memory_space<hbm>> -> memref<632x128xf32, #tpu.memory_space<hbm>>
        tpu.wait_dma2 semaphore(%run_scoped3A : memref<!tpu.dma_semaphore, #tpu.memory_space<semaphore_mem>>) src(%dma_wait3A_33 : memref<632x128xf32, #tpu.memory_space<hbm>>) dst(%dma_wait3A_31 : memref<632x128xf32, #tpu.memory_space<vmem_shared>>)
        tpu.yield
      }) : () -> ()
    } else {
    }
    %eq3A = arith.constant 15 : i32
    %eq3A_5 = arith.cmpi eq, %arg1, %eq3A : i32
    %convert_element_type3A_6 = arith.extui %eq3A_5 : i1 to i32
    %cond3A_7 = arith.constant 0 : i32
    %cond3A_8 = arith.cmpi ne, %convert_element_type3A_6, %cond3A_7 : i32
    scf.if %cond3A_8 {
      "tpu.region"() ({
        %run_scoped3A = tpu.sem_alloc : memref<!tpu.dma_semaphore, #tpu.memory_space<semaphore_mem>>
        %dma_start3A = arith.constant 0 : i32
        %dma_start3A_28 = tpu.memref_slice %arg10[%mul3A_2, %dma_start3A] : memref<10000x128xf32, #tpu.memory_space<vmem_shared>> -> memref<520x128xf32, #tpu.memory_space<vmem_shared>>
        %dma_start3A_29 = arith.constant 0 : i32
        %dma_start3A_30 = tpu.memref_slice %arg5[%mul3A_2, %dma_start3A_29] : memref<10000x128xf32, #tpu.memory_space<hbm>> -> memref<520x128xf32, #tpu.memory_space<hbm>>
        tpu.enqueue_dma source(%dma_start3A_30 : memref<520x128xf32, #tpu.memory_space<hbm>>) target(%dma_start3A_28 : memref<520x128xf32, #tpu.memory_space<vmem_shared>>) target_semaphore(%run_scoped3A : memref<!tpu.dma_semaphore, #tpu.memory_space<semaphore_mem>>)
        %dma_wait3A = arith.constant 0 : i32
        %dma_wait3A_31 = tpu.memref_slice %arg10[%mul3A_2, %dma_wait3A] : memref<10000x128xf32, #tpu.memory_space<vmem_shared>> -> memref<520x128xf32, #tpu.memory_space<vmem_shared>>
        %dma_wait3A_32 = arith.constant 0 : i32
        %dma_wait3A_33 = tpu.memref_slice %arg5[%mul3A_2, %dma_wait3A_32] : memref<10000x128xf32, #tpu.memory_space<hbm>> -> memref<520x128xf32, #tpu.memory_space<hbm>>
        tpu.wait_dma2 semaphore(%run_scoped3A : memref<!tpu.dma_semaphore, #tpu.memory_space<semaphore_mem>>) src(%dma_wait3A_33 : memref<520x128xf32, #tpu.memory_space<hbm>>) dst(%dma_wait3A_31 : memref<520x128xf32, #tpu.memory_space<vmem_shared>>)
        tpu.yield
      }) : () -> ()
    } else {
    }
    %barrier3A = arith.constant 0 : index
    tpu.barrier barrier_id(%barrier3A)
    %mul3A_9 = arith.constant 10000 : i32
    %mul3A_10 = arith.muli %add3A, %mul3A_9 : i32
    %scan3A = arith.constant 0 : i32
    %scan3A_11 = arith.constant 0 : i32
    %scan3A_12 = arith.constant 125 : i32
    %scan3A_13 = arith.addi %scan3A_11, %scan3A_12 : i32
    %scan3A_14 = arith.constant 1 : i32
    %scan3A_15 = scf.for %scan3A_28 = %scan3A_11 to %scan3A_13 step %scan3A_14 iter_args(%scan3A_29 = %scan3A) -> (i32)  : i32 {
      %mul3A_30 = arith.constant 80 : i32
      %mul3A_31 = arith.muli %scan3A_28, %mul3A_30 : i32
      %add3A_32 = arith.addi %mul3A_10, %mul3A_31 : i32
      "tpu.region"() ({
        %run_scoped3A = tpu.sem_alloc : memref<!tpu.dma_semaphore, #tpu.memory_space<semaphore_mem>>
        %dma_start3A = tpu.memref_slice %arg3[%add3A_32] : memref<320000xi32, #tpu.memory_space<hbm>> -> memref<80xi32, #tpu.memory_space<hbm>>
        %dma_start3A_34 = tpu.memref_slice %arg3[%add3A_32] : memref<320000xi32, #tpu.memory_space<hbm>> -> memref<80xi32, #tpu.memory_space<hbm>>
        tpu.enqueue_dma source(%dma_start3A_34 : memref<80xi32, #tpu.memory_space<hbm>>) target(%arg7 : memref<80xi32, #tpu.memory_space<vmem>>) target_semaphore(%run_scoped3A : memref<!tpu.dma_semaphore, #tpu.memory_space<semaphore_mem>>)
        %dma_wait3A = tpu.memref_slice %arg3[%add3A_32] : memref<320000xi32, #tpu.memory_space<hbm>> -> memref<80xi32, #tpu.memory_space<hbm>>
        %dma_wait3A_35 = tpu.memref_slice %arg3[%add3A_32] : memref<320000xi32, #tpu.memory_space<hbm>> -> memref<80xi32, #tpu.memory_space<hbm>>
        tpu.wait_dma2 semaphore(%run_scoped3A : memref<!tpu.dma_semaphore, #tpu.memory_space<semaphore_mem>>) src(%dma_wait3A_35 : memref<80xi32, #tpu.memory_space<hbm>>) dst(%arg7 : memref<80xi32, #tpu.memory_space<vmem>>)
        tpu.yield
      }) : () -> ()
      "tpu.region"() ({
        %run_scoped3A = tpu.sem_alloc : memref<!tpu.dma_semaphore, #tpu.memory_space<semaphore_mem>>
        %dma_start3A = tpu.memref_slice %arg4[%add3A_32] : memref<320000xi32, #tpu.memory_space<hbm>> -> memref<80xi32, #tpu.memory_space<hbm>>
        %dma_start3A_34 = tpu.memref_slice %arg4[%add3A_32] : memref<320000xi32, #tpu.memory_space<hbm>> -> memref<80xi32, #tpu.memory_space<hbm>>
        tpu.enqueue_dma source(%dma_start3A_34 : memref<80xi32, #tpu.memory_space<hbm>>) target(%arg8 : memref<80xi32, #tpu.memory_space<vmem>>) target_semaphore(%run_scoped3A : memref<!tpu.dma_semaphore, #tpu.memory_space<semaphore_mem>>)
        %dma_wait3A = tpu.memref_slice %arg4[%add3A_32] : memref<320000xi32, #tpu.memory_space<hbm>> -> memref<80xi32, #tpu.memory_space<hbm>>
        %dma_wait3A_35 = tpu.memref_slice %arg4[%add3A_32] : memref<320000xi32, #tpu.memory_space<hbm>> -> memref<80xi32, #tpu.memory_space<hbm>>
        tpu.wait_dma2 semaphore(%run_scoped3A : memref<!tpu.dma_semaphore, #tpu.memory_space<semaphore_mem>>) src(%dma_wait3A_35 : memref<80xi32, #tpu.memory_space<hbm>>) dst(%arg8 : memref<80xi32, #tpu.memory_space<vmem>>)
        tpu.yield
      }) : () -> ()
      "tpu.region"() ({
        %run_scoped3A = tpu.sem_alloc : memref<!tpu.dma_semaphore, #tpu.memory_space<semaphore_mem>>
        %dma_start3A = arith.constant 0 : i32
        %dma_start3A_34 = arith.constant 0 : i32
        %dma_start3A_35 = tpu.memref_slice %arg2[%dma_start3A, %dma_start3A_34] : memref<320000x128xf32, #tpu.memory_space<hbm>> -> memref<320000x128xf32, #tpu.memory_space<hbm>>
        tpu.enqueue_indirect_dma source(%dma_start3A_35 : memref<320000x128xf32, #tpu.memory_space<hbm>>) target(%arg9 : memref<80x128xf32, #tpu.memory_space<vmem>>) offsets(%arg8 : memref<80xi32, #tpu.memory_space<vmem>>) semaphore(%run_scoped3A : memref<!tpu.dma_semaphore, #tpu.memory_space<semaphore_mem>>)
        %dma_wait3A = arith.constant 0 : i32
        %dma_wait3A_36 = arith.constant 0 : i32
        %dma_wait3A_37 = tpu.memref_slice %arg2[%dma_wait3A, %dma_wait3A_36] : memref<320000x128xf32, #tpu.memory_space<hbm>> -> memref<320000x128xf32, #tpu.memory_space<hbm>>
        tpu.wait_indirect_dma semaphore(%run_scoped3A : memref<!tpu.dma_semaphore, #tpu.memory_space<semaphore_mem>>) src(%dma_wait3A_37 : memref<320000x128xf32, #tpu.memory_space<hbm>>) dst(%arg9 : memref<80x128xf32, #tpu.memory_space<vmem>>)
        tpu.yield
      }) : () -> ()
      "tpu.region"() ({
        %run_scoped3A = tpu.sem_alloc : memref<!tpu.dma_semaphore, #tpu.memory_space<semaphore_mem>>
        %dma_start3A = arith.constant 0 : i32
        %dma_start3A_34 = arith.constant 0 : i32
        %dma_start3A_35 = tpu.memref_slice %arg10[%dma_start3A, %dma_start3A_34] : memref<10000x128xf32, #tpu.memory_space<vmem_shared>> -> memref<10000x128xf32, #tpu.memory_space<vmem_shared>>
        tpu.enqueue_indirect_dma source(%arg9 : memref<80x128xf32, #tpu.memory_space<vmem>>) target(%dma_start3A_35 : memref<10000x128xf32, #tpu.memory_space<vmem_shared>>) offsets(%arg7 : memref<80xi32, #tpu.memory_space<vmem>>) semaphore(%run_scoped3A : memref<!tpu.dma_semaphore, #tpu.memory_space<semaphore_mem>>) {add = true}
        %dma_wait3A = arith.constant 0 : i32
        %dma_wait3A_36 = arith.constant 0 : i32
        %dma_wait3A_37 = tpu.memref_slice %arg10[%dma_wait3A, %dma_wait3A_36] : memref<10000x128xf32, #tpu.memory_space<vmem_shared>> -> memref<10000x128xf32, #tpu.memory_space<vmem_shared>>
        tpu.wait_indirect_dma semaphore(%run_scoped3A : memref<!tpu.dma_semaphore, #tpu.memory_space<semaphore_mem>>) src(%arg9 : memref<80x128xf32, #tpu.memory_space<vmem>>) dst(%dma_wait3A_37 : memref<10000x128xf32, #tpu.memory_space<vmem_shared>>)
        tpu.yield
      }) : () -> ()
      %scan3A_33 = arith.constant 0 : i32
      scf.yield %scan3A_33 : i32
    }
    %scan3A_16 = arith.constant 125 : i32
    %barrier3A_17 = arith.constant 0 : index
    tpu.barrier barrier_id(%barrier3A_17)
    %lt3A_18 = arith.constant 15 : i32
    %lt3A_19 = arith.cmpi slt, %arg1, %lt3A_18 : i32
    %convert_element_type3A_20 = arith.extui %lt3A_19 : i1 to i32
    %cond3A_21 = arith.constant 0 : i32
    %cond3A_22 = arith.cmpi ne, %convert_element_type3A_20, %cond3A_21 : i32
    scf.if %cond3A_22 {
      "tpu.region"() ({
        %run_scoped3A = tpu.sem_alloc : memref<!tpu.dma_semaphore, #tpu.memory_space<semaphore_mem>>
        %dma_start3A = arith.constant 0 : i32
        %dma_start3A_28 = tpu.memref_slice %arg6[%arg0, %mul3A_2, %dma_start3A] : memref<2x10000x128xf32, #tpu.memory_space<hbm>> -> memref<1x632x128xf32, #tpu.memory_space<hbm>>
        %dma_start3A_29 = tpu.memref_squeeze %dma_start3A_28 : memref<1x632x128xf32, #tpu.memory_space<hbm>> -> memref<632x128xf32, #tpu.memory_space<hbm>>
        %dma_start3A_30 = arith.constant 0 : i32
        %dma_start3A_31 = tpu.memref_slice %arg10[%mul3A_2, %dma_start3A_30] : memref<10000x128xf32, #tpu.memory_space<vmem_shared>> -> memref<632x128xf32, #tpu.memory_space<vmem_shared>>
        tpu.enqueue_dma source(%dma_start3A_31 : memref<632x128xf32, #tpu.memory_space<vmem_shared>>) target(%dma_start3A_29 : memref<632x128xf32, #tpu.memory_space<hbm>>) target_semaphore(%run_scoped3A : memref<!tpu.dma_semaphore, #tpu.memory_space<semaphore_mem>>)
        %dma_wait3A = arith.constant 0 : i32
        %dma_wait3A_32 = tpu.memref_slice %arg6[%arg0, %mul3A_2, %dma_wait3A] : memref<2x10000x128xf32, #tpu.memory_space<hbm>> -> memref<1x632x128xf32, #tpu.memory_space<hbm>>
        %dma_wait3A_33 = tpu.memref_squeeze %dma_wait3A_32 : memref<1x632x128xf32, #tpu.memory_space<hbm>> -> memref<632x128xf32, #tpu.memory_space<hbm>>
        %dma_wait3A_34 = arith.constant 0 : i32
        %dma_wait3A_35 = tpu.memref_slice %arg10[%mul3A_2, %dma_wait3A_34] : memref<10000x128xf32, #tpu.memory_space<vmem_shared>> -> memref<632x128xf32, #tpu.memory_space<vmem_shared>>
        tpu.wait_dma2 semaphore(%run_scoped3A : memref<!tpu.dma_semaphore, #tpu.memory_space<semaphore_mem>>) src(%dma_wait3A_35 : memref<632x128xf32, #tpu.memory_space<vmem_shared>>) dst(%dma_wait3A_33 : memref<632x128xf32, #tpu.memory_space<hbm>>)
        tpu.yield
      }) : () -> ()
    } else {
    }
    %eq3A_23 = arith.constant 15 : i32
    %eq3A_24 = arith.cmpi eq, %arg1, %eq3A_23 : i32
    %convert_element_type3A_25 = arith.extui %eq3A_24 : i1 to i32
    %cond3A_26 = arith.constant 0 : i32
    %cond3A_27 = arith.cmpi ne, %convert_element_type3A_25, %cond3A_26 : i32
    scf.if %cond3A_27 {
      "tpu.region"() ({
        %run_scoped3A = tpu.sem_alloc : memref<!tpu.dma_semaphore, #tpu.memory_space<semaphore_mem>>
        %dma_start3A = arith.constant 0 : i32
        %dma_start3A_28 = tpu.memref_slice %arg6[%arg0, %mul3A_2, %dma_start3A] : memref<2x10000x128xf32, #tpu.memory_space<hbm>> -> memref<1x520x128xf32, #tpu.memory_space<hbm>>
        %dma_start3A_29 = tpu.memref_squeeze %dma_start3A_28 : memref<1x520x128xf32, #tpu.memory_space<hbm>> -> memref<520x128xf32, #tpu.memory_space<hbm>>
        %dma_start3A_30 = arith.constant 0 : i32
        %dma_start3A_31 = tpu.memref_slice %arg10[%mul3A_2, %dma_start3A_30] : memref<10000x128xf32, #tpu.memory_space<vmem_shared>> -> memref<520x128xf32, #tpu.memory_space<vmem_shared>>
        tpu.enqueue_dma source(%dma_start3A_31 : memref<520x128xf32, #tpu.memory_space<vmem_shared>>) target(%dma_start3A_29 : memref<520x128xf32, #tpu.memory_space<hbm>>) target_semaphore(%run_scoped3A : memref<!tpu.dma_semaphore, #tpu.memory_space<semaphore_mem>>)
        %dma_wait3A = arith.constant 0 : i32
        %dma_wait3A_32 = tpu.memref_slice %arg6[%arg0, %mul3A_2, %dma_wait3A] : memref<2x10000x128xf32, #tpu.memory_space<hbm>> -> memref<1x520x128xf32, #tpu.memory_space<hbm>>
        %dma_wait3A_33 = tpu.memref_squeeze %dma_wait3A_32 : memref<1x520x128xf32, #tpu.memory_space<hbm>> -> memref<520x128xf32, #tpu.memory_space<hbm>>
        %dma_wait3A_34 = arith.constant 0 : i32
        %dma_wait3A_35 = tpu.memref_slice %arg10[%mul3A_2, %dma_wait3A_34] : memref<10000x128xf32, #tpu.memory_space<vmem_shared>> -> memref<520x128xf32, #tpu.memory_space<vmem_shared>>
        tpu.wait_dma2 semaphore(%run_scoped3A : memref<!tpu.dma_semaphore, #tpu.memory_space<semaphore_mem>>) src(%dma_wait3A_35 : memref<520x128xf32, #tpu.memory_space<vmem_shared>>) dst(%dma_wait3A_33 : memref<520x128xf32, #tpu.memory_space<hbm>>)
        tpu.yield
      }) : () -> ()
    } else {
    }
    return
  }
}

#map = affine_map<(d0, d1) -> (0, 0)>
#map1 = affine_map<(d0, d1) -> (0)>
#map2 = affine_map<(d0, d1) -> (0, 0, 0)>
module attributes {stable_mosaic.version = 14 : i64} {
  func.func @k(%arg0: i32, %arg1: i32, %arg2: memref<320000x128xf32, #tpu.memory_space<hbm>>, %arg3: memref<320000xi32, #tpu.memory_space<hbm>>, %arg4: memref<320000xi32, #tpu.memory_space<hbm>>, %arg5: memref<10000x128xf32, #tpu.memory_space<hbm>>, %arg6: memref<2x10000x128xf32, #tpu.memory_space<hbm>>, %arg7: memref<80xi32, #tpu.memory_space<vmem>>, %arg8: memref<80xi32, #tpu.memory_space<vmem>>, %arg9: memref<80x128xf32, #tpu.memory_space<vmem>>, %arg10: memref<10000x128xf32, #tpu.memory_space<vmem_shared>>) attributes {dimension_semantics = [#tpu.dimension_semantics<core_parallel>, #tpu.dimension_semantics<subcore_parallel>], iteration_bounds = array<i64: 2, 16>, scalar_prefetch = 0 : i64, scratch_operands = 4 : i64, tpu.core_type = #tpu.core_type<sc_vector_subcore>, window_params = [{transform_indices = #map}, {transform_indices = #map1}, {transform_indices = #map1}, {transform_indices = #map}, {transform_indices = #map2}]} {
    %mul3A = arith.constant 2 : i32
    %mul3A_0 = arith.muli %arg1, %mul3A : i32
    %add3A = arith.addi %mul3A_0, %arg0 : i32
    %mul3A_1 = arith.constant 632 : i32
    %mul3A_2 = arith.muli %arg1, %mul3A_1 : i32
    %lt3A = arith.constant 15 : i32
    %lt3A_3 = arith.cmpi slt, %arg1, %lt3A : i32
    %convert_element_type3A = arith.extui %lt3A_3 : i1 to i32
    %cond3A = arith.constant 0 : i32
    %cond3A_4 = arith.cmpi ne, %convert_element_type3A, %cond3A : i32
    scf.if %cond3A_4 {
      "tpu.region"() ({
        %run_scoped3A = tpu.sem_alloc : memref<!tpu.dma_semaphore, #tpu.memory_space<semaphore_mem>>
        %dma_start3A = arith.constant 0 : i32
        %dma_start3A_28 = tpu.memref_slice %arg10[%mul3A_2, %dma_start3A] : memref<10000x128xf32, #tpu.memory_space<vmem_shared>> -> memref<632x128xf32, #tpu.memory_space<vmem_shared>>
        %dma_start3A_29 = arith.constant 0 : i32
        %dma_start3A_30 = tpu.memref_slice %arg5[%mul3A_2, %dma_start3A_29] : memref<10000x128xf32, #tpu.memory_space<hbm>> -> memref<632x128xf32, #tpu.memory_space<hbm>>
        tpu.enqueue_dma source(%dma_start3A_30 : memref<632x128xf32, #tpu.memory_space<hbm>>) target(%dma_start3A_28 : memref<632x128xf32, #tpu.memory_space<vmem_shared>>) target_semaphore(%run_scoped3A : memref<!tpu.dma_semaphore, #tpu.memory_space<semaphore_mem>>)
        %dma_wait3A = arith.constant 0 : i32
        %dma_wait3A_31 = tpu.memref_slice %arg10[%mul3A_2, %dma_wait3A] : memref<10000x128xf32, #tpu.memory_space<vmem_shared>> -> memref<632x128xf32, #tpu.memory_space<vmem_shared>>
        %dma_wait3A_32 = arith.constant 0 : i32
        %dma_wait3A_33 = tpu.memref_slice %arg5[%mul3A_2, %dma_wait3A_32] : memref<10000x128xf32, #tpu.memory_space<hbm>> -> memref<632x128xf32, #tpu.memory_space<hbm>>
        tpu.wait_dma2 semaphore(%run_scoped3A : memref<!tpu.dma_semaphore, #tpu.memory_space<semaphore_mem>>) src(%dma_wait3A_33 : memref<632x128xf32, #tpu.memory_space<hbm>>) dst(%dma_wait3A_31 : memref<632x128xf32, #tpu.memory_space<vmem_shared>>)
        tpu.yield
      }) : () -> ()
    } else {
    }
    %eq3A = arith.constant 15 : i32
    %eq3A_5 = arith.cmpi eq, %arg1, %eq3A : i32
    %convert_element_type3A_6 = arith.extui %eq3A_5 : i1 to i32
    %cond3A_7 = arith.constant 0 : i32
    %cond3A_8 = arith.cmpi ne, %convert_element_type3A_6, %cond3A_7 : i32
    scf.if %cond3A_8 {
      "tpu.region"() ({
        %run_scoped3A = tpu.sem_alloc : memref<!tpu.dma_semaphore, #tpu.memory_space<semaphore_mem>>
        %dma_start3A = arith.constant 0 : i32
        %dma_start3A_28 = tpu.memref_slice %arg10[%mul3A_2, %dma_start3A] : memref<10000x128xf32, #tpu.memory_space<vmem_shared>> -> memref<520x128xf32, #tpu.memory_space<vmem_shared>>
        %dma_start3A_29 = arith.constant 0 : i32
        %dma_start3A_30 = tpu.memref_slice %arg5[%mul3A_2, %dma_start3A_29] : memref<10000x128xf32, #tpu.memory_space<hbm>> -> memref<520x128xf32, #tpu.memory_space<hbm>>
        tpu.enqueue_dma source(%dma_start3A_30 : memref<520x128xf32, #tpu.memory_space<hbm>>) target(%dma_start3A_28 : memref<520x128xf32, #tpu.memory_space<vmem_shared>>) target_semaphore(%run_scoped3A : memref<!tpu.dma_semaphore, #tpu.memory_space<semaphore_mem>>)
        %dma_wait3A = arith.constant 0 : i32
        %dma_wait3A_31 = tpu.memref_slice %arg10[%mul3A_2, %dma_wait3A] : memref<10000x128xf32, #tpu.memory_space<vmem_shared>> -> memref<520x128xf32, #tpu.memory_space<vmem_shared>>
        %dma_wait3A_32 = arith.constant 0 : i32
        %dma_wait3A_33 = tpu.memref_slice %arg5[%mul3A_2, %dma_wait3A_32] : memref<10000x128xf32, #tpu.memory_space<hbm>> -> memref<520x128xf32, #tpu.memory_space<hbm>>
        tpu.wait_dma2 semaphore(%run_scoped3A : memref<!tpu.dma_semaphore, #tpu.memory_space<semaphore_mem>>) src(%dma_wait3A_33 : memref<520x128xf32, #tpu.memory_space<hbm>>) dst(%dma_wait3A_31 : memref<520x128xf32, #tpu.memory_space<vmem_shared>>)
        tpu.yield
      }) : () -> ()
    } else {
    }
    %barrier3A = arith.constant 0 : index
    tpu.barrier barrier_id(%barrier3A)
    %mul3A_9 = arith.constant 10000 : i32
    %mul3A_10 = arith.muli %add3A, %mul3A_9 : i32
    %scan3A = arith.constant 0 : i32
    %scan3A_11 = arith.constant 0 : i32
    %scan3A_12 = arith.constant 125 : i32
    %scan3A_13 = arith.addi %scan3A_11, %scan3A_12 : i32
    %scan3A_14 = arith.constant 1 : i32
    %scan3A_15 = scf.for %scan3A_28 = %scan3A_11 to %scan3A_13 step %scan3A_14 iter_args(%scan3A_29 = %scan3A) -> (i32)  : i32 {
      %mul3A_30 = arith.constant 80 : i32
      %mul3A_31 = arith.muli %scan3A_28, %mul3A_30 : i32
      %add3A_32 = arith.addi %mul3A_10, %mul3A_31 : i32
      "tpu.region"() ({
        %run_scoped3A = tpu.sem_alloc : memref<!tpu.dma_semaphore, #tpu.memory_space<semaphore_mem>>
        %dma_start3A = tpu.memref_slice %arg3[%add3A_32] : memref<320000xi32, #tpu.memory_space<hbm>> -> memref<80xi32, #tpu.memory_space<hbm>>
        %dma_start3A_34 = tpu.memref_slice %arg3[%add3A_32] : memref<320000xi32, #tpu.memory_space<hbm>> -> memref<80xi32, #tpu.memory_space<hbm>>
        tpu.enqueue_dma source(%dma_start3A_34 : memref<80xi32, #tpu.memory_space<hbm>>) target(%arg7 : memref<80xi32, #tpu.memory_space<vmem>>) target_semaphore(%run_scoped3A : memref<!tpu.dma_semaphore, #tpu.memory_space<semaphore_mem>>)
        %dma_wait3A = tpu.memref_slice %arg3[%add3A_32] : memref<320000xi32, #tpu.memory_space<hbm>> -> memref<80xi32, #tpu.memory_space<hbm>>
        %dma_wait3A_35 = tpu.memref_slice %arg3[%add3A_32] : memref<320000xi32, #tpu.memory_space<hbm>> -> memref<80xi32, #tpu.memory_space<hbm>>
        tpu.wait_dma2 semaphore(%run_scoped3A : memref<!tpu.dma_semaphore, #tpu.memory_space<semaphore_mem>>) src(%dma_wait3A_35 : memref<80xi32, #tpu.memory_space<hbm>>) dst(%arg7 : memref<80xi32, #tpu.memory_space<vmem>>)
        tpu.yield
      }) : () -> ()
      "tpu.region"() ({
        %run_scoped3A = tpu.sem_alloc : memref<!tpu.dma_semaphore, #tpu.memory_space<semaphore_mem>>
        %dma_start3A = tpu.memref_slice %arg4[%add3A_32] : memref<320000xi32, #tpu.memory_space<hbm>> -> memref<80xi32, #tpu.memory_space<hbm>>
        %dma_start3A_34 = tpu.memref_slice %arg4[%add3A_32] : memref<320000xi32, #tpu.memory_space<hbm>> -> memref<80xi32, #tpu.memory_space<hbm>>
        tpu.enqueue_dma source(%dma_start3A_34 : memref<80xi32, #tpu.memory_space<hbm>>) target(%arg8 : memref<80xi32, #tpu.memory_space<vmem>>) target_semaphore(%run_scoped3A : memref<!tpu.dma_semaphore, #tpu.memory_space<semaphore_mem>>)
        %dma_wait3A = tpu.memref_slice %arg4[%add3A_32] : memref<320000xi32, #tpu.memory_space<hbm>> -> memref<80xi32, #tpu.memory_space<hbm>>
        %dma_wait3A_35 = tpu.memref_slice %arg4[%add3A_32] : memref<320000xi32, #tpu.memory_space<hbm>> -> memref<80xi32, #tpu.memory_space<hbm>>
        tpu.wait_dma2 semaphore(%run_scoped3A : memref<!tpu.dma_semaphore, #tpu.memory_space<semaphore_mem>>) src(%dma_wait3A_35 : memref<80xi32, #tpu.memory_space<hbm>>) dst(%arg8 : memref<80xi32, #tpu.memory_space<vmem>>)
        tpu.yield
      }) : () -> ()
      "tpu.region"() ({
        %run_scoped3A = tpu.sem_alloc : memref<!tpu.dma_semaphore, #tpu.memory_space<semaphore_mem>>
        %dma_start3A = arith.constant 0 : i32
        %dma_start3A_34 = arith.constant 0 : i32
        %dma_start3A_35 = tpu.memref_slice %arg2[%dma_start3A, %dma_start3A_34] : memref<320000x128xf32, #tpu.memory_space<hbm>> -> memref<320000x128xf32, #tpu.memory_space<hbm>>
        tpu.enqueue_indirect_dma source(%dma_start3A_35 : memref<320000x128xf32, #tpu.memory_space<hbm>>) target(%arg9 : memref<80x128xf32, #tpu.memory_space<vmem>>) offsets(%arg8 : memref<80xi32, #tpu.memory_space<vmem>>) semaphore(%run_scoped3A : memref<!tpu.dma_semaphore, #tpu.memory_space<semaphore_mem>>)
        %dma_wait3A = arith.constant 0 : i32
        %dma_wait3A_36 = arith.constant 0 : i32
        %dma_wait3A_37 = tpu.memref_slice %arg2[%dma_wait3A, %dma_wait3A_36] : memref<320000x128xf32, #tpu.memory_space<hbm>> -> memref<320000x128xf32, #tpu.memory_space<hbm>>
        tpu.wait_indirect_dma semaphore(%run_scoped3A : memref<!tpu.dma_semaphore, #tpu.memory_space<semaphore_mem>>) src(%dma_wait3A_37 : memref<320000x128xf32, #tpu.memory_space<hbm>>) dst(%arg9 : memref<80x128xf32, #tpu.memory_space<vmem>>)
        tpu.yield
      }) : () -> ()
      "tpu.region"() ({
        %run_scoped3A = tpu.sem_alloc : memref<!tpu.dma_semaphore, #tpu.memory_space<semaphore_mem>>
        %dma_start3A = arith.constant 0 : i32
        %dma_start3A_34 = arith.constant 0 : i32
        %dma_start3A_35 = tpu.memref_slice %arg10[%dma_start3A, %dma_start3A_34] : memref<10000x128xf32, #tpu.memory_space<vmem_shared>> -> memref<10000x128xf32, #tpu.memory_space<vmem_shared>>
        tpu.enqueue_indirect_dma source(%arg9 : memref<80x128xf32, #tpu.memory_space<vmem>>) target(%dma_start3A_35 : memref<10000x128xf32, #tpu.memory_space<vmem_shared>>) offsets(%arg7 : memref<80xi32, #tpu.memory_space<vmem>>) semaphore(%run_scoped3A : memref<!tpu.dma_semaphore, #tpu.memory_space<semaphore_mem>>) {add = true}
        %dma_wait3A = arith.constant 0 : i32
        %dma_wait3A_36 = arith.constant 0 : i32
        %dma_wait3A_37 = tpu.memref_slice %arg10[%dma_wait3A, %dma_wait3A_36] : memref<10000x128xf32, #tpu.memory_space<vmem_shared>> -> memref<10000x128xf32, #tpu.memory_space<vmem_shared>>
        tpu.wait_indirect_dma semaphore(%run_scoped3A : memref<!tpu.dma_semaphore, #tpu.memory_space<semaphore_mem>>) src(%arg9 : memref<80x128xf32, #tpu.memory_space<vmem>>) dst(%dma_wait3A_37 : memref<10000x128xf32, #tpu.memory_space<vmem_shared>>)
        tpu.yield
      }) : () -> ()
      %scan3A_33 = arith.constant 0 : i32
      scf.yield %scan3A_33 : i32
    }
    %scan3A_16 = arith.constant 125 : i32
    %barrier3A_17 = arith.constant 0 : index
    tpu.barrier barrier_id(%barrier3A_17)
    %lt3A_18 = arith.constant 15 : i32
    %lt3A_19 = arith.cmpi slt, %arg1, %lt3A_18 : i32
    %convert_element_type3A_20 = arith.extui %lt3A_19 : i1 to i32
    %cond3A_21 = arith.constant 0 : i32
    %cond3A_22 = arith.cmpi ne, %convert_element_type3A_20, %cond3A_21 : i32
    scf.if %cond3A_22 {
      "tpu.region"() ({
        %run_scoped3A = tpu.sem_alloc : memref<!tpu.dma_semaphore, #tpu.memory_space<semaphore_mem>>
        %dma_start3A = arith.constant 0 : i32
        %dma_start3A_28 = tpu.memref_slice %arg6[%arg0, %mul3A_2, %dma_start3A] : memref<2x10000x128xf32, #tpu.memory_space<hbm>> -> memref<1x632x128xf32, #tpu.memory_space<hbm>>
        %dma_start3A_29 = tpu.memref_squeeze %dma_start3A_28 : memref<1x632x128xf32, #tpu.memory_space<hbm>> -> memref<632x128xf32, #tpu.memory_space<hbm>>
        %dma_start3A_30 = arith.constant 0 : i32
        %dma_start3A_31 = tpu.memref_slice %arg10[%mul3A_2, %dma_start3A_30] : memref<10000x128xf32, #tpu.memory_space<vmem_shared>> -> memref<632x128xf32, #tpu.memory_space<vmem_shared>>
        tpu.enqueue_dma source(%dma_start3A_31 : memref<632x128xf32, #tpu.memory_space<vmem_shared>>) target(%dma_start3A_29 : memref<632x128xf32, #tpu.memory_space<hbm>>) target_semaphore(%run_scoped3A : memref<!tpu.dma_semaphore, #tpu.memory_space<semaphore_mem>>)
        %dma_wait3A = arith.constant 0 : i32
        %dma_wait3A_32 = tpu.memref_slice %arg6[%arg0, %mul3A_2, %dma_wait3A] : memref<2x10000x128xf32, #tpu.memory_space<hbm>> -> memref<1x632x128xf32, #tpu.memory_space<hbm>>
        %dma_wait3A_33 = tpu.memref_squeeze %dma_wait3A_32 : memref<1x632x128xf32, #tpu.memory_space<hbm>> -> memref<632x128xf32, #tpu.memory_space<hbm>>
        %dma_wait3A_34 = arith.constant 0 : i32
        %dma_wait3A_35 = tpu.memref_slice %arg10[%mul3A_2, %dma_wait3A_34] : memref<10000x128xf32, #tpu.memory_space<vmem_shared>> -> memref<632x128xf32, #tpu.memory_space<vmem_shared>>
        tpu.wait_dma2 semaphore(%run_scoped3A : memref<!tpu.dma_semaphore, #tpu.memory_space<semaphore_mem>>) src(%dma_wait3A_35 : memref<632x128xf32, #tpu.memory_space<vmem_shared>>) dst(%dma_wait3A_33 : memref<632x128xf32, #tpu.memory_space<hbm>>)
        tpu.yield
      }) : () -> ()
    } else {
    }
    %eq3A_23 = arith.constant 15 : i32
    %eq3A_24 = arith.cmpi eq, %arg1, %eq3A_23 : i32
    %convert_element_type3A_25 = arith.extui %eq3A_24 : i1 to i32
    %cond3A_26 = arith.constant 0 : i32
    %cond3A_27 = arith.cmpi ne, %convert_element_type3A_25, %cond3A_26 : i32
    scf.if %cond3A_27 {
      "tpu.region"() ({
        %run_scoped3A = tpu.sem_alloc : memref<!tpu.dma_semaphore, #tpu.memory_space<semaphore_mem>>
        %dma_start3A = arith.constant 0 : i32
        %dma_start3A_28 = tpu.memref_slice %arg6[%arg0, %mul3A_2, %dma_start3A] : memref<2x10000x128xf32, #tpu.memory_space<hbm>> -> memref<1x520x128xf32, #tpu.memory_space<hbm>>
        %dma_start3A_29 = tpu.memref_squeeze %dma_start3A_28 : memref<1x520x128xf32, #tpu.memory_space<hbm>> -> memref<520x128xf32, #tpu.memory_space<hbm>>
        %dma_start3A_30 = arith.constant 0 : i32
        %dma_start3A_31 = tpu.memref_slice %arg10[%mul3A_2, %dma_start3A_30] : memref<10000x128xf32, #tpu.memory_space<vmem_shared>> -> memref<520x128xf32, #tpu.memory_space<vmem_shared>>
        tpu.enqueue_dma source(%dma_start3A_31 : memref<520x128xf32, #tpu.memory_space<vmem_shared>>) target(%dma_start3A_29 : memref<520x128xf32, #tpu.memory_space<hbm>>) target_semaphore(%run_scoped3A : memref<!tpu.dma_semaphore, #tpu.memory_space<semaphore_mem>>)
        %dma_wait3A = arith.constant 0 : i32
        %dma_wait3A_32 = tpu.memref_slice %arg6[%arg0, %mul3A_2, %dma_wait3A] : memref<2x10000x128xf32, #tpu.memory_space<hbm>> -> memref<1x520x128xf32, #tpu.memory_space<hbm>>
        %dma_wait3A_33 = tpu.memref_squeeze %dma_wait3A_32 : memref<1x520x128xf32, #tpu.memory_space<hbm>> -> memref<520x128xf32, #tpu.memory_space<hbm>>
        %dma_wait3A_34 = arith.constant 0 : i32
        %dma_wait3A_35 = tpu.memref_slice %arg10[%mul3A_2, %dma_wait3A_34] : memref<10000x128xf32, #tpu.memory_space<vmem_shared>> -> memref<520x128xf32, #tpu.memory_space<vmem_shared>>
        tpu.wait_dma2 semaphore(%run_scoped3A : memref<!tpu.dma_semaphore, #tpu.memory_space<semaphore_mem>>) src(%dma_wait3A_35 : memref<520x128xf32, #tpu.memory_space<vmem_shared>>) dst(%dma_wait3A_33 : memref<520x128xf32, #tpu.memory_space<hbm>>)
        tpu.yield
      }) : () -> ()
    } else {
    }
    return
  }
}

module attributes {stable_mosaic.version = 14 : i64} {
  func.func @body(%arg0: memref<10000x128xf32, #tpu.memory_space<vmem>>, %arg1: memref<128x128xf32, #tpu.memory_space<vmem>>, %arg2: memref<128x128xf32, #tpu.memory_space<vmem>>, %arg3: memref<10000x128xf32, #tpu.memory_space<vmem>>, %arg4: memref<10000x128xf32, #tpu.memory_space<vmem>>) attributes {dimension_semantics = [], scalar_prefetch = 0 : i64, scratch_operands = 0 : i64, tpu.core_type = #tpu.core_type<tc>} {
    %get3A = arith.constant 0 : index
    %get3A_0 = arith.constant 0 : index
    %get3A_1 = vector.load %arg0[%get3A, %get3A_0] : memref<10000x128xf32, #tpu.memory_space<vmem>>, vector<10000x128xf32>
    %get3A_2 = arith.constant 0 : index
    %get3A_3 = arith.constant 0 : index
    %get3A_4 = vector.load %arg1[%get3A_2, %get3A_3] : memref<128x128xf32, #tpu.memory_space<vmem>>, vector<128x128xf32>
    %dot_general3A = arith.constant dense<0.000000e+00> : vector<10000x128xf32>
    %dot_general3A_5 = tpu.matmul %get3A_1, %get3A_4, %dot_general3A {dimension_numbers = #tpu.dot_dimension_numbers<[1], [0], [0], [1], [0, 0, 1, 1], [], []>, transpose_lhs_hint = false} : vector<10000x128xf32>, vector<128x128xf32>, vector<10000x128xf32> -> vector<10000x128xf32>
    %swap3A = arith.constant 0 : index
    %swap3A_6 = arith.constant 0 : index
    %swap3A_7 = vector.load %arg3[%swap3A, %swap3A_6] : memref<10000x128xf32, #tpu.memory_space<vmem>>, vector<10000x128xf32>
    tpu.vector_store %arg3[%swap3A, %swap3A_6], %dot_general3A_5 {strides = array<i32>} : memref<10000x128xf32, #tpu.memory_space<vmem>>, vector<10000x128xf32>,
    %get3A_8 = arith.constant 0 : index
    %get3A_9 = arith.constant 0 : index
    %get3A_10 = vector.load %arg2[%get3A_8, %get3A_9] : memref<128x128xf32, #tpu.memory_space<vmem>>, vector<128x128xf32>
    %dot_general3A_11 = arith.constant dense<0.000000e+00> : vector<10000x128xf32>
    %dot_general3A_12 = tpu.matmul %get3A_1, %get3A_10, %dot_general3A_11 {dimension_numbers = #tpu.dot_dimension_numbers<[1], [0], [0], [1], [0, 0, 1, 1], [], []>, transpose_lhs_hint = false} : vector<10000x128xf32>, vector<128x128xf32>, vector<10000x128xf32> -> vector<10000x128xf32>
    %swap3A_13 = arith.constant 0 : index
    %swap3A_14 = arith.constant 0 : index
    %swap3A_15 = vector.load %arg4[%swap3A_13, %swap3A_14] : memref<10000x128xf32, #tpu.memory_space<vmem>>, vector<10000x128xf32>
    tpu.vector_store %arg4[%swap3A_13, %swap3A_14], %dot_general3A_12 {strides = array<i32>} : memref<10000x128xf32, #tpu.memory_space<vmem>>, vector<10000x128xf32>,
    return
  }
}

module attributes {stable_mosaic.version = 14 : i64} {
  func.func @body(%arg0: i32, %arg1: memref<512x128xf32, #tpu.memory_space<vmem>>, %arg2: memref<512x8xf32, #tpu.memory_space<vmem>>, %arg3: memref<1x128xf32, #tpu.memory_space<vmem>>, %arg4: memref<1x128xf32, #tpu.memory_space<vmem>>, %arg5: memref<2x128xf32, #tpu.memory_space<vmem>>) attributes {dimension_semantics = [#tpu.dimension_semantics<arbitrary>], iteration_bounds = array<i64: 625>, scalar_prefetch = 0 : i64, scratch_operands = 0 : i64, tpu.core_type = #tpu.core_type<tc>, window_params = [{transform_indices = @transform_0, window_bounds = array<i64: 512, 128>}, {transform_indices = @transform_1, window_bounds = array<i64: 512, 8>}, {pipeline_mode = #tpu.pipeline_mode<synchronous>, transform_indices = @transform_2, window_bounds = array<i64: 1, 128>}, {pipeline_mode = #tpu.pipeline_mode<synchronous>, transform_indices = @transform_3, window_bounds = array<i64: 1, 128>}, {pipeline_mode = #tpu.pipeline_mode<synchronous>, transform_indices = @transform_4, window_bounds = array<i64: 2, 128>}]} {
    %eq3A = arith.constant 0 : i32
    %eq3A_0 = arith.cmpi eq, %arg0, %eq3A : i32
    %convert_element_type3A = arith.extui %eq3A_0 : i1 to i32
    %cond3A = arith.constant 0 : i32
    %cond3A_1 = arith.cmpi ne, %convert_element_type3A, %cond3A : i32
    scf.if %cond3A_1 {
      %broadcast_in_dim3A_75 = arith.constant 0.000000e+00 : f32
      %broadcast_in_dim3A_76 = vector.broadcast %broadcast_in_dim3A_75 : f32 to vector<2x128xf32>
      %swap3A_77 = arith.constant 0 : index
      %swap3A_78 = arith.constant 0 : index
      %swap3A_79 = vector.load %arg5[%swap3A_77, %swap3A_78] : memref<2x128xf32, #tpu.memory_space<vmem>>, vector<2x128xf32>
      tpu.vector_store %arg5[%swap3A_77, %swap3A_78], %broadcast_in_dim3A_76 {strides = array<i32>} : memref<2x128xf32, #tpu.memory_space<vmem>>, vector<2x128xf32>,
    } else {
    }
    %get3A = arith.constant 0 : index
    %get3A_2 = arith.constant 0 : index
    %get3A_3 = vector.load %arg1[%get3A, %get3A_2] : memref<512x128xf32, #tpu.memory_space<vmem>>, vector<512x128xf32>
    %get3A_4 = arith.constant 0 : index
    %get3A_5 = arith.constant 4 : index
    %get3A_6 = vector.load %arg2[%get3A_4, %get3A_5] : memref<512x8xf32, #tpu.memory_space<vmem>>, vector<512x1xf32>
    %get3A_7 = arith.constant 0 : index
    %get3A_8 = arith.constant 5 : index
    %get3A_9 = vector.load %arg2[%get3A_7, %get3A_8] : memref<512x8xf32, #tpu.memory_space<vmem>>, vector<512x1xf32>
    %sign3A = tpu.bitcast %get3A_6 : vector<512x1xf32> -> vector<512x1xi32>
    %sign3A_10 = arith.constant -2147483648 : i32
    %sign3A_11 = vector.broadcast %sign3A_10 : i32 to vector<512x1xi32>
    %sign3A_12 = arith.andi %sign3A, %sign3A_11 : vector<512x1xi32>
    %sign3A_13 = arith.constant 1065353216 : i32
    %sign3A_14 = vector.broadcast %sign3A_13 : i32 to vector<512x1xi32>
    %sign3A_15 = arith.ori %sign3A_14, %sign3A_12 : vector<512x1xi32>
    %sign3A_16 = tpu.bitcast %sign3A_15 : vector<512x1xi32> -> vector<512x1xf32>
    %sign3A_17 = math.absf %get3A_6 : vector<512x1xf32>
    %sign3A_18 = arith.constant 0.000000e+00 : f32
    %sign3A_19 = vector.broadcast %sign3A_18 : f32 to vector<512x1xf32>
    %sign3A_20 = arith.cmpf ogt, %sign3A_17, %sign3A_19 : vector<512x1xf32>
    %sign3A_21 = arith.select %sign3A_20, %sign3A_16, %get3A_6 : vector<512x1xi1>, vector<512x1xf32>
    %abs3A = math.absf %get3A_6 : vector<512x1xf32>
    %add3A = arith.constant 1.000000e+00 : f32
    %add3A_22 = vector.broadcast %add3A : f32 to vector<512x1xf32>
    %add3A_23 = arith.addf %abs3A, %add3A_22 : vector<512x1xf32>
    %log3A = math.log %add3A_23 : vector<512x1xf32>
    %mul3A = arith.mulf %sign3A_21, %log3A : vector<512x1xf32>
    %get3A_24 = arith.constant 0 : index
    %get3A_25 = arith.constant 0 : index
    %get3A_26 = vector.load %arg3[%get3A_24, %get3A_25] : memref<1x128xf32, #tpu.memory_space<vmem>>, vector<1x128xf32>
    %mul3A_27 = vector.broadcast %mul3A : vector<512x1xf32> to vector<512x128xf32>
    %mul3A_28 = vector.broadcast %get3A_26 : vector<1x128xf32> to vector<512x128xf32>
    %mul3A_29 = arith.mulf %mul3A_27, %mul3A_28 : vector<512x128xf32>
    %add3A_30 = arith.addf %get3A_3, %mul3A_29 : vector<512x128xf32>
    %sign3A_31 = tpu.bitcast %get3A_9 : vector<512x1xf32> -> vector<512x1xi32>
    %sign3A_32 = arith.constant -2147483648 : i32
    %sign3A_33 = vector.broadcast %sign3A_32 : i32 to vector<512x1xi32>
    %sign3A_34 = arith.andi %sign3A_31, %sign3A_33 : vector<512x1xi32>
    %sign3A_35 = arith.constant 1065353216 : i32
    %sign3A_36 = vector.broadcast %sign3A_35 : i32 to vector<512x1xi32>
    %sign3A_37 = arith.ori %sign3A_36, %sign3A_34 : vector<512x1xi32>
    %sign3A_38 = tpu.bitcast %sign3A_37 : vector<512x1xi32> -> vector<512x1xf32>
    %sign3A_39 = math.absf %get3A_9 : vector<512x1xf32>
    %sign3A_40 = arith.constant 0.000000e+00 : f32
    %sign3A_41 = vector.broadcast %sign3A_40 : f32 to vector<512x1xf32>
    %sign3A_42 = arith.cmpf ogt, %sign3A_39, %sign3A_41 : vector<512x1xf32>
    %sign3A_43 = arith.select %sign3A_42, %sign3A_38, %get3A_9 : vector<512x1xi1>, vector<512x1xf32>
    %abs3A_44 = math.absf %get3A_9 : vector<512x1xf32>
    %add3A_45 = arith.constant 1.000000e+00 : f32
    %add3A_46 = vector.broadcast %add3A_45 : f32 to vector<512x1xf32>
    %add3A_47 = arith.addf %abs3A_44, %add3A_46 : vector<512x1xf32>
    %log3A_48 = math.log %add3A_47 : vector<512x1xf32>
    %mul3A_49 = arith.mulf %sign3A_43, %log3A_48 : vector<512x1xf32>
    %get3A_50 = arith.constant 0 : index
    %get3A_51 = arith.constant 0 : index
    %get3A_52 = vector.load %arg4[%get3A_50, %get3A_51] : memref<1x128xf32, #tpu.memory_space<vmem>>, vector<1x128xf32>
    %mul3A_53 = vector.broadcast %mul3A_49 : vector<512x1xf32> to vector<512x128xf32>
    %mul3A_54 = vector.broadcast %get3A_52 : vector<1x128xf32> to vector<512x128xf32>
    %mul3A_55 = arith.mulf %mul3A_53, %mul3A_54 : vector<512x128xf32>
    %add3A_56 = arith.addf %add3A_30, %mul3A_55 : vector<512x128xf32>
    %get3A_57 = arith.constant 0 : index
    %get3A_58 = arith.constant 0 : index
    %get3A_59 = vector.load %arg5[%get3A_57, %get3A_58] : memref<2x128xf32, #tpu.memory_space<vmem>>, vector<1x128xf32>
    %reduce_sum3A = arith.constant dense<0.000000e+00> : vector<128xf32>
    %reduce_sum3A_60 = vector.multi_reduction <add>, %add3A_56, %reduce_sum3A [0] : vector<512x128xf32> to vector<128xf32>
    %broadcast_in_dim3A = vector.shape_cast %reduce_sum3A_60 : vector<128xf32> to vector<1x128xf32>
    %add3A_61 = arith.addf %get3A_59, %broadcast_in_dim3A : vector<1x128xf32>
    %swap3A = arith.constant 0 : index
    %swap3A_62 = arith.constant 0 : index
    %swap3A_63 = vector.load %arg5[%swap3A, %swap3A_62] : memref<2x128xf32, #tpu.memory_space<vmem>>, vector<1x128xf32>
    tpu.vector_store %arg5[%swap3A, %swap3A_62], %add3A_61 {strides = array<i32>} : memref<2x128xf32, #tpu.memory_space<vmem>>, vector<1x128xf32>,
    %get3A_64 = arith.constant 1 : index
    %get3A_65 = arith.constant 0 : index
    %get3A_66 = vector.load %arg5[%get3A_64, %get3A_65] : memref<2x128xf32, #tpu.memory_space<vmem>>, vector<1x128xf32>
    %mul3A_67 = arith.mulf %add3A_56, %add3A_56 : vector<512x128xf32>
    %reduce_sum3A_68 = arith.constant dense<0.000000e+00> : vector<128xf32>
    %reduce_sum3A_69 = vector.multi_reduction <add>, %mul3A_67, %reduce_sum3A_68 [0] : vector<512x128xf32> to vector<128xf32>
    %broadcast_in_dim3A_70 = vector.shape_cast %reduce_sum3A_69 : vector<128xf32> to vector<1x128xf32>
    %add3A_71 = arith.addf %get3A_66, %broadcast_in_dim3A_70 : vector<1x128xf32>
    %swap3A_72 = arith.constant 1 : index
    %swap3A_73 = arith.constant 0 : index
    %swap3A_74 = vector.load %arg5[%swap3A_72, %swap3A_73] : memref<2x128xf32, #tpu.memory_space<vmem>>, vector<1x128xf32>
    tpu.vector_store %arg5[%swap3A_72, %swap3A_73], %add3A_71 {strides = array<i32>} : memref<2x128xf32, #tpu.memory_space<vmem>>, vector<1x128xf32>,
    return
  }
  func.func @transform_0(%arg0: i32) -> (i32, i32) {
    %c0_i32 = arith.constant 0 : i32
    %c0_i32_0 = arith.constant 0 : i32
    return %arg0, %c0_i32 : i32, i32
  }
  func.func @transform_1(%arg0: i32) -> (i32, i32) {
    %c0_i32 = arith.constant 0 : i32
    %c0_i32_0 = arith.constant 0 : i32
    return %arg0, %c0_i32 : i32, i32
  }
  func.func @transform_2(%arg0: i32) -> (i32, i32) {
    %c0_i32 = arith.constant 0 : i32
    %c0_i32_0 = arith.constant 0 : i32
    %c0_i32_1 = arith.constant 0 : i32
    return %c0_i32, %c0_i32_0 : i32, i32
  }
  func.func @transform_3(%arg0: i32) -> (i32, i32) {
    %c0_i32 = arith.constant 0 : i32
    %c0_i32_0 = arith.constant 0 : i32
    %c0_i32_1 = arith.constant 0 : i32
    return %c0_i32, %c0_i32_0 : i32, i32
  }
  func.func @transform_4(%arg0: i32) -> (i32, i32) {
    %c0_i32 = arith.constant 0 : i32
    %c0_i32_0 = arith.constant 0 : i32
    %c0_i32_1 = arith.constant 0 : i32
    return %c0_i32, %c0_i32_0 : i32, i32
  }
}

module attributes {stable_mosaic.version = 14 : i64} {
  func.func @body(%arg0: i32, %arg1: memref<512x128xf32, #tpu.memory_space<vmem>>, %arg2: memref<512x8xf32, #tpu.memory_space<vmem>>, %arg3: memref<1x128xf32, #tpu.memory_space<vmem>>, %arg4: memref<1x128xf32, #tpu.memory_space<vmem>>, %arg5: memref<1x128xf32, #tpu.memory_space<vmem>>, %arg6: memref<1x128xf32, #tpu.memory_space<vmem>>, %arg7: memref<128x128xf32, #tpu.memory_space<vmem>>, %arg8: memref<1x128xf32, #tpu.memory_space<vmem>>, %arg9: memref<1x128xf32, #tpu.memory_space<vmem>>, %arg10: memref<1x1xf32, #tpu.memory_space<vmem>>, %arg11: memref<128x128xf32, #tpu.memory_space<vmem>>, %arg12: memref<1x128xf32, #tpu.memory_space<vmem>>, %arg13: memref<1x128xf32, #tpu.memory_space<vmem>>, %arg14: memref<512x128xf32, #tpu.memory_space<vmem>>, %arg15: memref<512x128xf32, #tpu.memory_space<vmem>>) attributes {dimension_semantics = [#tpu.dimension_semantics<arbitrary>], iteration_bounds = array<i64: 625>, scalar_prefetch = 0 : i64, scratch_operands = 0 : i64, tpu.core_type = #tpu.core_type<tc>, window_params = [{transform_indices = @transform_0, window_bounds = array<i64: 512, 128>}, {transform_indices = @transform_1, window_bounds = array<i64: 512, 8>}, {pipeline_mode = #tpu.pipeline_mode<synchronous>, transform_indices = @transform_2, window_bounds = array<i64: 1, 128>}, {pipeline_mode = #tpu.pipeline_mode<synchronous>, transform_indices = @transform_3, window_bounds = array<i64: 1, 128>}, {pipeline_mode = #tpu.pipeline_mode<synchronous>, transform_indices = @transform_4, window_bounds = array<i64: 1, 128>}, {pipeline_mode = #tpu.pipeline_mode<synchronous>, transform_indices = @transform_5, window_bounds = array<i64: 1, 128>}, {pipeline_mode = #tpu.pipeline_mode<synchronous>, transform_indices = @transform_6, window_bounds = array<i64: 128, 128>}, {pipeline_mode = #tpu.pipeline_mode<synchronous>, transform_indices = @transform_7, window_bounds = array<i64: 1, 128>}, {pipeline_mode = #tpu.pipeline_mode<synchronous>, transform_indices = @transform_8, window_bounds = array<i64: 1, 128>}, {pipeline_mode = #tpu.pipeline_mode<synchronous>, transform_indices = @transform_9, window_bounds = array<i64: 1, 1>}, {pipeline_mode = #tpu.pipeline_mode<synchronous>, transform_indices = @transform_10, window_bounds = array<i64: 128, 128>}, {pipeline_mode = #tpu.pipeline_mode<synchronous>, transform_indices = @transform_11, window_bounds = array<i64: 1, 128>}, {pipeline_mode = #tpu.pipeline_mode<synchronous>, transform_indices = @transform_12, window_bounds = array<i64: 1, 128>}, {transform_indices = @transform_13, window_bounds = array<i64: 512, 128>}, {transform_indices = @transform_14, window_bounds = array<i64: 512, 128>}]} {
    %get3A = arith.constant 0 : index
    %get3A_0 = arith.constant 0 : index
    %get3A_1 = vector.load %arg1[%get3A, %get3A_0] : memref<512x128xf32, #tpu.memory_space<vmem>>, vector<512x128xf32>
    %get3A_2 = arith.constant 0 : index
    %get3A_3 = arith.constant 4 : index
    %get3A_4 = vector.load %arg2[%get3A_2, %get3A_3] : memref<512x8xf32, #tpu.memory_space<vmem>>, vector<512x1xf32>
    %get3A_5 = arith.constant 0 : index
    %get3A_6 = arith.constant 5 : index
    %get3A_7 = vector.load %arg2[%get3A_5, %get3A_6] : memref<512x8xf32, #tpu.memory_space<vmem>>, vector<512x1xf32>
    %sign3A = tpu.bitcast %get3A_4 : vector<512x1xf32> -> vector<512x1xi32>
    %sign3A_8 = arith.constant -2147483648 : i32
    %sign3A_9 = vector.broadcast %sign3A_8 : i32 to vector<512x1xi32>
    %sign3A_10 = arith.andi %sign3A, %sign3A_9 : vector<512x1xi32>
    %sign3A_11 = arith.constant 1065353216 : i32
    %sign3A_12 = vector.broadcast %sign3A_11 : i32 to vector<512x1xi32>
    %sign3A_13 = arith.ori %sign3A_12, %sign3A_10 : vector<512x1xi32>
    %sign3A_14 = tpu.bitcast %sign3A_13 : vector<512x1xi32> -> vector<512x1xf32>
    %sign3A_15 = math.absf %get3A_4 : vector<512x1xf32>
    %sign3A_16 = arith.constant 0.000000e+00 : f32
    %sign3A_17 = vector.broadcast %sign3A_16 : f32 to vector<512x1xf32>
    %sign3A_18 = arith.cmpf ogt, %sign3A_15, %sign3A_17 : vector<512x1xf32>
    %sign3A_19 = arith.select %sign3A_18, %sign3A_14, %get3A_4 : vector<512x1xi1>, vector<512x1xf32>
    %abs3A = math.absf %get3A_4 : vector<512x1xf32>
    %add3A = arith.constant 1.000000e+00 : f32
    %add3A_20 = vector.broadcast %add3A : f32 to vector<512x1xf32>
    %add3A_21 = arith.addf %abs3A, %add3A_20 : vector<512x1xf32>
    %log3A = math.log %add3A_21 : vector<512x1xf32>
    %mul3A = arith.mulf %sign3A_19, %log3A : vector<512x1xf32>
    %get3A_22 = arith.constant 0 : index
    %get3A_23 = arith.constant 0 : index
    %get3A_24 = vector.load %arg3[%get3A_22, %get3A_23] : memref<1x128xf32, #tpu.memory_space<vmem>>, vector<1x128xf32>
    %mul3A_25 = vector.broadcast %mul3A : vector<512x1xf32> to vector<512x128xf32>
    %mul3A_26 = vector.broadcast %get3A_24 : vector<1x128xf32> to vector<512x128xf32>
    %mul3A_27 = arith.mulf %mul3A_25, %mul3A_26 : vector<512x128xf32>
    %add3A_28 = arith.addf %get3A_1, %mul3A_27 : vector<512x128xf32>
    %sign3A_29 = tpu.bitcast %get3A_7 : vector<512x1xf32> -> vector<512x1xi32>
    %sign3A_30 = arith.constant -2147483648 : i32
    %sign3A_31 = vector.broadcast %sign3A_30 : i32 to vector<512x1xi32>
    %sign3A_32 = arith.andi %sign3A_29, %sign3A_31 : vector<512x1xi32>
    %sign3A_33 = arith.constant 1065353216 : i32
    %sign3A_34 = vector.broadcast %sign3A_33 : i32 to vector<512x1xi32>
    %sign3A_35 = arith.ori %sign3A_34, %sign3A_32 : vector<512x1xi32>
    %sign3A_36 = tpu.bitcast %sign3A_35 : vector<512x1xi32> -> vector<512x1xf32>
    %sign3A_37 = math.absf %get3A_7 : vector<512x1xf32>
    %sign3A_38 = arith.constant 0.000000e+00 : f32
    %sign3A_39 = vector.broadcast %sign3A_38 : f32 to vector<512x1xf32>
    %sign3A_40 = arith.cmpf ogt, %sign3A_37, %sign3A_39 : vector<512x1xf32>
    %sign3A_41 = arith.select %sign3A_40, %sign3A_36, %get3A_7 : vector<512x1xi1>, vector<512x1xf32>
    %abs3A_42 = math.absf %get3A_7 : vector<512x1xf32>
    %add3A_43 = arith.constant 1.000000e+00 : f32
    %add3A_44 = vector.broadcast %add3A_43 : f32 to vector<512x1xf32>
    %add3A_45 = arith.addf %abs3A_42, %add3A_44 : vector<512x1xf32>
    %log3A_46 = math.log %add3A_45 : vector<512x1xf32>
    %mul3A_47 = arith.mulf %sign3A_41, %log3A_46 : vector<512x1xf32>
    %get3A_48 = arith.constant 0 : index
    %get3A_49 = arith.constant 0 : index
    %get3A_50 = vector.load %arg4[%get3A_48, %get3A_49] : memref<1x128xf32, #tpu.memory_space<vmem>>, vector<1x128xf32>
    %mul3A_51 = vector.broadcast %mul3A_47 : vector<512x1xf32> to vector<512x128xf32>
    %mul3A_52 = vector.broadcast %get3A_50 : vector<1x128xf32> to vector<512x128xf32>
    %mul3A_53 = arith.mulf %mul3A_51, %mul3A_52 : vector<512x128xf32>
    %add3A_54 = arith.addf %add3A_28, %mul3A_53 : vector<512x128xf32>
    %get3A_55 = arith.constant 0 : index
    %get3A_56 = arith.constant 0 : index
    %get3A_57 = vector.load %arg5[%get3A_55, %get3A_56] : memref<1x128xf32, #tpu.memory_space<vmem>>, vector<1x128xf32>
    %mul3A_58 = vector.broadcast %get3A_57 : vector<1x128xf32> to vector<512x128xf32>
    %mul3A_59 = arith.mulf %add3A_54, %mul3A_58 : vector<512x128xf32>
    %get3A_60 = arith.constant 0 : index
    %get3A_61 = arith.constant 0 : index
    %get3A_62 = vector.load %arg6[%get3A_60, %get3A_61] : memref<1x128xf32, #tpu.memory_space<vmem>>, vector<1x128xf32>
    %add3A_63 = vector.broadcast %get3A_62 : vector<1x128xf32> to vector<512x128xf32>
    %add3A_64 = arith.addf %mul3A_59, %add3A_63 : vector<512x128xf32>
    %max3A = arith.constant 0.000000e+00 : f32
    %max3A_65 = vector.broadcast %max3A : f32 to vector<512x128xf32>
    %max3A_66 = arith.maximumf %add3A_64, %max3A_65 : vector<512x128xf32>
    %get3A_67 = arith.constant 0 : index
    %get3A_68 = arith.constant 0 : index
    %get3A_69 = vector.load %arg7[%get3A_67, %get3A_68] : memref<128x128xf32, #tpu.memory_space<vmem>>, vector<128x128xf32>
    %dot_general3A = arith.constant dense<0.000000e+00> : vector<512x128xf32>
    %dot_general3A_70 = tpu.matmul %max3A_66, %get3A_69, %dot_general3A {dimension_numbers = #tpu.dot_dimension_numbers<[1], [0], [0], [1], [0, 0, 1, 1], [], []>, transpose_lhs_hint = false} : vector<512x128xf32>, vector<128x128xf32>, vector<512x128xf32> -> vector<512x128xf32>
    %get3A_71 = arith.constant 0 : index
    %get3A_72 = arith.constant 0 : index
    %get3A_73 = vector.load %arg8[%get3A_71, %get3A_72] : memref<1x128xf32, #tpu.memory_space<vmem>>, vector<1x128xf32>
    %add3A_74 = vector.broadcast %get3A_73 : vector<1x128xf32> to vector<512x128xf32>
    %add3A_75 = arith.addf %dot_general3A_70, %add3A_74 : vector<512x128xf32>
    %max3A_76 = arith.constant 0.000000e+00 : f32
    %max3A_77 = vector.broadcast %max3A_76 : f32 to vector<512x128xf32>
    %max3A_78 = arith.maximumf %add3A_75, %max3A_77 : vector<512x128xf32>
    %get3A_79 = arith.constant 0 : index
    %get3A_80 = arith.constant 0 : index
    %get3A_81 = vector.load %arg9[%get3A_79, %get3A_80] : memref<1x128xf32, #tpu.memory_space<vmem>>, vector<1x128xf32>
    %mul3A_82 = vector.broadcast %get3A_81 : vector<1x128xf32> to vector<512x128xf32>
    %mul3A_83 = arith.mulf %max3A_78, %mul3A_82 : vector<512x128xf32>
    %reduce_sum3A = arith.constant dense<0.000000e+00> : vector<512xf32>
    %reduce_sum3A_84 = vector.multi_reduction <add>, %mul3A_83, %reduce_sum3A [1] : vector<512x128xf32> to vector<512xf32>
    %broadcast_in_dim3A = vector.shape_cast %reduce_sum3A_84 : vector<512xf32> to vector<512x1xf32>
    %get3A_85 = arith.constant 0 : index
    %get3A_86 = arith.constant 0 : index
    %get3A_87 = vector.load %arg10[%get3A_85, %get3A_86] : memref<1x1xf32, #tpu.memory_space<vmem>>, vector<1x1xf32>
    %add3A_88 = vector.broadcast %get3A_87 : vector<1x1xf32> to vector<512x1xf32>
    %add3A_89 = arith.addf %broadcast_in_dim3A, %add3A_88 : vector<512x1xf32>
    %logistic3A = arith.negf %add3A_89 : vector<512x1xf32>
    %logistic3A_90 = math.exp %logistic3A : vector<512x1xf32>
    %logistic3A_91 = arith.constant 1.000000e+00 : f32
    %logistic3A_92 = vector.broadcast %logistic3A_91 : f32 to vector<512x1xf32>
    %logistic3A_93 = arith.addf %logistic3A_92, %logistic3A_90 : vector<512x1xf32>
    %logistic3A_94 = arith.divf %logistic3A_92, %logistic3A_93 : vector<512x1xf32>
    %mul3A_95 = vector.broadcast %logistic3A_94 : vector<512x1xf32> to vector<512x128xf32>
    %mul3A_96 = arith.mulf %max3A_78, %mul3A_95 : vector<512x128xf32>
    %swap3A = arith.constant 0 : index
    %swap3A_97 = arith.constant 0 : index
    %swap3A_98 = vector.load %arg14[%swap3A, %swap3A_97] : memref<512x128xf32, #tpu.memory_space<vmem>>, vector<512x128xf32>
    tpu.vector_store %arg14[%swap3A, %swap3A_97], %mul3A_96 {strides = array<i32>} : memref<512x128xf32, #tpu.memory_space<vmem>>, vector<512x128xf32>,
    %get3A_99 = arith.constant 0 : index
    %get3A_100 = arith.constant 0 : index
    %get3A_101 = vector.load %arg11[%get3A_99, %get3A_100] : memref<128x128xf32, #tpu.memory_space<vmem>>, vector<128x128xf32>
    %dot_general3A_102 = arith.constant dense<0.000000e+00> : vector<512x128xf32>
    %dot_general3A_103 = tpu.matmul %mul3A_96, %get3A_101, %dot_general3A_102 {dimension_numbers = #tpu.dot_dimension_numbers<[1], [0], [0], [1], [0, 0, 1, 1], [], []>, transpose_lhs_hint = false} : vector<512x128xf32>, vector<128x128xf32>, vector<512x128xf32> -> vector<512x128xf32>
    %get3A_104 = arith.constant 0 : index
    %get3A_105 = arith.constant 0 : index
    %get3A_106 = vector.load %arg12[%get3A_104, %get3A_105] : memref<1x128xf32, #tpu.memory_space<vmem>>, vector<1x128xf32>
    %add3A_107 = vector.broadcast %get3A_106 : vector<1x128xf32> to vector<512x128xf32>
    %add3A_108 = arith.addf %dot_general3A_103, %add3A_107 : vector<512x128xf32>
    %max3A_109 = arith.constant 0.000000e+00 : f32
    %max3A_110 = vector.broadcast %max3A_109 : f32 to vector<512x128xf32>
    %max3A_111 = arith.maximumf %add3A_108, %max3A_110 : vector<512x128xf32>
    %get3A_112 = arith.constant 0 : index
    %get3A_113 = arith.constant 0 : index
    %get3A_114 = vector.load %arg13[%get3A_112, %get3A_113] : memref<1x128xf32, #tpu.memory_space<vmem>>, vector<1x128xf32>
    %mul3A_115 = vector.broadcast %get3A_114 : vector<1x128xf32> to vector<512x128xf32>
    %mul3A_116 = arith.mulf %max3A_111, %mul3A_115 : vector<512x128xf32>
    %reduce_sum3A_117 = arith.constant dense<0.000000e+00> : vector<512xf32>
    %reduce_sum3A_118 = vector.multi_reduction <add>, %mul3A_116, %reduce_sum3A_117 [1] : vector<512x128xf32> to vector<512xf32>
    %broadcast_in_dim3A_119 = vector.shape_cast %reduce_sum3A_118 : vector<512xf32> to vector<512x1xf32>
    %get3A_120 = arith.constant 0 : index
    %get3A_121 = arith.constant 0 : index
    %get3A_122 = vector.load %arg2[%get3A_120, %get3A_121] : memref<512x8xf32, #tpu.memory_space<vmem>>, vector<512x1xf32>
    %mul3A_123 = arith.mulf %get3A_122, %broadcast_in_dim3A_119 : vector<512x1xf32>
    %jit3A = arith.constant -1.000000e+02 : f32
    %jit3A_124 = arith.constant 1.000000e+02 : f32
    %max3A_125 = vector.broadcast %jit3A : f32 to vector<512x1xf32>
    %max3A_126 = arith.maximumf %max3A_125, %mul3A_123 : vector<512x1xf32>
    %min3A = vector.broadcast %jit3A_124 : f32 to vector<512x1xf32>
    %min3A_127 = arith.minimumf %min3A, %max3A_126 : vector<512x1xf32>
    %get3A_128 = arith.constant 0 : index
    %get3A_129 = arith.constant 1 : index
    %get3A_130 = vector.load %arg2[%get3A_128, %get3A_129] : memref<512x8xf32, #tpu.memory_space<vmem>>, vector<512x1xf32>
    %mul3A_131 = arith.mulf %get3A_130, %broadcast_in_dim3A_119 : vector<512x1xf32>
    %jit3A_132 = arith.constant -1.000000e+02 : f32
    %jit3A_133 = arith.constant 1.000000e+02 : f32
    %max3A_134 = vector.broadcast %jit3A_132 : f32 to vector<512x1xf32>
    %max3A_135 = arith.maximumf %max3A_134, %mul3A_131 : vector<512x1xf32>
    %min3A_136 = vector.broadcast %jit3A_133 : f32 to vector<512x1xf32>
    %min3A_137 = arith.minimumf %min3A_136, %max3A_135 : vector<512x1xf32>
    %get3A_138 = arith.constant 0 : index
    %get3A_139 = arith.constant 2 : index
    %get3A_140 = vector.load %arg2[%get3A_138, %get3A_139] : memref<512x8xf32, #tpu.memory_space<vmem>>, vector<512x1xf32>
    %mul3A_141 = arith.mulf %get3A_140, %broadcast_in_dim3A_119 : vector<512x1xf32>
    %jit3A_142 = arith.constant -1.000000e+02 : f32
    %jit3A_143 = arith.constant 1.000000e+02 : f32
    %max3A_144 = vector.broadcast %jit3A_142 : f32 to vector<512x1xf32>
    %max3A_145 = arith.maximumf %max3A_144, %mul3A_141 : vector<512x1xf32>
    %min3A_146 = vector.broadcast %jit3A_143 : f32 to vector<512x1xf32>
    %min3A_147 = arith.minimumf %min3A_146, %max3A_145 : vector<512x1xf32>
    %get3A_148 = arith.constant 0 : index
    %get3A_149 = arith.constant 3 : index
    %get3A_150 = vector.load %arg2[%get3A_148, %get3A_149] : memref<512x8xf32, #tpu.memory_space<vmem>>, vector<512x1xf32>
    %mul3A_151 = arith.mulf %get3A_150, %broadcast_in_dim3A_119 : vector<512x1xf32>
    %jit3A_152 = arith.constant -1.000000e+02 : f32
    %jit3A_153 = arith.constant 1.000000e+02 : f32
    %max3A_154 = vector.broadcast %jit3A_152 : f32 to vector<512x1xf32>
    %max3A_155 = arith.maximumf %max3A_154, %mul3A_151 : vector<512x1xf32>
    %min3A_156 = vector.broadcast %jit3A_153 : f32 to vector<512x1xf32>
    %min3A_157 = arith.minimumf %min3A_156, %max3A_155 : vector<512x1xf32>
    %broadcast_in_dim3A_158 = arith.constant 1.000000e+00 : f32
    %broadcast_in_dim3A_159 = vector.broadcast %broadcast_in_dim3A_158 : f32 to vector<512x1xf32>
    %broadcast_in_dim3A_160 = arith.constant 0.000000e+00 : f32
    %broadcast_in_dim3A_161 = vector.broadcast %broadcast_in_dim3A_160 : f32 to vector<512x123xf32>
    %concatenate3A = tpu.concatenate %min3A_127, %min3A_137, %min3A_147, %min3A_157, %broadcast_in_dim3A_159, %broadcast_in_dim3A_161 in 1 : vector<512x1xf32>, vector<512x1xf32>, vector<512x1xf32>, vector<512x1xf32>, vector<512x1xf32>, vector<512x123xf32> -> vector<512x128xf32>
    %swap3A_162 = arith.constant 0 : index
    %swap3A_163 = arith.constant 0 : index
    %swap3A_164 = vector.load %arg15[%swap3A_162, %swap3A_163] : memref<512x128xf32, #tpu.memory_space<vmem>>, vector<512x128xf32>
    tpu.vector_store %arg15[%swap3A_162, %swap3A_163], %concatenate3A {strides = array<i32>} : memref<512x128xf32, #tpu.memory_space<vmem>>, vector<512x128xf32>,
    return
  }
  func.func @transform_0(%arg0: i32) -> (i32, i32) {
    %c0_i32 = arith.constant 0 : i32
    %c0_i32_0 = arith.constant 0 : i32
    return %arg0, %c0_i32 : i32, i32
  }
  func.func @transform_1(%arg0: i32) -> (i32, i32) {
    %c0_i32 = arith.constant 0 : i32
    %c0_i32_0 = arith.constant 0 : i32
    return %arg0, %c0_i32 : i32, i32
  }
  func.func @transform_2(%arg0: i32) -> (i32, i32) {
    %c0_i32 = arith.constant 0 : i32
    %c0_i32_0 = arith.constant 0 : i32
    %c0_i32_1 = arith.constant 0 : i32
    return %c0_i32, %c0_i32_0 : i32, i32
  }
  func.func @transform_3(%arg0: i32) -> (i32, i32) {
    %c0_i32 = arith.constant 0 : i32
    %c0_i32_0 = arith.constant 0 : i32
    %c0_i32_1 = arith.constant 0 : i32
    return %c0_i32, %c0_i32_0 : i32, i32
  }
  func.func @transform_4(%arg0: i32) -> (i32, i32) {
    %c0_i32 = arith.constant 0 : i32
    %c0_i32_0 = arith.constant 0 : i32
    %c0_i32_1 = arith.constant 0 : i32
    return %c0_i32, %c0_i32_0 : i32, i32
  }
  func.func @transform_5(%arg0: i32) -> (i32, i32) {
    %c0_i32 = arith.constant 0 : i32
    %c0_i32_0 = arith.constant 0 : i32
    %c0_i32_1 = arith.constant 0 : i32
    return %c0_i32, %c0_i32_0 : i32, i32
  }
  func.func @transform_6(%arg0: i32) -> (i32, i32) {
    %c0_i32 = arith.constant 0 : i32
    %c0_i32_0 = arith.constant 0 : i32
    %c0_i32_1 = arith.constant 0 : i32
    return %c0_i32, %c0_i32_0 : i32, i32
  }
  func.func @transform_7(%arg0: i32) -> (i32, i32) {
    %c0_i32 = arith.constant 0 : i32
    %c0_i32_0 = arith.constant 0 : i32
    %c0_i32_1 = arith.constant 0 : i32
    return %c0_i32, %c0_i32_0 : i32, i32
  }
  func.func @transform_8(%arg0: i32) -> (i32, i32) {
    %c0_i32 = arith.constant 0 : i32
    %c0_i32_0 = arith.constant 0 : i32
    %c0_i32_1 = arith.constant 0 : i32
    return %c0_i32, %c0_i32_0 : i32, i32
  }
  func.func @transform_9(%arg0: i32) -> (i32, i32) {
    %c0_i32 = arith.constant 0 : i32
    %c0_i32_0 = arith.constant 0 : i32
    %c0_i32_1 = arith.constant 0 : i32
    return %c0_i32, %c0_i32_0 : i32, i32
  }
  func.func @transform_10(%arg0: i32) -> (i32, i32) {
    %c0_i32 = arith.constant 0 : i32
    %c0_i32_0 = arith.constant 0 : i32
    %c0_i32_1 = arith.constant 0 : i32
    return %c0_i32, %c0_i32_0 : i32, i32
  }
  func.func @transform_11(%arg0: i32) -> (i32, i32) {
    %c0_i32 = arith.constant 0 : i32
    %c0_i32_0 = arith.constant 0 : i32
    %c0_i32_1 = arith.constant 0 : i32
    return %c0_i32, %c0_i32_0 : i32, i32
  }
  func.func @transform_12(%arg0: i32) -> (i32, i32) {
    %c0_i32 = arith.constant 0 : i32
    %c0_i32_0 = arith.constant 0 : i32
    %c0_i32_1 = arith.constant 0 : i32
    return %c0_i32, %c0_i32_0 : i32, i32
  }
  func.func @transform_13(%arg0: i32) -> (i32, i32) {
    %c0_i32 = arith.constant 0 : i32
    %c0_i32_0 = arith.constant 0 : i32
    return %arg0, %c0_i32 : i32, i32
  }
  func.func @transform_14(%arg0: i32) -> (i32, i32) {
    %c0_i32 = arith.constant 0 : i32
    %c0_i32_0 = arith.constant 0 : i32
    return %arg0, %c0_i32 : i32, i32
  }
}

module attributes {stable_mosaic.version = 14 : i64} {
  func.func @body(%arg0: memref<10000x128xf32, #tpu.memory_space<vmem>>, %arg1: memref<10000x4xf32, #tpu.memory_space<vmem>>, %arg2: memref<10000x16xf32, #tpu.memory_space<vmem>>, %arg3: memref<2x10000x128xf32, #tpu.memory_space<vmem>>, %arg4: memref<2x10000x128xf32, #tpu.memory_space<vmem>>, %arg5: memref<128x128xf32, #tpu.memory_space<vmem>>, %arg6: memref<128x128xf32, #tpu.memory_space<vmem>>, %arg7: memref<16x128xf32, #tpu.memory_space<vmem>>, %arg8: memref<1x128xf32, #tpu.memory_space<vmem>>, %arg9: memref<1x128xf32, #tpu.memory_space<vmem>>, %arg10: memref<1x128xf32, #tpu.memory_space<vmem>>, %arg11: memref<128x128xf32, #tpu.memory_space<vmem>>, %arg12: memref<1x128xf32, #tpu.memory_space<vmem>>, %arg13: memref<10000x128xf32, #tpu.memory_space<vmem>>, %arg14: memref<10000x4xf32, #tpu.memory_space<vmem>>) attributes {dimension_semantics = [], scalar_prefetch = 0 : i64, scratch_operands = 0 : i64, tpu.core_type = #tpu.core_type<tc>} {
    %get3A = arith.constant 0 : index
    %get3A_0 = arith.constant 0 : index
    %get3A_1 = arith.constant 0 : index
    %get3A_2 = vector.load %arg3[%get3A, %get3A_0, %get3A_1] : memref<2x10000x128xf32, #tpu.memory_space<vmem>>, vector<1x10000x128xf32>
    %get3A_3 = vector.shape_cast %get3A_2 : vector<1x10000x128xf32> to vector<10000x128xf32>
    %get3A_4 = arith.constant 1 : index
    %get3A_5 = arith.constant 0 : index
    %get3A_6 = arith.constant 0 : index
    %get3A_7 = vector.load %arg3[%get3A_4, %get3A_5, %get3A_6] : memref<2x10000x128xf32, #tpu.memory_space<vmem>>, vector<1x10000x128xf32>
    %get3A_8 = vector.shape_cast %get3A_7 : vector<1x10000x128xf32> to vector<10000x128xf32>
    %add3A = arith.addf %get3A_3, %get3A_8 : vector<10000x128xf32>
    %get3A_9 = arith.constant 0 : index
    %get3A_10 = arith.constant 0 : index
    %get3A_11 = arith.constant 0 : index
    %get3A_12 = vector.load %arg4[%get3A_9, %get3A_10, %get3A_11] : memref<2x10000x128xf32, #tpu.memory_space<vmem>>, vector<1x10000x128xf32>
    %get3A_13 = vector.shape_cast %get3A_12 : vector<1x10000x128xf32> to vector<10000x128xf32>
    %get3A_14 = arith.constant 1 : index
    %get3A_15 = arith.constant 0 : index
    %get3A_16 = arith.constant 0 : index
    %get3A_17 = vector.load %arg4[%get3A_14, %get3A_15, %get3A_16] : memref<2x10000x128xf32, #tpu.memory_space<vmem>>, vector<1x10000x128xf32>
    %get3A_18 = vector.shape_cast %get3A_17 : vector<1x10000x128xf32> to vector<10000x128xf32>
    %add3A_19 = arith.addf %get3A_13, %get3A_18 : vector<10000x128xf32>
    %slice3A = vector.extract_strided_slice %add3A_19 {offsets = [0, 0], sizes = [10000, 4], strides = [1, 1]} : vector<10000x128xf32> to vector<10000x4xf32>
    %slice3A_20 = vector.extract_strided_slice %add3A_19 {offsets = [0, 4], sizes = [10000, 1], strides = [1, 1]} : vector<10000x128xf32> to vector<10000x1xf32>
    %get3A_21 = arith.constant 0 : index
    %get3A_22 = arith.constant 0 : index
    %get3A_23 = vector.load %arg1[%get3A_21, %get3A_22] : memref<10000x4xf32, #tpu.memory_space<vmem>>, vector<10000x4xf32>
    %max3A = arith.constant 1.000000e+00 : f32
    %max3A_24 = vector.broadcast %max3A : f32 to vector<10000x1xf32>
    %max3A_25 = arith.maximumf %slice3A_20, %max3A_24 : vector<10000x1xf32>
    %div3A = vector.broadcast %max3A_25 : vector<10000x1xf32> to vector<10000x4xf32>
    %div3A_26 = arith.divf %slice3A, %div3A : vector<10000x4xf32>
    %add3A_27 = arith.addf %get3A_23, %div3A_26 : vector<10000x4xf32>
    %swap3A = arith.constant 0 : index
    %swap3A_28 = arith.constant 0 : index
    %swap3A_29 = vector.load %arg14[%swap3A, %swap3A_28] : memref<10000x4xf32, #tpu.memory_space<vmem>>, vector<10000x4xf32>
    tpu.vector_store %arg14[%swap3A, %swap3A_28], %add3A_27 {strides = array<i32>} : memref<10000x4xf32, #tpu.memory_space<vmem>>, vector<10000x4xf32>,
    %get3A_30 = arith.constant 0 : index
    %get3A_31 = arith.constant 0 : index
    %get3A_32 = vector.load %arg0[%get3A_30, %get3A_31] : memref<10000x128xf32, #tpu.memory_space<vmem>>, vector<10000x128xf32>
    %get3A_33 = arith.constant 0 : index
    %get3A_34 = arith.constant 0 : index
    %get3A_35 = vector.load %arg5[%get3A_33, %get3A_34] : memref<128x128xf32, #tpu.memory_space<vmem>>, vector<128x128xf32>
    %dot_general3A = arith.constant dense<0.000000e+00> : vector<10000x128xf32>
    %dot_general3A_36 = tpu.matmul %get3A_32, %get3A_35, %dot_general3A {dimension_numbers = #tpu.dot_dimension_numbers<[1], [0], [0], [1], [0, 0, 1, 1], [], []>, transpose_lhs_hint = false} : vector<10000x128xf32>, vector<128x128xf32>, vector<10000x128xf32> -> vector<10000x128xf32>
    %get3A_37 = arith.constant 0 : index
    %get3A_38 = arith.constant 0 : index
    %get3A_39 = vector.load %arg6[%get3A_37, %get3A_38] : memref<128x128xf32, #tpu.memory_space<vmem>>, vector<128x128xf32>
    %dot_general3A_40 = arith.constant dense<0.000000e+00> : vector<10000x128xf32>
    %dot_general3A_41 = tpu.matmul %add3A, %get3A_39, %dot_general3A_40 {dimension_numbers = #tpu.dot_dimension_numbers<[1], [0], [0], [1], [0, 0, 1, 1], [], []>, transpose_lhs_hint = false} : vector<10000x128xf32>, vector<128x128xf32>, vector<10000x128xf32> -> vector<10000x128xf32>
    %add3A_42 = arith.addf %dot_general3A_36, %dot_general3A_41 : vector<10000x128xf32>
    %get3A_43 = arith.constant 0 : index
    %get3A_44 = arith.constant 0 : index
    %get3A_45 = vector.load %arg2[%get3A_43, %get3A_44] : memref<10000x16xf32, #tpu.memory_space<vmem>>, vector<10000x16xf32>
    %get3A_46 = arith.constant 0 : index
    %get3A_47 = arith.constant 0 : index
    %get3A_48 = vector.load %arg7[%get3A_46, %get3A_47] : memref<16x128xf32, #tpu.memory_space<vmem>>, vector<16x128xf32>
    %dot_general3A_49 = arith.constant dense<0.000000e+00> : vector<10000x128xf32>
    %dot_general3A_50 = tpu.matmul %get3A_45, %get3A_48, %dot_general3A_49 {dimension_numbers = #tpu.dot_dimension_numbers<[1], [0], [0], [1], [0, 0, 1, 1], [], []>, transpose_lhs_hint = false} : vector<10000x16xf32>, vector<16x128xf32>, vector<10000x128xf32> -> vector<10000x128xf32>
    %add3A_51 = arith.addf %add3A_42, %dot_general3A_50 : vector<10000x128xf32>
    %get3A_52 = arith.constant 0 : index
    %get3A_53 = arith.constant 0 : index
    %get3A_54 = vector.load %arg8[%get3A_52, %get3A_53] : memref<1x128xf32, #tpu.memory_space<vmem>>, vector<1x128xf32>
    %add3A_55 = vector.broadcast %get3A_54 : vector<1x128xf32> to vector<10000x128xf32>
    %add3A_56 = arith.addf %add3A_51, %add3A_55 : vector<10000x128xf32>
    %reduce_sum3A = arith.constant dense<0.000000e+00> : vector<128xf32>
    %reduce_sum3A_57 = vector.multi_reduction <add>, %add3A_56, %reduce_sum3A [0] : vector<10000x128xf32> to vector<128xf32>
    %broadcast_in_dim3A = vector.shape_cast %reduce_sum3A_57 : vector<128xf32> to vector<1x128xf32>
    %div3A_58 = arith.constant 1.000000e+04 : f32
    %div3A_59 = vector.broadcast %div3A_58 : f32 to vector<1x128xf32>
    %div3A_60 = arith.divf %broadcast_in_dim3A, %div3A_59 : vector<1x128xf32>
    %mul3A = arith.mulf %add3A_56, %add3A_56 : vector<10000x128xf32>
    %reduce_sum3A_61 = arith.constant dense<0.000000e+00> : vector<128xf32>
    %reduce_sum3A_62 = vector.multi_reduction <add>, %mul3A, %reduce_sum3A_61 [0] : vector<10000x128xf32> to vector<128xf32>
    %broadcast_in_dim3A_63 = vector.shape_cast %reduce_sum3A_62 : vector<128xf32> to vector<1x128xf32>
    %div3A_64 = arith.constant 1.000000e+04 : f32
    %div3A_65 = vector.broadcast %div3A_64 : f32 to vector<1x128xf32>
    %div3A_66 = arith.divf %broadcast_in_dim3A_63, %div3A_65 : vector<1x128xf32>
    %mul3A_67 = arith.mulf %div3A_60, %div3A_60 : vector<1x128xf32>
    %sub3A = arith.subf %div3A_66, %mul3A_67 : vector<1x128xf32>
    %sub3A_68 = vector.broadcast %div3A_60 : vector<1x128xf32> to vector<10000x128xf32>
    %sub3A_69 = arith.subf %add3A_56, %sub3A_68 : vector<10000x128xf32>
    %add3A_70 = arith.constant 9.99999974E-6 : f32
    %add3A_71 = vector.broadcast %add3A_70 : f32 to vector<1x128xf32>
    %add3A_72 = arith.addf %sub3A, %add3A_71 : vector<1x128xf32>
    %rsqrt3A = math.rsqrt %add3A_72 : vector<1x128xf32>
    %mul3A_73 = vector.broadcast %rsqrt3A : vector<1x128xf32> to vector<10000x128xf32>
    %mul3A_74 = arith.mulf %sub3A_69, %mul3A_73 : vector<10000x128xf32>
    %get3A_75 = arith.constant 0 : index
    %get3A_76 = arith.constant 0 : index
    %get3A_77 = vector.load %arg9[%get3A_75, %get3A_76] : memref<1x128xf32, #tpu.memory_space<vmem>>, vector<1x128xf32>
    %mul3A_78 = vector.broadcast %get3A_77 : vector<1x128xf32> to vector<10000x128xf32>
    %mul3A_79 = arith.mulf %mul3A_74, %mul3A_78 : vector<10000x128xf32>
    %get3A_80 = arith.constant 0 : index
    %get3A_81 = arith.constant 0 : index
    %get3A_82 = vector.load %arg10[%get3A_80, %get3A_81] : memref<1x128xf32, #tpu.memory_space<vmem>>, vector<1x128xf32>
    %add3A_83 = vector.broadcast %get3A_82 : vector<1x128xf32> to vector<10000x128xf32>
    %add3A_84 = arith.addf %mul3A_79, %add3A_83 : vector<10000x128xf32>
    %max3A_85 = arith.constant 0.000000e+00 : f32
    %max3A_86 = vector.broadcast %max3A_85 : f32 to vector<10000x128xf32>
    %max3A_87 = arith.maximumf %add3A_84, %max3A_86 : vector<10000x128xf32>
    %get3A_88 = arith.constant 0 : index
    %get3A_89 = arith.constant 0 : index
    %get3A_90 = vector.load %arg11[%get3A_88, %get3A_89] : memref<128x128xf32, #tpu.memory_space<vmem>>, vector<128x128xf32>
    %dot_general3A_91 = arith.constant dense<0.000000e+00> : vector<10000x128xf32>
    %dot_general3A_92 = tpu.matmul %max3A_87, %get3A_90, %dot_general3A_91 {dimension_numbers = #tpu.dot_dimension_numbers<[1], [0], [0], [1], [0, 0, 1, 1], [], []>, transpose_lhs_hint = false} : vector<10000x128xf32>, vector<128x128xf32>, vector<10000x128xf32> -> vector<10000x128xf32>
    %add3A_93 = arith.addf %get3A_32, %dot_general3A_92 : vector<10000x128xf32>
    %get3A_94 = arith.constant 0 : index
    %get3A_95 = arith.constant 0 : index
    %get3A_96 = vector.load %arg12[%get3A_94, %get3A_95] : memref<1x128xf32, #tpu.memory_space<vmem>>, vector<1x128xf32>
    %add3A_97 = vector.broadcast %get3A_96 : vector<1x128xf32> to vector<10000x128xf32>
    %add3A_98 = arith.addf %add3A_93, %add3A_97 : vector<10000x128xf32>
    %swap3A_99 = arith.constant 0 : index
    %swap3A_100 = arith.constant 0 : index
    %swap3A_101 = vector.load %arg13[%swap3A_99, %swap3A_100] : memref<10000x128xf32, #tpu.memory_space<vmem>>, vector<10000x128xf32>
    tpu.vector_store %arg13[%swap3A_99, %swap3A_100], %add3A_98 {strides = array<i32>} : memref<10000x128xf32, #tpu.memory_space<vmem>>, vector<10000x128xf32>,
    return
  }
}

</mosaic_0001>

<sc_bundles>
// kernel: gather_offload_async_start
scs
__scs_entry_jumppad:
0x0: {  	(pc) =	sbr.rel $0x88, $3  }
0x1: {  	(tag) =	ssettag $0x0;
	lr =	simm.s32 $0x1  }
0x2: {  	[smem:$0x3F8D] =	sst lr;
	_ =	strace $0xD0000000  }
0x3: {  	_ = 	snop  }
0x4: {  	_ = 	snop  }
0x5: {  	_ = 	snop  }
0x6: {  	_ = 	snop  }
0x7: {  	_ = 	snop  }
__scs_overlays_trampoline_lowered:
0x8: {  	[smem:$0x3F9C] =	sst s0  }
0x9: {  	[smem:$0x3F9D] =	sst s1  }
0xa: {  	[smem:$0x3F9E] =	sst s2  }
0xb: {  	[smem:$0x3F9F] =	sst s3  }
0xc: {  	[smem:$0x3FA0] =	sst s4  }
0xd: {  	[smem:$0x3FA1] =	sst s5  }
0xe: {  	[smem:$0x3FA2] =	sst s6  }
0xf: {  	[smem:$0x3FA3] =	sst s7  }
0x10: {  	[smem:$0x3FA4] =	sst s8  }
0x11: {  	[smem:$0x3FA5] =	sst s9;
	s0 =	simm.s32 @!p0 $0x0  }
0x12: {  	s1 =	sld [smem:$0x3F8B];
	s0 =	simm.s32 @p0 $0x1  }
0x13: {  	[smem:$0x3FA6] =	sst s0;
	s0 =	simm.s32 @!p1 $0x0  }
0x14: {  	s2 =	sld [smem:$0x3F8A];
	s0 =	simm.s32 @p1 $0x1  }
0x15: {  	[smem:$0x3FA7] =	sst s0;
	s0 =	simm.s32 @!p2 $0x0  }
0x16: {  	s3 =	sld [smem:$0x3FDB];
	s0 =	simm.s32 @p2 $0x1  }
0x17: {  	s4 =	simm.s32 $0x1BF5;
	[smem:$0x3FA9] =	sst s0  }
0x18: {  	s0 =	sld [smem:$0x3F8C];
	_ =	swait.ge [sflag:s4], $0x0  }
0x19: {  	s7 =	sld [smem:$0x3F8D]  }
0x1a: {  	s8 =	sadd.s32 $0xFFFFE003, lr  }
0x1b: {  	s9 =	sadd.s32 $0xFFFFFEF7, lr;
	s5 =	simm.s32 $0xFFFFFFFF;
	p2 =	slt.u32 s8, $0xFFFFF086  }
0x1c: {  	p1 =	slt.u32 s9, $0xF7A;
	s5 =	simm.s32 @!p2 $0x0  }
0x1d: {  	s5 =	simm.s32 @p1 $0x1;
	p0 =	seq.s32 s7, s2  }
0x1e: {  	s7 =	smul.u32 @!p0 $0xF7A, s2;
	p2 =	seq.s32 @!p0 s5, $0x0  }
0x1f: {  	s9 =	smul.u32 $0xF7A, s1;
	s8 =	simm.s32 @!p0 $0x1BF5;
	p2 =	por !p2, p0  }
0x20: {  	[sflag:s8] =	ssyncset.s32 @!p0 $0xFFFFF086;
	s6 =	sadd.s32 @!p0 s3, s7;
	s7 =	simm.s32 @!p0 $0x108  }
0x21: {  	s3 =	sadd.s32 s3, s9;
	s6 =	sadd.s32 @!p0 $0x88, s6;
	s7 =	simm.s32 @p2 $0x1082  }
0x22: {  	[simem:s7], [sflag:s8] =	dma.local @!p0 [hbm:s6], $0xF7A  }
0x23: {  	s9 =	sor.u32 $0xD0000000, s2;
	s6 =	simm.s32 $0x108;
	_ =	swait.ge @!p0 [sflag:s8], $0x0  }
0x24: {  	s3 =	sadd.s32 $0x88, s3;
	s6 =	simm.s32 @!p1 $0x1082;
	[sflag:s4] =	ssyncset.s32 $0xFFFFF086  }
0x25: {  	[simem:s6], [sflag:s4] =	dma.local [hbm:s3], $0xF7A  }
0x26: {  	[smem:$0x3F8D] =	sst s1;
	(tag) =	ssettag s2;
	_ =	strace s9  }
0x27: {  	s1 =	sld [smem:$0x3F9D]  }
0x28: {  	s2 =	sld [smem:$0x3F9E]  }
0x29: {  	s4 =	sld [smem:$0x3FA0]  }
0x2a: {  	p0 =	seq.s32 s5, $0x0;
	s5 =	sld [smem:$0x3FA1]  }
0x2b: {  	s6 =	sld [smem:$0x3FA2]  }
0x2c: {  	s7 =	sld [smem:$0x3FA3]  }
0x2d: {  	s3 =	simm.s32 $0x108;
	s8 =	sld [smem:$0x3FA4]  }
0x2e: {  	s3 =	simm.s32 @!p0 $0x1082;
	s9 =	sld [smem:$0x3FA5]  }
0x2f: {  	lr =	sadd.s32 s0, s3;
	s0 =	sld [smem:$0x3F9C]  }
0x30: {  	s3 =	sld [smem:$0x3F9F]  }
0x31: {  	[smem:$0x3FA8] =	sst s10  }
0x32: {  	s10 =	sld [smem:$0x3FA6];
	_ =	sdelay $0x3  }
0x33: {  	p0 =	seq.s32 s10, $0x1;
	s10 =	sld [smem:$0x3FA8];
	_ =	sdelay $0x3  }
0x34: {  	[smem:$0x3FA8] =	sst s10  }
0x35: {  	s10 =	sld [smem:$0x3FA7];
	_ =	sdelay $0x3  }
0x36: {  	p1 =	seq.s32 s10, $0x1;
	s10 =	sld [smem:$0x3FA8];
	_ =	sdelay $0x3  }
0x37: {  	[smem:$0x3FA8] =	sst s10  }
0x38: {  	s10 =	sld [smem:$0x3FA9]  }
0x39: {  	_ = 	snop;
	(pc) =	sbr.ind lr, $3  }
0x3a: {  	_ = 	snop  }
0x3b: {  	_ = 	snop  }
0x3c: {  	p2 =	seq.s32 s10, $0x1;
	s10 =	sld [smem:$0x3FA8]  }
0x3d: {  	_ =	shalt  }
0x3e: {  	_ =	shalt  }
0x3f: {  	_ =	shalt  }
0x40: {  	_ =	shalt  }
0x41: {  	_ =	shalt  }
0x42: {  	_ =	shalt  }
0x43: {  	_ =	shalt  }
0x44: {  	_ =	shalt  }
0x45: {  	_ =	shalt  }
0x46: {  	_ =	shalt  }
0x47: {  	_ =	shalt  }
0x48: {  	_ =	shalt  }
0x49: {  	_ =	shalt  }
0x4a: {  	_ =	shalt  }
0x4b: {  	_ =	shalt  }
0x4c: {  	_ =	shalt  }
0x4d: {  	_ =	shalt  }
0x4e: {  	_ =	shalt  }
0x4f: {  	_ =	shalt  }
0x50: {  	_ =	shalt  }
0x51: {  	_ =	shalt  }
0x52: {  	_ =	shalt  }
0x53: {  	_ =	shalt  }
0x54: {  	_ =	shalt  }
0x55: {  	_ =	shalt  }
0x56: {  	_ =	shalt  }
0x57: {  	_ =	shalt  }
0x58: {  	_ =	shalt  }
0x59: {  	_ =	shalt  }
0x5a: {  	_ =	shalt  }
0x5b: {  	_ =	shalt  }
0x5c: {  	_ =	shalt  }
0x5d: {  	_ =	shalt  }
0x5e: {  	_ =	shalt  }
0x5f: {  	_ =	shalt  }
0x60: {  	_ =	shalt  }
0x61: {  	_ =	shalt  }
0x62: {  	_ =	shalt  }
0x63: {  	_ =	shalt  }
0x64: {  	_ =	shalt  }
0x65: {  	_ =	shalt  }
0x66: {  	_ =	shalt  }
0x67: {  	_ =	shalt  }
0x68: {  	_ =	shalt  }
0x69: {  	_ =	shalt  }
0x6a: {  	_ =	shalt  }
0x6b: {  	_ =	shalt  }
0x6c: {  	_ =	shalt  }
0x6d: {  	_ =	shalt  }
0x6e: {  	_ =	shalt  }
0x6f: {  	_ =	shalt  }
0x70: {  	_ =	shalt  }
0x71: {  	_ =	shalt  }
0x72: {  	_ =	shalt  }
0x73: {  	_ =	shalt  }
0x74: {  	_ =	shalt  }
0x75: {  	_ =	shalt  }
0x76: {  	_ =	shalt  }
0x77: {  	_ =	shalt  }
0x78: {  	_ =	shalt  }
0x79: {  	_ =	shalt  }
0x7a: {  	_ =	shalt  }
0x7b: {  	_ =	shalt  }
0x7c: {  	_ =	shalt  }
0x7d: {  	_ =	shalt  }
0x7e: {  	_ =	shalt  }
0x7f: {  	_ =	shalt  }
0x80: {  	_ =	shalt  }
0x81: {  	_ =	shalt  }
0x82: {  	_ =	shalt  }
0x83: {  	_ =	shalt  }
0x84: {  	_ =	shalt  }
0x85: {  	_ =	shalt  }
0x86: {  	_ =	shalt  }
0x87: {  	_ =	shalt  }
.Lfunc_end0:
.L_simem_size_0:
called_computation_lowered:
.L_overlay_start_0:
0x88: {  	s2 =	sld [smem:$0x3FD9]  }
0x89: {  	s3 =	sld [smem:$0x3FFE];
	_ =	sdelay $0x1  }
0x8a: {  	s1 =	srdreg.scid  }
0x8b: {  	s0 =	sand.u32 $0x1, s1  }
0x8c: {  	s16 =	sshll.u32 s0, $0xA;
	s2 =	sadd.s32 s3, s2  }
0x8d: {  	s2 =	sadd.s32 s2, s16  }
0x8e: {  	[smem:$0x3FB4] =	sst s2  }
0x8f: {  	_ = 	snop  }
0x90: {  	(tm) =	ssettm $0x1  }
0x91: {  	s17 =	sld [smem:$0x3FFB];
	_ =	sdelay $0x3  }
0x92: {  	_ =	strace s17  }
0x93: {  	s2 =	sld [smem:$0x3FFC];
	_ =	sdelay $0x3  }
0x94: {  	_ =	strace s2  }
0x95: {  	s2 =	sld [smem:$0x3FFD];
	_ =	sdelay $0x3  }
0x96: {  	_ =	strace s2  }
0x97: {  	_ =	strace $0x8FFFFFFF  }
0x98: {  	s18 =	sld [smem:$0x3FDB];
	_ =	sdelay $0x1  }
0x99: {  	s19 =	simm.s32 $_scs_section_size  }
0x9a: {  	s4 =	simm.s32 $_size__tile_overlayer_lowered;
	s5 =	simm.s32 $_tile_overlayer_lowered  }
0x9b: {  	s22 =	simm.s32 $0x1BFF;
	s21 =	sshll.u32 s5, $0x1;
	s2 =	sadd.s32 s19, s18  }
0x9c: {  	s6 =	simm.s32 $0x0;
	s20 =	sshll.u32 s4, $0x1;
	s4 =	sadd.s32 s21, s2  }
0x9d: {  	[timem:s6], [sflag:s22] =	dma.local [hbm:s4], s20  }
0x9e: {  	_ =	swait.ge [sflag:s22], s20  }
0x9f: {  	s3 =	ssub.s32 $0x0, s20;
	[sflag:s22] =	ssyncset.done $0x0  }
0xa0: {  	[sflag:s22] =	ssyncadd.s32 s3;
	_ =	sdelay $0x1  }
0xa1: {  	s23 =	simm.s32 $0x1B8B  }
0xa2: {  	_ =	swait.ge [sflag:s23], $0x1  }
0xa3: {  	[sflag:s23] =	ssyncset.done $0x0  }
0xa4: {  	s25 =	simm.s32 $0x1B8E;
	s24 =	sld [smem:$0x3FFE];
	[sflag:s23] =	ssyncadd.s32 $0xFFFFFFFF  }
0xa5: {  	s26 =	simm.s32 $execute0_lowered;
	[smem:$0x3FD2] =	sst s25  }
0xa6: {  	s4 =	sshll.u32 s26, $0x1;
	_ =	strace $0x80000046;
	[dreg:$0x1] =	wrdreg $0xFFFFFFFF  }
0xa7: {  	s28 =	simm.s32 $_size_execute0_lowered;
	s2 =	sadd.s32 s2, s4;
	[dreg:$0x0] =	wrdreg $0x0  }
0xa8: {  	s4 =	sshll.u32 s28, $0x1;
	[dreg:$0x2] =	wrdreg s2  }
0xa9: {  	[dreg:$0x3] =	wrdreg s4  }
0xaa: {  	[dreg:$0x4] =	wrdreg $0xC0  }
0xab: {  	_ =	task [dreg:s6], $0x5FFFF  }
0xac: {  	[dreg:$0x1] =	wrdreg $0xFFFFFFFF  }
0xad: {  	[dreg:$0x0] =	wrdreg $0x60  }
0xae: {  	[dreg:$0x2] =	wrdreg s24  }
0xaf: {  	[dreg:$0x3] =	wrdreg $0x9  }
0xb0: {  	_ =	task.clear_ibuf [dreg:s6], $0x4FFFF;
	_ =	strace $0x90000046  }
0xb1: {  	s29 =	simm.s32 $0x9;
	_ =	strace $0x80000048  }
0xb2: {  	_ =	swait.ge [sflag:s29], $0x1  }
0xb3: {  	[sflag:s29] =	ssyncadd.s32 $0xFFFFFFFF  }
0xb4: {  	_ =	strace $0x90000048  }
0xb5: {  	_ =	sfence  }
0xb6: {  	s30 =	sld [smem:$0x0];
	_ =	sdelay $0x2  }
0xb7: {  	s31 =	sshll.u32 s1, $0xD;
	s1 =	sshrl.u32 s1, $0x2  }
0xb8: {  	s3 =	sand.u32 $0x4000, s31;
	s1 =	sadd.s32 s1, s30  }
0xb9: {  	s0 =	sor.u32 s3, s0;
	s1 =	sshll.u32 s1, $0x11  }
0xba: {  	s0 =	sor.u32 s1, s0  }
0xbb: {  	s0 =	sadd.s32 $0x8F2B, s0  }
0xbc: {  	[sflag:s0] =	ssyncadd.remote.s32 $0x1  }
0xbd: {  	_ =	sfence.sel $0xFFFF  }
0xbe: {  	[dreg:$0x0] =	wrdreg $0xFFFFFFFF;
	(pc) =	sbr.abs _section_cstart, $3  }
0xbf: {  	[dreg:$0x1] =	wrdreg $0xFFFFFFFF  }
0xc0: {  	_ =	task.clear_ibuf [dreg:s6], $0x2FFFF;
	_ =	strace $0x9FFFFFFF  }
0xc1: {  	(tm) =	ssettm $0x7FFFFFFF  }
tec
execute0_lowered:
.L_overlay_start_1:
0x0: {  	(tag) =	ssettag $0x1  }
0x1: {  	s8 =	rddreg [dreg:$0x0]  }
0x2: {  	s0 =	rddreg [dreg:$0x1];
	_ =	strace $0x80000047;
	s1 =	stileid.u32  }
0x3: {  	s3 =	srdreg.scid;
	s4 =	simm.s32 $0x1;
	s7 =	simm.s32 $0x1  }
0x4: {  	s9 =	simm.s32 $0x1;
	s10 =	simm.s32 $0x3;
	s13 =	simm.s32 $0x0  }
0x5: {  	s12 =	simm.s32 $0x0;
	s5 =	sand.u32 $0x1, s3;
	s6 =	sshll.u32 s1, $0x1  }
0x6: {  	s2 =	sadd.s32 $0xE000, s8;
	s3 =	sadd.s32 $0x23000, s8;
	s5 =	sor.u32 s6, s5  }
.Ltmp0:
0x7: {  	[sflag:s4] =	ssyncpa.u1 $0x0;
	p0 =	slt.u32 s5, $0x9;
	(pc) =	sbr.rel .LBB2_1-.Ltmp0, $4  }
0x8: {  	s6 =	simm.s32 $0x2;
	s7 =	simm.s32 @!p0 $0x0;
	p0 =	sne.s32 s5, $0x8  }
0x9: {  	[sflag:s6] =	ssyncpa.u1 $0x0;
	s5 =	smul.u32 $0x1F40, s5;
	s9 =	simm.s32 @!p0 $0x0  }
0xa: {  	s8 =	sadd.s32 $0x54000, s8;
	[sflag:s10] =	ssyncpa.u1 $0x0;
	s7 =	sadd.s32 s9, s7  }
0xb: {  	vm0 =	vmmov $0xffff;
	s10 =	simm.s32 $0x0;
	s11 =	smov.u32 s5;
	s9 =	sadd.s32 $0x1, s7  }
.LBB2_4:
0xc: {  	v2 =	vnsel vm1, $0x0, v2  }
0xd: {  	vm1 =	vgt.s32 v0, $0x0;
	v2 =	vmin.u32 v2, $0x4E1FF  }
0xe: {  	v0 =	vnsel vm1, $0x0, v0  }
0xf: {  	v0 =	vmin.u32 v0, $0x4E1FF  }
0x10: {  	[tilespmem:s18], [sflag:$0x1] =	stream.indirect_vreg.gather [hbm4b:s2+s10], $0x1, v1, vm0, $0x4038;
	[tilespmem:$0x7D00] =	vst v63  }
0x11: {  	(ifvalue) =	ssetifvalue $0x7FFFFFFF  }
0x12: {  	[tilespmem:s15], [sflag:$0x1] =	stream.indirect_vreg.gather [hbm4b:s2+s10], $0x1, v2, vm0, $0x4038;
	[tilespmem:$0x7D00] =	vst v63  }
0x13: {  	s29 =	sadd.s32 $0x10, s15;
	(ifvalue) =	ssetifvalue $0x7FFFFFFF  }
0x14: {  	[tilespmem:s29], [sflag:$0x1] =	stream.indirect_vreg.gather [hbm4b:s2+s10], $0x1, v0, vm0, $0x4038;
	[tilespmem:$0x7D00] =	vst v63  }
0x15: {  	_ =	swait.ge [sflag:s4], $0x1F40  }
0x16: {  	s30 =	sshrl.u32 s13, $0x3;
	[sflag:s4] =	ssyncset.done $0x0  }
0x17: {  	s31 =	sand.u32 $0x7, s13;
	s15 =	sadd.s32 s8, s30;
	[sflag:s4] =	ssyncadd.s32 $0xFFFFE0C0  }
0x18: {  	[hbm4b:s15+s31] =	stream.linear.scatter [tilespmem:s14], [sflag:$0x3], $0x1F40, $0x38;
	[tilespmem:$0x7D00] =	vst v63  }
.LBB2_5:
0x19: {  	s15 =	sadd.s32 $0x3E800, s11  }
0x1a: {  	p1 =	sgt.s32 s15, $0x4E1FF  }
0x1b: {  	s15 =	smov.u32 @p1 s5;
	p1 =	sne.s32 s12, s9  }
.Ltmp1:
0x1c: {  	p0 =	slt.u32 s12, $0x2;
	(pc) =	sbr.rel @!p1 .LBB2_6-.Ltmp1, $4  }
0x1d: {  	s14 =	simm.s32 @!p0 $0x3  }
0x1e: {  	_ =	swait.ge @!p0 [sflag:s14], $0x1F40  }
0x1f: {  	s16 =	sadd.s32 $0x1, s12;
	s13 =	smov.u32 s11;
	[sflag:s14] =	ssyncset.done @!p0 $0x0  }
0x20: {  	s12 =	smov.u32 s16;
	s11 =	smov.u32 s15;
	[sflag:s14] =	ssyncadd.s32 @!p0 $0xFFFFE0C0  }
.LBB2_1:
0x21: {  	p0 =	sge.u32 s12, s7  }
0x22: {  	s14 =	sxor.u32 @!p0 $0x1, s12  }
0x23: {  	s14 =	smul.u32 @!p0 $0x7D00, s14  }
0x24: {  	s31 =	sadd.s32 $0xFFFFFFFF, s12;
	s15 =	sshrl.u32 @!p0 s11, $0x3  }
0x25: {  	s16 =	sand.u32 @!p0 $0x7, s11;
	s15 =	sadd.s32 @!p0 s3, s15;
	s14 =	sshra.s32 @!p0 s14, $0x2  }
0x26: {  	[tilespmem:s14], [sflag:$0x2] =	stream.linear.gather @!p0 [hbm4b:s15+s16], $0x1F40, $0x38;
	[tilespmem:$0x7D00] =	vst v63  }
0x27: {  	p0 =	sge.u32 s31, s7  }
.Ltmp2:
0x28: {  	_ = 	snop;
	(pc) =	sbr.rel @p0 .LBB2_5-.Ltmp2, $1  }
0x29: {  	_ =	sdelay $0x3  }
0x2a: {  	s14 =	sand.u32 $0x1, s12  }
0x2b: {  	_ =	swait.ge [sflag:s6], $0x1F40;
	p0 =	seq.s32 s14, $0x1;
	s14 =	simm.s32 $0x1F40  }
0x2c: {  	[sflag:s6] =	ssyncset.done $0x0;
	s14 =	simm.s32 @!p0 $0x0  }
0x2d: {  	[sflag:s6] =	ssyncadd.s32 $0xFFFFE0C0;
	(ifvalue) =	ssetifvalue $0x7FFFFFFF;
	v0 =	vld.msk [tilespmem:s14+$0x0 ss:$0x1], $0xffff;
	_ =	sdelay $0x4  }
0x2e: {  	s15 =	sadd.s32 $0x10, s14;
	vm1 =	vgt.s32 v0, $0x0  }
0x2f: {  	v2 =	vld.msk [tilespmem:s15+$0x0 ss:$0x1], $0xffff;
	v1 =	vnsel vm1, $0x0, v0  }
0x30: {  	v1 =	vmin.u32 v1, $0x4E1FF;
	_ =	sdelay $0x2  }
0x31: {  	s17 =	simm.s32 $0x20;
	s14 =	sadd.s32 $0x3E80, s14;
	s16 =	sadd.s32 $0x10, s15  }
0x32: {  	s15 =	sadd.s32 $0x10, s14;
	s18 =	smov.u32 s14;
	v0 =	vld.msk [tilespmem:s16+$0x0 ss:$0x1], $0xffff;
	vm1 =	vgt.s32 v2, $0x0;
	(ifvalue) =	ssetifvalue $0x7FFFFFFF  }
.LBB2_3:
0x33: {  	[tilespmem:s18], [sflag:$0x1] =	stream.indirect_vreg.gather [hbm4b:s2+s10], $0x1, v1, vm0, $0x4038;
	[tilespmem:$0x7D00] =	vst v63  }
0x34: {  	s17 =	sadd.s32 $0x10, s17  }
0x35: {  	v2 =	vnsel vm1, $0x0, v2;
	p0 =	slt.u32 s17, $0x1F30  }
.Ltmp3:
0x36: {  	s18 =	smov.u32 s15;
	v1 =	vmin.u32 v2, $0x4E1FF;
	(pc) =	sbr.rel @p0 .LBB2_3-.Ltmp3, $3  }
0x37: {  	_ =	sdelay $0x1  }
0x38: {  	s16 =	sadd.s32 $0x10, s16  }
0x39: {  	vm1 =	vgt.s32 v0, $0x0;
	s15 =	sadd.s32 $0x10, s15;
	v2 =	vmov v0;
	(ifvalue) =	ssetifvalue $0x7FFFFFFF;
	v0 =	vld.msk [tilespmem:s16+$0x0 ss:$0x1], $0xffff  }
.Ltmp4:
0x3a: {  	_ = 	snop;
	(pc) =	sbr.rel .LBB2_4-.Ltmp4, $1  }
0x3b: {  	_ =	sdelay $0x3  }
.LBB2_6:
0x3c: {  	_ =	sfence.sel $0x180000  }
0x3d: {  	s2 =	simm.s32 $0x2;
	[bflag:$0x0] =	sbarrier.arrive $0xFFFF  }
0x3e: {  	s30 =	simm.s32 $0x3;
	[sflag:s2] =	ssyncpa.u1 $0x1  }
0x3f: {  	s31 =	simm.s32 $0x1;
	[sflag:s30] =	ssyncpa.u1 $0x1  }
0x40: {  	[sflag:s31] =	ssyncpa.u1 $0x1  }
0x41: {  	p0 =	sne.s32 s1, $0x0;
	_ =	strace $0x90000047  }
0x42: {  	s0 =	sadd.s32 @!p0 $0x100000, s0;
	[bflag:$0x2] =	sbarrier.arrive $0xFFFF  }
0x43: {  	[sflag:s0] =	ssyncadd.tile.s32 @!p0 $0x1;
	_ =	shalt  }
.Lfunc_end2:
_tile_overlayer_lowered:
.L_overlay_start_2:
0x44: {  	(tag) =	ssettag $0x2  }
0x45: {  	s0 =	rddreg [dreg:$0x0];
	s2 =	stileid.u32  }
0x46: {  	s1 =	rddreg [dreg:$0x1];
	p0 =	sne.s32 s2, $0x0  }
0x47: {  	s3 =	rddreg [dreg:$0x2];
	[bflag:$0x3] =	sbarrier.arrive $0xFFFF;
	s2 =	simm.s32 @!p0 $0x1C01  }
0x48: {  	[timem:s3], [sflag:s2] =	dma.local @!p0 [hbm:s0], s1  }
0x49: {  	s0 =	simm.s32 @!p0 $0x1  }
0x4a: {  	_ =	swait.ge @!p0 [sflag:s0], s1  }
0x4b: {  	s1 =	ssub.s32 @!p0 $0x0, s1;
	[sflag:s0] =	ssyncset.done @!p0 $0x0  }
0x4c: {  	[sflag:s0] =	ssyncadd.s32 @!p0 s1  }
0x4d: {  	[bflag:$0x3] =	sbarrier.arrive $0xFFFF  }
0x4e: {  	_ =	shalt  }

// kernel: kernel.12.cloned.1.call-start
scs
__scs_entry_jumppad:
0x0: {  	(pc) =	sbr.rel $0x88, $3  }
0x1: {  	(tag) =	ssettag $0x0;
	lr =	simm.s32 $0x1  }
0x2: {  	[smem:$0x3F8D] =	sst lr;
	_ =	strace $0xD0000000  }
0x3: {  	_ = 	snop  }
0x4: {  	_ = 	snop  }
0x5: {  	_ = 	snop  }
0x6: {  	_ = 	snop  }
0x7: {  	_ = 	snop  }
__scs_overlays_trampoline_lowered:
0x8: {  	[smem:$0x3F9C] =	sst s0  }
0x9: {  	[smem:$0x3F9D] =	sst s1  }
0xa: {  	[smem:$0x3F9E] =	sst s2  }
0xb: {  	[smem:$0x3F9F] =	sst s3  }
0xc: {  	[smem:$0x3FA0] =	sst s4  }
0xd: {  	[smem:$0x3FA1] =	sst s5  }
0xe: {  	[smem:$0x3FA2] =	sst s6  }
0xf: {  	[smem:$0x3FA3] =	sst s7  }
0x10: {  	[smem:$0x3FA4] =	sst s8  }
0x11: {  	[smem:$0x3FA5] =	sst s9;
	s0 =	simm.s32 @!p0 $0x0  }
0x12: {  	s1 =	sld [smem:$0x3F8B];
	s0 =	simm.s32 @p0 $0x1  }
0x13: {  	[smem:$0x3FA6] =	sst s0;
	s0 =	simm.s32 @!p1 $0x0  }
0x14: {  	s2 =	sld [smem:$0x3F8A];
	s0 =	simm.s32 @p1 $0x1  }
0x15: {  	[smem:$0x3FA7] =	sst s0;
	s0 =	simm.s32 @!p2 $0x0  }
0x16: {  	s3 =	sld [smem:$0x3FDB];
	s0 =	simm.s32 @p2 $0x1  }
0x17: {  	s4 =	simm.s32 $0x1BF5;
	[smem:$0x3FA9] =	sst s0  }
0x18: {  	s0 =	sld [smem:$0x3F8C];
	_ =	swait.ge [sflag:s4], $0x0  }
0x19: {  	s7 =	sld [smem:$0x3F8D]  }
0x1a: {  	s8 =	sadd.s32 $0xFFFFE003, lr  }
0x1b: {  	s9 =	sadd.s32 $0xFFFFFEF7, lr;
	s5 =	simm.s32 $0xFFFFFFFF;
	p2 =	slt.u32 s8, $0xFFFFF086  }
0x1c: {  	p1 =	slt.u32 s9, $0xF7A;
	s5 =	simm.s32 @!p2 $0x0  }
0x1d: {  	s5 =	simm.s32 @p1 $0x1;
	p0 =	seq.s32 s7, s2  }
0x1e: {  	s7 =	smul.u32 @!p0 $0xF7A, s2;
	p2 =	seq.s32 @!p0 s5, $0x0  }
0x1f: {  	s9 =	smul.u32 $0xF7A, s1;
	s8 =	simm.s32 @!p0 $0x1BF5;
	p2 =	por !p2, p0  }
0x20: {  	[sflag:s8] =	ssyncset.s32 @!p0 $0xFFFFF086;
	s6 =	sadd.s32 @!p0 s3, s7;
	s7 =	simm.s32 @!p0 $0x108  }
0x21: {  	s3 =	sadd.s32 s3, s9;
	s6 =	sadd.s32 @!p0 $0x88, s6;
	s7 =	simm.s32 @p2 $0x1082  }
0x22: {  	[simem:s7], [sflag:s8] =	dma.local @!p0 [hbm:s6], $0xF7A  }
0x23: {  	s9 =	sor.u32 $0xD0000000, s2;
	s6 =	simm.s32 $0x108;
	_ =	swait.ge @!p0 [sflag:s8], $0x0  }
0x24: {  	s3 =	sadd.s32 $0x88, s3;
	s6 =	simm.s32 @!p1 $0x1082;
	[sflag:s4] =	ssyncset.s32 $0xFFFFF086  }
0x25: {  	[simem:s6], [sflag:s4] =	dma.local [hbm:s3], $0xF7A  }
0x26: {  	[smem:$0x3F8D] =	sst s1;
	(tag) =	ssettag s2;
	_ =	strace s9  }
0x27: {  	s1 =	sld [smem:$0x3F9D]  }
0x28: {  	s2 =	sld [smem:$0x3F9E]  }
0x29: {  	s4 =	sld [smem:$0x3FA0]  }
0x2a: {  	p0 =	seq.s32 s5, $0x0;
	s5 =	sld [smem:$0x3FA1]  }
0x2b: {  	s6 =	sld [smem:$0x3FA2]  }
0x2c: {  	s7 =	sld [smem:$0x3FA3]  }
0x2d: {  	s3 =	simm.s32 $0x108;
	s8 =	sld [smem:$0x3FA4]  }
0x2e: {  	s3 =	simm.s32 @!p0 $0x1082;
	s9 =	sld [smem:$0x3FA5]  }
0x2f: {  	lr =	sadd.s32 s0, s3;
	s0 =	sld [smem:$0x3F9C]  }
0x30: {  	s3 =	sld [smem:$0x3F9F]  }
0x31: {  	[smem:$0x3FA8] =	sst s10  }
0x32: {  	s10 =	sld [smem:$0x3FA6];
	_ =	sdelay $0x3  }
0x33: {  	p0 =	seq.s32 s10, $0x1;
	s10 =	sld [smem:$0x3FA8];
	_ =	sdelay $0x3  }
0x34: {  	[smem:$0x3FA8] =	sst s10  }
0x35: {  	s10 =	sld [smem:$0x3FA7];
	_ =	sdelay $0x3  }
0x36: {  	p1 =	seq.s32 s10, $0x1;
	s10 =	sld [smem:$0x3FA8];
	_ =	sdelay $0x3  }
0x37: {  	[smem:$0x3FA8] =	sst s10  }
0x38: {  	s10 =	sld [smem:$0x3FA9]  }
0x39: {  	_ = 	snop;
	(pc) =	sbr.ind lr, $3  }
0x3a: {  	_ = 	snop  }
0x3b: {  	_ = 	snop  }
0x3c: {  	p2 =	seq.s32 s10, $0x1;
	s10 =	sld [smem:$0x3FA8]  }
0x3d: {  	_ =	shalt  }
0x3e: {  	_ =	shalt  }
0x3f: {  	_ =	shalt  }
0x40: {  	_ =	shalt  }
0x41: {  	_ =	shalt  }
0x42: {  	_ =	shalt  }
0x43: {  	_ =	shalt  }
0x44: {  	_ =	shalt  }
0x45: {  	_ =	shalt  }
0x46: {  	_ =	shalt  }
0x47: {  	_ =	shalt  }
0x48: {  	_ =	shalt  }
0x49: {  	_ =	shalt  }
0x4a: {  	_ =	shalt  }
0x4b: {  	_ =	shalt  }
0x4c: {  	_ =	shalt  }
0x4d: {  	_ =	shalt  }
0x4e: {  	_ =	shalt  }
0x4f: {  	_ =	shalt  }
0x50: {  	_ =	shalt  }
0x51: {  	_ =	shalt  }
0x52: {  	_ =	shalt  }
0x53: {  	_ =	shalt  }
0x54: {  	_ =	shalt  }
0x55: {  	_ =	shalt  }
0x56: {  	_ =	shalt  }
0x57: {  	_ =	shalt  }
0x58: {  	_ =	shalt  }
0x59: {  	_ =	shalt  }
0x5a: {  	_ =	shalt  }
0x5b: {  	_ =	shalt  }
0x5c: {  	_ =	shalt  }
0x5d: {  	_ =	shalt  }
0x5e: {  	_ =	shalt  }
0x5f: {  	_ =	shalt  }
0x60: {  	_ =	shalt  }
0x61: {  	_ =	shalt  }
0x62: {  	_ =	shalt  }
0x63: {  	_ =	shalt  }
0x64: {  	_ =	shalt  }
0x65: {  	_ =	shalt  }
0x66: {  	_ =	shalt  }
0x67: {  	_ =	shalt  }
0x68: {  	_ =	shalt  }
0x69: {  	_ =	shalt  }
0x6a: {  	_ =	shalt  }
0x6b: {  	_ =	shalt  }
0x6c: {  	_ =	shalt  }
0x6d: {  	_ =	shalt  }
0x6e: {  	_ =	shalt  }
0x6f: {  	_ =	shalt  }
0x70: {  	_ =	shalt  }
0x71: {  	_ =	shalt  }
0x72: {  	_ =	shalt  }
0x73: {  	_ =	shalt  }
0x74: {  	_ =	shalt  }
0x75: {  	_ =	shalt  }
0x76: {  	_ =	shalt  }
0x77: {  	_ =	shalt  }
0x78: {  	_ =	shalt  }
0x79: {  	_ =	shalt  }
0x7a: {  	_ =	shalt  }
0x7b: {  	_ =	shalt  }
0x7c: {  	_ =	shalt  }
0x7d: {  	_ =	shalt  }
0x7e: {  	_ =	shalt  }
0x7f: {  	_ =	shalt  }
0x80: {  	_ =	shalt  }
0x81: {  	_ =	shalt  }
0x82: {  	_ =	shalt  }
0x83: {  	_ =	shalt  }
0x84: {  	_ =	shalt  }
0x85: {  	_ =	shalt  }
0x86: {  	_ =	shalt  }
0x87: {  	_ =	shalt  }
.Lfunc_end0:
.L_simem_size_0:
called_computation.2_lowered:
.L_overlay_start_0:
0x88: {  	s2 =	sld [smem:$0x3FD9]  }
0x89: {  	s3 =	sld [smem:$0x3FFE];
	_ =	sdelay $0x1  }
0x8a: {  	s1 =	srdreg.scid  }
0x8b: {  	s0 =	sand.u32 $0x1, s1  }
0x8c: {  	s15 =	sshll.u32 s0, $0xA;
	s2 =	sadd.s32 s3, s2  }
0x8d: {  	s2 =	sadd.s32 s2, s15  }
0x8e: {  	[smem:$0x3FB4] =	sst s2  }
0x8f: {  	_ = 	snop  }
0x90: {  	s2 =	sld [smem:$0x3FD0];
	_ =	sdelay $0x2  }
0x91: {  	s16 =	simm.s32 $0xB;
	s4 =	simm.s32 $0x10  }
0x92: {  	[smem:s4], [sflag:s16] =	dma.local [hbm:s2], $0x1  }
0x93: {  	_ =	swait.eq [sflag:s16], $0x1  }
0x94: {  	[sflag:s16] =	ssyncset.done $0x0  }
0x95: {  	[sflag:s16] =	ssyncadd.s32 $0xFFFFFFFF  }
0x96: {  	s17 =	sld [smem:$0x12];
	(tm) =	ssettm $0x1  }
0x97: {  	s18 =	sld [smem:$0x3FFB];
	_ =	sdelay $0x3  }
0x98: {  	_ =	strace s18  }
0x99: {  	s2 =	sld [smem:$0x3FFC];
	_ =	sdelay $0x3  }
0x9a: {  	_ =	strace s2  }
0x9b: {  	s2 =	sld [smem:$0x3FFD];
	_ =	sdelay $0x3  }
0x9c: {  	_ =	strace s2  }
0x9d: {  	_ =	strace $0x8FFFFFFF  }
0x9e: {  	s19 =	sld [smem:$0x3FDB];
	_ =	sdelay $0x1  }
0x9f: {  	s20 =	simm.s32 $_scs_section_size  }
0xa0: {  	s5 =	simm.s32 $_size__tile_overlayer_lowered;
	s6 =	simm.s32 $_tile_overlayer_lowered  }
0xa1: {  	s7 =	simm.s32 $0x1BFF;
	s21 =	sshll.u32 s6, $0x1;
	s4 =	sadd.s32 s20, s19  }
0xa2: {  	s22 =	simm.s32 $0x0;
	s5 =	sshll.u32 s5, $0x1;
	s6 =	sadd.s32 s21, s4  }
0xa3: {  	[timem:s22], [sflag:s7] =	dma.local [hbm:s6], s5  }
0xa4: {  	_ =	swait.ge [sflag:s7], s5  }
0xa5: {  	s5 =	ssub.s32 $0x0, s5;
	[sflag:s7] =	ssyncset.done $0x0  }
0xa6: {  	[sflag:s7] =	ssyncadd.s32 s5;
	_ =	sdelay $0x1  }
0xa7: {  	s23 =	simm.s32 $0x1B8B  }
0xa8: {  	_ =	swait.ge [sflag:s23], $0x1  }
0xa9: {  	[sflag:s23] =	ssyncset.done $0x0  }
0xaa: {  	[sflag:s23] =	ssyncadd.s32 $0xFFFFFFFF  }
0xab: {  	s5 =	sld [smem:$0x0]  }
0xac: {  	s6 =	sand.u32 $0xFFFFFFFE, s1  }
0xad: {  	p0 =	sne.s32 s1, s6  }
0xae: {  	s6 =	sshll.u32 @p0 s6, $0xE  }
0xaf: {  	s6 =	sadd.s32 @p0 $0x11B8D, s6;
	s7 =	sshll.u32 @p0 s5, $0x11  }
0xb0: {  	s6 =	sor.u32 @p0 s7, s6  }
0xb1: {  	[sflag:s6] =	ssyncadd.remote.s32 @p0 $0x1;
	_ =	sdelay $0x1  }
0xb2: {  	s6 =	simm.s32 @p0 $0x1B8D  }
0xb3: {  	_ =	swait.eq @p0 [sflag:s6], $0x1  }
0xb4: {  	[sflag:s6] =	ssyncadd.s32 @p0 $0xFFFFFFFF  }
0xb5: {  	s7 =	sshll.u32 @!p0 s1, $0xE  }
0xb6: {  	s7 =	sor.u32 @!p0 $0x4000, s7;
	s6 =	simm.s32 @!p0 $0x1B8D  }
0xb7: {  	s5 =	sshll.u32 @!p0 s5, $0x11;
	s7 =	sadd.s32 @!p0 $0x11B8D, s7;
	_ =	swait.eq @!p0 [sflag:s6], $0x1  }
0xb8: {  	s5 =	sor.u32 @!p0 s5, s7;
	[sflag:s6] =	ssyncadd.s32 @!p0 $0xFFFFFFFF  }
0xb9: {  	s25 =	simm.s32 $0x1B8E;
	s24 =	sld [smem:$0x3FFE];
	[sflag:s5] =	ssyncadd.remote.s32 @!p0 $0x1  }
0xba: {  	s26 =	simm.s32 $execute0_lowered;
	[smem:$0x3FD2] =	sst s25  }
0xbb: {  	s6 =	sshll.u32 s26, $0x1;
	_ =	strace $0x8000004F;
	[dreg:$0x1] =	wrdreg $0xFFFFFFFF  }
0xbc: {  	s28 =	simm.s32 $_size_execute0_lowered;
	s4 =	sadd.s32 s4, s6;
	[dreg:$0x0] =	wrdreg $0x0  }
0xbd: {  	s6 =	sshll.u32 s28, $0x1;
	[dreg:$0x2] =	wrdreg s4  }
0xbe: {  	[dreg:$0x3] =	wrdreg s6  }
0xbf: {  	[dreg:$0x4] =	wrdreg $0xC0  }
0xc0: {  	_ =	task [dreg:s22], $0x5FFFF  }
0xc1: {  	[dreg:$0x1] =	wrdreg $0xFFFFFFFF  }
0xc2: {  	[dreg:$0x0] =	wrdreg $0x60  }
0xc3: {  	[dreg:$0x2] =	wrdreg s17  }
0xc4: {  	[dreg:$0x3] =	wrdreg s24  }
0xc5: {  	[dreg:$0x4] =	wrdreg $0x29000  }
0xc6: {  	[dreg:$0x5] =	wrdreg $0x9  }
0xc7: {  	_ =	task.clear_ibuf [dreg:s22], $0x6FFFF;
	_ =	strace $0x9000004F  }
0xc8: {  	s29 =	simm.s32 $0x9;
	_ =	strace $0x80000051  }
0xc9: {  	_ =	swait.ge [sflag:s29], $0x1  }
0xca: {  	[sflag:s29] =	ssyncadd.s32 $0xFFFFFFFF  }
0xcb: {  	_ =	strace $0x90000051  }
0xcc: {  	_ =	sfence  }
0xcd: {  	s30 =	sld [smem:$0x0];
	_ =	sdelay $0x2  }
0xce: {  	s31 =	sshll.u32 s1, $0xD;
	s1 =	sshrl.u32 s1, $0x2  }
0xcf: {  	s4 =	sand.u32 $0x4000, s31;
	s1 =	sadd.s32 s1, s30  }
0xd0: {  	s0 =	sor.u32 s4, s0;
	s1 =	sshll.u32 s1, $0x11  }
0xd1: {  	s0 =	sor.u32 s1, s0  }
0xd2: {  	s0 =	sadd.s32 $0x8F2B, s0  }
0xd3: {  	[sflag:s0] =	ssyncadd.remote.s32 $0x1  }
0xd4: {  	_ =	sfence.sel $0xFFFF  }
0xd5: {  	[dreg:$0x0] =	wrdreg $0xFFFFFFFF;
	(pc) =	sbr.abs _section_cstart, $3  }
0xd6: {  	[dreg:$0x1] =	wrdreg $0xFFFFFFFF  }
0xd7: {  	_ =	task.clear_ibuf [dreg:s22], $0x2FFFF;
	_ =	strace $0x9FFFFFFF  }
0xd8: {  	(tm) =	ssettm $0x7FFFFFFF  }
0xd9: {  	_ =	shalt  }
tec
execute0_lowered:
.L_overlay_start_1:
0x0: {  	(tag) =	ssettag $0x1  }
0x1: {  	s1 =	rddreg [dreg:$0x0]  }
0x2: {  	s2 =	srdreg.scid;
	s6 =	rddreg [dreg:$0x1]  }
0x3: {  	s0 =	stileid.u32;
	s3 =	rddreg [dreg:$0x2];
	s4 =	simm.s32 $0x0  }
0x4: {  	s16 =	simm.s32 $0x80;
	s17 =	simm.s32 $0x50;
	s7 =	smul.u32 $0x4E20, s0  }
0x5: {  	s18 =	simm.s32 $0x100;
	s19 =	simm.s32 $0x0;
	s25 =	smul.u32 $0x2780, s0  }
0x6: {  	s5 =	sand.u32 $0x1, s2;
	s2 =	rddreg [dreg:$0x3];
	s28 =	smul.u32 $0x4F000, s0  }
0x7: {  	[smem:$0x7FF] =	sst s4;
	s9 =	sadd.s32 $0xA2200, s6;
	s13 =	smul.u32 $0x13C00, s0  }
0x8: {  	s15 =	sadd.s32 $0x128400, s3;
	p0 =	seq.s32 s0, $0xF;
	s8 =	smul.u32 $0x2710, s5  }
0x9: {  	_ =	strace $0x80000050;
	s10 =	ssub.s32 $0x2, s5;
	s12 =	smul.u32 $0x138800, s5  }
0xa: {  	s26 =	sadd.s32 s25, s6;
	s29 =	sshrl.u32 s10, $0x1;
	s7 =	sadd.s32 s8, s7  }
0xb: {  	s8 =	sshrl.u32 s28, $0x2;
	s10 =	ssub.s32 s10, s29;
	s5 =	sadd.s32 $0x2CE00, s26  }
0xc: {  	s30 =	sadd.s32 s13, s12;
	s31 =	sshrl.u32 s12, $0x3;
	s13 =	sshll.u32 @!p0 s0, $0x6  }
0xd: {  	s12 =	sshrl.u32 @p0 s15, $0x3;
	s15 =	simm.s32 $0x1;
	s7 =	sshrl.u32 s7, $0x3  }
0xe: {  	s14 =	sadd.s32 s8, s3;
	s8 =	sadd.s32 s9, s31;
	s13 =	sor.u32 @!p0 $0x1C01, s13  }
0xf: {  	s11 =	sadd.s32 s7, s6;
	s6 =	sadd.s32 $0x51E80, s6;
	s7 =	sshrl.u32 s30, $0x3  }
0x10: {  	s8 =	sadd.s32 $0x25080, s8;
	s14 =	sshrl.u32 @!p0 s14, $0x3;
	s7 =	sadd.s32 s9, s7  }
0x11: {  	s9 =	smax.u32 s10, $0x1;
	s10 =	sadd.s32 $0x19200, s11;
	s11 =	sadd.s32 $0x23000, s11  }
.LBB2_1:
0x12: {  	s20 =	simm.s32 @p0 $0x1FC1  }
0x13: {  	[spmem:s12], [sflag:s20] =	dma.local @p0 [hbm:s6], $0x2080  }
0x14: {  	s20 =	simm.s32 @p0 $0x1  }
0x15: {  	_ =	swait.ge @p0 [sflag:s20], $0x2080  }
0x16: {  	[sflag:s20] =	ssyncset.done @p0 $0x0  }
0x17: {  	[sflag:s20] =	ssyncadd.s32 @p0 $0xFFFFDF80;
	s20 =	simm.s32 @!p0 $0x1  }
0x18: {  	[spmem:s14], [sflag:s13] =	dma.local @!p0 [hbm:s5], $0x2780  }
0x19: {  	_ =	swait.ge @!p0 [sflag:s20], $0x2780  }
0x1a: {  	[sflag:s20] =	ssyncset.done @!p0 $0x0  }
0x1b: {  	[sflag:s20] =	ssyncadd.s32 @!p0 $0xFFFFD880  }
0x1c: {  	s30 =	sadd.s32 $0x0, s11;
	[bflag:$0x0] =	sbarrier.arrive $0xFFFF  }
0x1d: {  	[tilespmem:s4], [sflag:$0x1] =	stream.linear.gather [hbm4b:s30+s4], $0x50, $0x38;
	[tilespmem:$0x16180] =	vst v63  }
0x1e: {  	_ =	swait.ge [sflag:s15], $0x50  }
0x1f: {  	[sflag:s15] =	ssyncset.done $0x0  }
0x20: {  	s31 =	sadd.s32 $0x0, s10;
	[sflag:s15] =	ssyncadd.s32 $0xFFFFFFB0  }
0x21: {  	[tilespmem:s16], [sflag:$0x1] =	stream.linear.gather [hbm4b:s31+s4], $0x50, $0x38;
	[tilespmem:$0x16180] =	vst v63  }
0x22: {  	_ =	swait.ge [sflag:s15], $0x50  }
0x23: {  	[sflag:s15] =	ssyncset.done $0x0  }
0x24: {  	[sflag:s15] =	ssyncadd.s32 $0xFFFFFFB0  }
0x25: {  	[tilespmem:s18], [sflag:$0x1] =	stream.indirect.gather [hbm4b:s1+s17], $0x80, s16, s17, $0xb8;
	[tilespmem:$0x16180] =	vst v63  }
0x26: {  	_ =	swait.ge [sflag:s15], $0x2800  }
0x27: {  	[sflag:s15] =	ssyncset.done $0x0  }
0x28: {  	[sflag:s15] =	ssyncadd.s32 $0xFFFFD800  }
0x29: {  	[spmem:s3] =	stream.indirect.scatter.add.f32 [tilespmem:s18], [sflag:$0x1], $0x80, s4, s17, $0xb8;
	[tilespmem:$0x16180] =	vst v63  }
0x2a: {  	_ =	swait.ge [sflag:s15], $0x2800  }
0x2b: {  	s21 =	simm.s32 $0x14;
	s20 =	simm.s32 $0xA;
	[sflag:s15] =	ssyncset.done $0x0  }
.LBB2_2:
0x2c: {  	s22 =	sadd.s32 s20, s11  }
0x2d: {  	[sflag:s15] =	ssyncadd.s32 $0xFFFFD800;
	s23 =	smov.u32 s21;
	s24 =	sadd.s32 $0xA, s21  }
0x2e: {  	[tilespmem:s4], [sflag:$0x1] =	stream.linear.gather [hbm4b:s22+s4], $0x50, $0x38;
	[tilespmem:$0x16180] =	vst v63  }
0x2f: {  	p1 =	sne.s32 s21, $0x4D8;
	_ =	swait.ge [sflag:s15], $0x50  }
0x30: {  	[sflag:s15] =	ssyncset.done $0x0  }
0x31: {  	s21 =	sadd.s32 s20, s10;
	s20 =	smov.u32 s23;
	[sflag:s15] =	ssyncadd.s32 $0xFFFFFFB0  }
0x32: {  	[tilespmem:s16], [sflag:$0x1] =	stream.linear.gather [hbm4b:s21+s4], $0x50, $0x38;
	[tilespmem:$0x16180] =	vst v63  }
0x33: {  	_ =	swait.ge [sflag:s15], $0x50  }
0x34: {  	[sflag:s15] =	ssyncset.done $0x0  }
0x35: {  	[sflag:s15] =	ssyncadd.s32 $0xFFFFFFB0  }
0x36: {  	[tilespmem:s18], [sflag:$0x1] =	stream.indirect.gather [hbm4b:s1+s17], $0x80, s16, s17, $0xb8;
	[tilespmem:$0x16180] =	vst v63  }
0x37: {  	_ =	swait.ge [sflag:s15], $0x2800  }
.Ltmp0:
0x38: {  	[sflag:s15] =	ssyncset.done $0x0;
	(pc) =	sbr.rel @p1 .LBB2_2-.Ltmp0, $4  }
0x39: {  	[sflag:s15] =	ssyncadd.s32 $0xFFFFD800  }
0x3a: {  	[spmem:s3] =	stream.indirect.scatter.add.f32 [tilespmem:s18], [sflag:$0x1], $0x80, s4, s17, $0xb8;
	[tilespmem:$0x16180] =	vst v63  }
0x3b: {  	_ =	swait.ge [sflag:s15], $0x2800  }
0x3c: {  	s21 =	smov.u32 s24;
	[sflag:s15] =	ssyncset.done $0x0  }
0x3d: {  	s21 =	sadd.s32 s20, s11;
	[sflag:s15] =	ssyncadd.s32 $0xFFFFD800  }
0x3e: {  	[tilespmem:s4], [sflag:$0x1] =	stream.linear.gather [hbm4b:s21+s4], $0x50, $0x38;
	[tilespmem:$0x16180] =	vst v63  }
0x3f: {  	_ =	swait.ge [sflag:s15], $0x50  }
0x40: {  	[sflag:s15] =	ssyncset.done $0x0  }
0x41: {  	s31 =	sadd.s32 s20, s10;
	[sflag:s15] =	ssyncadd.s32 $0xFFFFFFB0  }
0x42: {  	[tilespmem:s16], [sflag:$0x1] =	stream.linear.gather [hbm4b:s31+s4], $0x50, $0x38;
	[tilespmem:$0x16180] =	vst v63  }
0x43: {  	_ =	swait.ge [sflag:s15], $0x50  }
0x44: {  	[sflag:s15] =	ssyncset.done $0x0  }
0x45: {  	[sflag:s15] =	ssyncadd.s32 $0xFFFFFFB0  }
0x46: {  	[tilespmem:s18], [sflag:$0x1] =	stream.indirect.gather [hbm4b:s1+s17], $0x80, s16, s17, $0xb8;
	[tilespmem:$0x16180] =	vst v63  }
0x47: {  	_ =	swait.ge [sflag:s15], $0x2800  }
0x48: {  	[sflag:s15] =	ssyncset.done $0x0  }
0x49: {  	[sflag:s15] =	ssyncadd.s32 $0xFFFFD800  }
0x4a: {  	[spmem:s3] =	stream.indirect.scatter.add.f32 [tilespmem:s18], [sflag:$0x1], $0x80, s4, s17, $0xb8;
	[tilespmem:$0x16180] =	vst v63  }
0x4b: {  	_ =	swait.ge [sflag:s15], $0x2800  }
0x4c: {  	[sflag:s15] =	ssyncset.done $0x0  }
0x4d: {  	[sflag:s15] =	ssyncadd.s32 $0xFFFFD800  }
0x4e: {  	s20 =	simm.s32 @p0 $0x1FC1;
	[bflag:$0x0] =	sbarrier.arrive $0xFFFF  }
0x4f: {  	[hbm:s8], [sflag:s20] =	dma.local @p0 [spmem:s12], $0x2080  }
0x50: {  	s20 =	simm.s32 @p0 $0x1  }
0x51: {  	s19 =	sadd.s32 $0x1, s19;
	_ =	swait.ge @p0 [sflag:s20], $0x2080  }
0x52: {  	p1 =	sne.s32 s19, s9;
	[sflag:s20] =	ssyncset.done @p0 $0x0  }
.Ltmp1:
0x53: {  	[sflag:s20] =	ssyncadd.s32 @p0 $0xFFFFDF80;
	s20 =	simm.s32 @!p0 $0x1;
	(pc) =	sbr.rel @p1 .LBB2_1-.Ltmp1, $4  }
0x54: {  	[hbm:s7], [sflag:s13] =	dma.local @!p0 [spmem:s14], $0x2780  }
0x55: {  	_ =	swait.ge @!p0 [sflag:s20], $0x2780  }
0x56: {  	[sflag:s20] =	ssyncset.done @!p0 $0x0  }
0x57: {  	[sflag:s20] =	ssyncadd.s32 @!p0 $0xFFFFD880  }
0x58: {  	_ =	sfence.sel $0x180000  }
0x59: {  	[bflag:$0x0] =	sbarrier.arrive $0xFFFF  }
0x5a: {  	p0 =	sne.s32 s0, $0x0;
	_ =	strace $0x90000050  }
0x5b: {  	s0 =	sadd.s32 @!p0 $0x100000, s2;
	[bflag:$0x2] =	sbarrier.arrive $0xFFFF  }
0x5c: {  	[sflag:s0] =	ssyncadd.tile.s32 @!p0 $0x1;
	_ =	shalt  }
.Lfunc_end2:
_tile_overlayer_lowered:
.L_overlay_start_2:
0x5d: {  	(tag) =	ssettag $0x2  }
0x5e: {  	s0 =	rddreg [dreg:$0x0];
	s2 =	stileid.u32  }
0x5f: {  	s1 =	rddreg [dreg:$0x1];
	p0 =	sne.s32 s2, $0x0  }
0x60: {  	s3 =	rddreg [dreg:$0x2];
	[bflag:$0x3] =	sbarrier.arrive $0xFFFF;
	s2 =	simm.s32 @!p0 $0x1C01  }
0x61: {  	[timem:s3], [sflag:s2] =	dma.local @!p0 [hbm:s0], s1  }
0x62: {  	s0 =	simm.s32 @!p0 $0x1  }
0x63: {  	_ =	swait.ge @!p0 [sflag:s0], s1  }
0x64: {  	s1 =	ssub.s32 @!p0 $0x0, s1;
	[sflag:s0] =	ssyncset.done @!p0 $0x0  }
0x65: {  	[sflag:s0] =	ssyncadd.s32 @!p0 s1  }
0x66: {  	[bflag:$0x3] =	sbarrier.arrive $0xFFFF  }
0x67: {  	_ =	shalt  }

// kernel: kernel.15.cloned.1.call-start
scs
__scs_entry_jumppad:
0x0: {  	(pc) =	sbr.rel $0x88, $3  }
0x1: {  	(tag) =	ssettag $0x0;
	lr =	simm.s32 $0x1  }
0x2: {  	[smem:$0x3F8D] =	sst lr;
	_ =	strace $0xD0000000  }
0x3: {  	_ = 	snop  }
0x4: {  	_ = 	snop  }
0x5: {  	_ = 	snop  }
0x6: {  	_ = 	snop  }
0x7: {  	_ = 	snop  }
__scs_overlays_trampoline_lowered:
0x8: {  	[smem:$0x3F9C] =	sst s0  }
0x9: {  	[smem:$0x3F9D] =	sst s1  }
0xa: {  	[smem:$0x3F9E] =	sst s2  }
0xb: {  	[smem:$0x3F9F] =	sst s3  }
0xc: {  	[smem:$0x3FA0] =	sst s4  }
0xd: {  	[smem:$0x3FA1] =	sst s5  }
0xe: {  	[smem:$0x3FA2] =	sst s6  }
0xf: {  	[smem:$0x3FA3] =	sst s7  }
0x10: {  	[smem:$0x3FA4] =	sst s8  }
0x11: {  	[smem:$0x3FA5] =	sst s9;
	s0 =	simm.s32 @!p0 $0x0  }
0x12: {  	s1 =	sld [smem:$0x3F8B];
	s0 =	simm.s32 @p0 $0x1  }
0x13: {  	[smem:$0x3FA6] =	sst s0;
	s0 =	simm.s32 @!p1 $0x0  }
0x14: {  	s2 =	sld [smem:$0x3F8A];
	s0 =	simm.s32 @p1 $0x1  }
0x15: {  	[smem:$0x3FA7] =	sst s0;
	s0 =	simm.s32 @!p2 $0x0  }
0x16: {  	s3 =	sld [smem:$0x3FDB];
	s0 =	simm.s32 @p2 $0x1  }
0x17: {  	s4 =	simm.s32 $0x1BF5;
	[smem:$0x3FA9] =	sst s0  }
0x18: {  	s0 =	sld [smem:$0x3F8C];
	_ =	swait.ge [sflag:s4], $0x0  }
0x19: {  	s7 =	sld [smem:$0x3F8D]  }
0x1a: {  	s8 =	sadd.s32 $0xFFFFE003, lr  }
0x1b: {  	s9 =	sadd.s32 $0xFFFFFEF7, lr;
	s5 =	simm.s32 $0xFFFFFFFF;
	p2 =	slt.u32 s8, $0xFFFFF086  }
0x1c: {  	p1 =	slt.u32 s9, $0xF7A;
	s5 =	simm.s32 @!p2 $0x0  }
0x1d: {  	s5 =	simm.s32 @p1 $0x1;
	p0 =	seq.s32 s7, s2  }
0x1e: {  	s7 =	smul.u32 @!p0 $0xF7A, s2;
	p2 =	seq.s32 @!p0 s5, $0x0  }
0x1f: {  	s9 =	smul.u32 $0xF7A, s1;
	s8 =	simm.s32 @!p0 $0x1BF5;
	p2 =	por !p2, p0  }
0x20: {  	[sflag:s8] =	ssyncset.s32 @!p0 $0xFFFFF086;
	s6 =	sadd.s32 @!p0 s3, s7;
	s7 =	simm.s32 @!p0 $0x108  }
0x21: {  	s3 =	sadd.s32 s3, s9;
	s6 =	sadd.s32 @!p0 $0x88, s6;
	s7 =	simm.s32 @p2 $0x1082  }
0x22: {  	[simem:s7], [sflag:s8] =	dma.local @!p0 [hbm:s6], $0xF7A  }
0x23: {  	s9 =	sor.u32 $0xD0000000, s2;
	s6 =	simm.s32 $0x108;
	_ =	swait.ge @!p0 [sflag:s8], $0x0  }
0x24: {  	s3 =	sadd.s32 $0x88, s3;
	s6 =	simm.s32 @!p1 $0x1082;
	[sflag:s4] =	ssyncset.s32 $0xFFFFF086  }
0x25: {  	[simem:s6], [sflag:s4] =	dma.local [hbm:s3], $0xF7A  }
0x26: {  	[smem:$0x3F8D] =	sst s1;
	(tag) =	ssettag s2;
	_ =	strace s9  }
0x27: {  	s1 =	sld [smem:$0x3F9D]  }
0x28: {  	s2 =	sld [smem:$0x3F9E]  }
0x29: {  	s4 =	sld [smem:$0x3FA0]  }
0x2a: {  	p0 =	seq.s32 s5, $0x0;
	s5 =	sld [smem:$0x3FA1]  }
0x2b: {  	s6 =	sld [smem:$0x3FA2]  }
0x2c: {  	s7 =	sld [smem:$0x3FA3]  }
0x2d: {  	s3 =	simm.s32 $0x108;
	s8 =	sld [smem:$0x3FA4]  }
0x2e: {  	s3 =	simm.s32 @!p0 $0x1082;
	s9 =	sld [smem:$0x3FA5]  }
0x2f: {  	lr =	sadd.s32 s0, s3;
	s0 =	sld [smem:$0x3F9C]  }
0x30: {  	s3 =	sld [smem:$0x3F9F]  }
0x31: {  	[smem:$0x3FA8] =	sst s10  }
0x32: {  	s10 =	sld [smem:$0x3FA6];
	_ =	sdelay $0x3  }
0x33: {  	p0 =	seq.s32 s10, $0x1;
	s10 =	sld [smem:$0x3FA8];
	_ =	sdelay $0x3  }
0x34: {  	[smem:$0x3FA8] =	sst s10  }
0x35: {  	s10 =	sld [smem:$0x3FA7];
	_ =	sdelay $0x3  }
0x36: {  	p1 =	seq.s32 s10, $0x1;
	s10 =	sld [smem:$0x3FA8];
	_ =	sdelay $0x3  }
0x37: {  	[smem:$0x3FA8] =	sst s10  }
0x38: {  	s10 =	sld [smem:$0x3FA9]  }
0x39: {  	_ = 	snop;
	(pc) =	sbr.ind lr, $3  }
0x3a: {  	_ = 	snop  }
0x3b: {  	_ = 	snop  }
0x3c: {  	p2 =	seq.s32 s10, $0x1;
	s10 =	sld [smem:$0x3FA8]  }
0x3d: {  	_ =	shalt  }
0x3e: {  	_ =	shalt  }
0x3f: {  	_ =	shalt  }
0x40: {  	_ =	shalt  }
0x41: {  	_ =	shalt  }
0x42: {  	_ =	shalt  }
0x43: {  	_ =	shalt  }
0x44: {  	_ =	shalt  }
0x45: {  	_ =	shalt  }
0x46: {  	_ =	shalt  }
0x47: {  	_ =	shalt  }
0x48: {  	_ =	shalt  }
0x49: {  	_ =	shalt  }
0x4a: {  	_ =	shalt  }
0x4b: {  	_ =	shalt  }
0x4c: {  	_ =	shalt  }
0x4d: {  	_ =	shalt  }
0x4e: {  	_ =	shalt  }
0x4f: {  	_ =	shalt  }
0x50: {  	_ =	shalt  }
0x51: {  	_ =	shalt  }
0x52: {  	_ =	shalt  }
0x53: {  	_ =	shalt  }
0x54: {  	_ =	shalt  }
0x55: {  	_ =	shalt  }
0x56: {  	_ =	shalt  }
0x57: {  	_ =	shalt  }
0x58: {  	_ =	shalt  }
0x59: {  	_ =	shalt  }
0x5a: {  	_ =	shalt  }
0x5b: {  	_ =	shalt  }
0x5c: {  	_ =	shalt  }
0x5d: {  	_ =	shalt  }
0x5e: {  	_ =	shalt  }
0x5f: {  	_ =	shalt  }
0x60: {  	_ =	shalt  }
0x61: {  	_ =	shalt  }
0x62: {  	_ =	shalt  }
0x63: {  	_ =	shalt  }
0x64: {  	_ =	shalt  }
0x65: {  	_ =	shalt  }
0x66: {  	_ =	shalt  }
0x67: {  	_ =	shalt  }
0x68: {  	_ =	shalt  }
0x69: {  	_ =	shalt  }
0x6a: {  	_ =	shalt  }
0x6b: {  	_ =	shalt  }
0x6c: {  	_ =	shalt  }
0x6d: {  	_ =	shalt  }
0x6e: {  	_ =	shalt  }
0x6f: {  	_ =	shalt  }
0x70: {  	_ =	shalt  }
0x71: {  	_ =	shalt  }
0x72: {  	_ =	shalt  }
0x73: {  	_ =	shalt  }
0x74: {  	_ =	shalt  }
0x75: {  	_ =	shalt  }
0x76: {  	_ =	shalt  }
0x77: {  	_ =	shalt  }
0x78: {  	_ =	shalt  }
0x79: {  	_ =	shalt  }
0x7a: {  	_ =	shalt  }
0x7b: {  	_ =	shalt  }
0x7c: {  	_ =	shalt  }
0x7d: {  	_ =	shalt  }
0x7e: {  	_ =	shalt  }
0x7f: {  	_ =	shalt  }
0x80: {  	_ =	shalt  }
0x81: {  	_ =	shalt  }
0x82: {  	_ =	shalt  }
0x83: {  	_ =	shalt  }
0x84: {  	_ =	shalt  }
0x85: {  	_ =	shalt  }
0x86: {  	_ =	shalt  }
0x87: {  	_ =	shalt  }
.Lfunc_end0:
.L_simem_size_0:
called_computation.3_lowered:
.L_overlay_start_0:
0x88: {  	s2 =	sld [smem:$0x3FD9]  }
0x89: {  	s3 =	sld [smem:$0x3FFE];
	_ =	sdelay $0x1  }
0x8a: {  	s1 =	srdreg.scid  }
0x8b: {  	s0 =	sand.u32 $0x1, s1  }
0x8c: {  	s16 =	sshll.u32 s0, $0xA;
	s2 =	sadd.s32 s3, s2  }
0x8d: {  	s2 =	sadd.s32 s2, s16  }
0x8e: {  	[smem:$0x3FB4] =	sst s2  }
0x8f: {  	_ = 	snop  }
0x90: {  	(tm) =	ssettm $0x1  }
0x91: {  	s17 =	sld [smem:$0x3FFB];
	_ =	sdelay $0x3  }
0x92: {  	_ =	strace s17  }
0x93: {  	s2 =	sld [smem:$0x3FFC];
	_ =	sdelay $0x3  }
0x94: {  	_ =	strace s2  }
0x95: {  	s2 =	sld [smem:$0x3FFD];
	_ =	sdelay $0x3  }
0x96: {  	_ =	strace s2  }
0x97: {  	_ =	strace $0x8FFFFFFF  }
0x98: {  	s18 =	sld [smem:$0x3FDB];
	_ =	sdelay $0x1  }
0x99: {  	s19 =	simm.s32 $_scs_section_size  }
0x9a: {  	s4 =	simm.s32 $_size__tile_overlayer_lowered;
	s5 =	simm.s32 $_tile_overlayer_lowered  }
0x9b: {  	s22 =	simm.s32 $0x1BFF;
	s21 =	sshll.u32 s5, $0x1;
	s2 =	sadd.s32 s19, s18  }
0x9c: {  	s6 =	simm.s32 $0x0;
	s20 =	sshll.u32 s4, $0x1;
	s4 =	sadd.s32 s21, s2  }
0x9d: {  	[timem:s6], [sflag:s22] =	dma.local [hbm:s4], s20  }
0x9e: {  	_ =	swait.ge [sflag:s22], s20  }
0x9f: {  	s3 =	ssub.s32 $0x0, s20;
	[sflag:s22] =	ssyncset.done $0x0  }
0xa0: {  	[sflag:s22] =	ssyncadd.s32 s3;
	_ =	sdelay $0x1  }
0xa1: {  	s23 =	simm.s32 $0x1B8B  }
0xa2: {  	_ =	swait.ge [sflag:s23], $0x1  }
0xa3: {  	[sflag:s23] =	ssyncset.done $0x0  }
0xa4: {  	s25 =	simm.s32 $0x1B8E;
	s24 =	sld [smem:$0x3FFE];
	[sflag:s23] =	ssyncadd.s32 $0xFFFFFFFF  }
0xa5: {  	s26 =	simm.s32 $execute0_lowered;
	[smem:$0x3FD2] =	sst s25  }
0xa6: {  	s4 =	sshll.u32 s26, $0x1;
	_ =	strace $0x8000004C;
	[dreg:$0x1] =	wrdreg $0xFFFFFFFF  }
0xa7: {  	s28 =	simm.s32 $_size_execute0_lowered;
	s2 =	sadd.s32 s2, s4;
	[dreg:$0x0] =	wrdreg $0x0  }
0xa8: {  	s4 =	sshll.u32 s28, $0x1;
	[dreg:$0x2] =	wrdreg s2  }
0xa9: {  	[dreg:$0x3] =	wrdreg s4  }
0xaa: {  	[dreg:$0x4] =	wrdreg $0xC0  }
0xab: {  	_ =	task [dreg:s6], $0x5FFFF  }
0xac: {  	[dreg:$0x1] =	wrdreg $0xFFFFFFFF  }
0xad: {  	[dreg:$0x0] =	wrdreg $0x60  }
0xae: {  	[dreg:$0x2] =	wrdreg s24  }
0xaf: {  	[dreg:$0x3] =	wrdreg $0x29000  }
0xb0: {  	[dreg:$0x4] =	wrdreg $0xA  }
0xb1: {  	_ =	task.clear_ibuf [dreg:s6], $0x5FFFF;
	_ =	strace $0x9000004C  }
0xb2: {  	s29 =	simm.s32 $0xA;
	_ =	strace $0x8000004E  }
0xb3: {  	_ =	swait.ge [sflag:s29], $0x1  }
0xb4: {  	[sflag:s29] =	ssyncadd.s32 $0xFFFFFFFF  }
0xb5: {  	_ =	strace $0x9000004E  }
0xb6: {  	_ =	sfence  }
0xb7: {  	s30 =	sld [smem:$0x0];
	_ =	sdelay $0x2  }
0xb8: {  	s31 =	sshll.u32 s1, $0xD;
	s1 =	sshrl.u32 s1, $0x2  }
0xb9: {  	s3 =	sand.u32 $0x4000, s31;
	s1 =	sadd.s32 s1, s30  }
0xba: {  	s0 =	sor.u32 s3, s0;
	s1 =	sshll.u32 s1, $0x11  }
0xbb: {  	s0 =	sor.u32 s1, s0  }
0xbc: {  	s0 =	sadd.s32 $0x8F2B, s0  }
0xbd: {  	[sflag:s0] =	ssyncadd.remote.s32 $0x1  }
0xbe: {  	_ =	sfence.sel $0xFFFF  }
0xbf: {  	[dreg:$0x0] =	wrdreg $0xFFFFFFFF;
	(pc) =	sbr.abs _section_cstart, $3  }
0xc0: {  	[dreg:$0x1] =	wrdreg $0xFFFFFFFF  }
0xc1: {  	_ =	task.clear_ibuf [dreg:s6], $0x2FFFF;
	_ =	strace $0x9FFFFFFF  }
0xc2: {  	(tm) =	ssettm $0x7FFFFFFF  }
0xc3: {  	_ =	shalt  }
tec
execute0_lowered:
.L_overlay_start_1:
0x0: {  	(tag) =	ssettag $0x1  }
0x1: {  	s1 =	srdreg.scid  }
0x2: {  	s0 =	stileid.u32;
	s6 =	rddreg [dreg:$0x0]  }
0x3: {  	s2 =	rddreg [dreg:$0x1];
	s3 =	simm.s32 $0x0;
	s16 =	simm.s32 $0x80  }
0x4: {  	s17 =	simm.s32 $0x50;
	s18 =	simm.s32 $0x100;
	s4 =	smul.u32 $0x4E20, s0  }
0x5: {  	s5 =	sand.u32 $0x1, s1;
	s1 =	rddreg [dreg:$0x2];
	s8 =	smul.u32 $0x2780, s0  }
0x6: {  	s19 =	simm.s32 $0x0;
	[smem:$0x7FF] =	sst s3;
	s28 =	smul.u32 $0x4F000, s0  }
0x7: {  	s9 =	sadd.s32 $0x54000, s6;
	s13 =	smul.u32 $0x13C00, s0;
	s15 =	sadd.s32 $0x128400, s2  }
0x8: {  	p0 =	seq.s32 s0, $0xF;
	s7 =	smul.u32 $0x2710, s5;
	_ =	strace $0x8000004D  }
0x9: {  	s10 =	ssub.s32 $0x2, s5;
	s12 =	smul.u32 $0x138800, s5;
	s26 =	sadd.s32 s8, s6  }
0xa: {  	s29 =	sshrl.u32 s10, $0x1;
	s8 =	sshrl.u32 s28, $0x2;
	s7 =	sadd.s32 s7, s4  }
0xb: {  	s4 =	sadd.s32 $0xA21E00, s6;
	s10 =	ssub.s32 s10, s29;
	s14 =	sadd.s32 s8, s2  }
0xc: {  	s5 =	sadd.s32 $0x2CE00, s26;
	s30 =	sadd.s32 s13, s12;
	s31 =	sshrl.u32 s12, $0x3  }
0xd: {  	s13 =	sshll.u32 @!p0 s0, $0x6;
	s12 =	sshrl.u32 @p0 s15, $0x3;
	s15 =	simm.s32 $0x1  }
0xe: {  	s7 =	sshrl.u32 s7, $0x3;
	s8 =	sadd.s32 s9, s31;
	s13 =	sor.u32 @!p0 $0x1C01, s13  }
0xf: {  	s14 =	sshrl.u32 @!p0 s14, $0x3;
	s11 =	sadd.s32 s7, s6;
	s7 =	sshrl.u32 s30, $0x3  }
0x10: {  	s6 =	sadd.s32 $0x51E80, s6;
	s8 =	sadd.s32 $0x25080, s8;
	s7 =	sadd.s32 s9, s7  }
0x11: {  	s9 =	smax.u32 s10, $0x1;
	s10 =	sadd.s32 $0x19200, s11;
	s11 =	sadd.s32 $0x23000, s11  }
.LBB2_1:
0x12: {  	s20 =	simm.s32 @p0 $0x1FC1  }
0x13: {  	[spmem:s12], [sflag:s20] =	dma.local @p0 [hbm:s6], $0x2080  }
0x14: {  	s20 =	simm.s32 @p0 $0x1  }
0x15: {  	_ =	swait.ge @p0 [sflag:s20], $0x2080  }
0x16: {  	[sflag:s20] =	ssyncset.done @p0 $0x0  }
0x17: {  	[sflag:s20] =	ssyncadd.s32 @p0 $0xFFFFDF80;
	s20 =	simm.s32 @!p0 $0x1  }
0x18: {  	[spmem:s14], [sflag:s13] =	dma.local @!p0 [hbm:s5], $0x2780  }
0x19: {  	_ =	swait.ge @!p0 [sflag:s20], $0x2780  }
0x1a: {  	[sflag:s20] =	ssyncset.done @!p0 $0x0  }
0x1b: {  	[sflag:s20] =	ssyncadd.s32 @!p0 $0xFFFFD880  }
0x1c: {  	s30 =	sadd.s32 $0x0, s11;
	[bflag:$0x0] =	sbarrier.arrive $0xFFFF  }
0x1d: {  	[tilespmem:s3], [sflag:$0x1] =	stream.linear.gather [hbm4b:s30+s3], $0x50, $0x38;
	[tilespmem:$0x16180] =	vst v63  }
0x1e: {  	_ =	swait.ge [sflag:s15], $0x50  }
0x1f: {  	[sflag:s15] =	ssyncset.done $0x0  }
0x20: {  	s31 =	sadd.s32 $0x0, s10;
	[sflag:s15] =	ssyncadd.s32 $0xFFFFFFB0  }
0x21: {  	[tilespmem:s16], [sflag:$0x1] =	stream.linear.gather [hbm4b:s31+s3], $0x50, $0x38;
	[tilespmem:$0x16180] =	vst v63  }
0x22: {  	_ =	swait.ge [sflag:s15], $0x50  }
0x23: {  	[sflag:s15] =	ssyncset.done $0x0  }
0x24: {  	[sflag:s15] =	ssyncadd.s32 $0xFFFFFFB0  }
0x25: {  	[tilespmem:s18], [sflag:$0x1] =	stream.indirect.gather [hbm4b:s4+s17], $0x80, s16, s17, $0xb8;
	[tilespmem:$0x16180] =	vst v63  }
0x26: {  	_ =	swait.ge [sflag:s15], $0x2800  }
0x27: {  	[sflag:s15] =	ssyncset.done $0x0  }
0x28: {  	[sflag:s15] =	ssyncadd.s32 $0xFFFFD800  }
0x29: {  	[spmem:s2] =	stream.indirect.scatter.add.f32 [tilespmem:s18], [sflag:$0x1], $0x80, s3, s17, $0xb8;
	[tilespmem:$0x16180] =	vst v63  }
0x2a: {  	_ =	swait.ge [sflag:s15], $0x2800  }
0x2b: {  	s21 =	simm.s32 $0x14;
	s20 =	simm.s32 $0xA;
	[sflag:s15] =	ssyncset.done $0x0  }
.LBB2_2:
0x2c: {  	s22 =	sadd.s32 s20, s11  }
0x2d: {  	[sflag:s15] =	ssyncadd.s32 $0xFFFFD800;
	s23 =	smov.u32 s21;
	s24 =	sadd.s32 $0xA, s21  }
0x2e: {  	[tilespmem:s3], [sflag:$0x1] =	stream.linear.gather [hbm4b:s22+s3], $0x50, $0x38;
	[tilespmem:$0x16180] =	vst v63  }
0x2f: {  	p1 =	sne.s32 s21, $0x4D8;
	_ =	swait.ge [sflag:s15], $0x50  }
0x30: {  	[sflag:s15] =	ssyncset.done $0x0  }
0x31: {  	s21 =	sadd.s32 s20, s10;
	s20 =	smov.u32 s23;
	[sflag:s15] =	ssyncadd.s32 $0xFFFFFFB0  }
0x32: {  	[tilespmem:s16], [sflag:$0x1] =	stream.linear.gather [hbm4b:s21+s3], $0x50, $0x38;
	[tilespmem:$0x16180] =	vst v63  }
0x33: {  	_ =	swait.ge [sflag:s15], $0x50  }
0x34: {  	[sflag:s15] =	ssyncset.done $0x0  }
0x35: {  	[sflag:s15] =	ssyncadd.s32 $0xFFFFFFB0  }
0x36: {  	[tilespmem:s18], [sflag:$0x1] =	stream.indirect.gather [hbm4b:s4+s17], $0x80, s16, s17, $0xb8;
	[tilespmem:$0x16180] =	vst v63  }
0x37: {  	_ =	swait.ge [sflag:s15], $0x2800  }
.Ltmp0:
0x38: {  	[sflag:s15] =	ssyncset.done $0x0;
	(pc) =	sbr.rel @p1 .LBB2_2-.Ltmp0, $4  }
0x39: {  	[sflag:s15] =	ssyncadd.s32 $0xFFFFD800  }
0x3a: {  	[spmem:s2] =	stream.indirect.scatter.add.f32 [tilespmem:s18], [sflag:$0x1], $0x80, s3, s17, $0xb8;
	[tilespmem:$0x16180] =	vst v63  }
0x3b: {  	_ =	swait.ge [sflag:s15], $0x2800  }
0x3c: {  	s21 =	smov.u32 s24;
	[sflag:s15] =	ssyncset.done $0x0  }
0x3d: {  	s21 =	sadd.s32 s20, s11;
	[sflag:s15] =	ssyncadd.s32 $0xFFFFD800  }
0x3e: {  	[tilespmem:s3], [sflag:$0x1] =	stream.linear.gather [hbm4b:s21+s3], $0x50, $0x38;
	[tilespmem:$0x16180] =	vst v63  }
0x3f: {  	_ =	swait.ge [sflag:s15], $0x50  }
0x40: {  	[sflag:s15] =	ssyncset.done $0x0  }
0x41: {  	s31 =	sadd.s32 s20, s10;
	[sflag:s15] =	ssyncadd.s32 $0xFFFFFFB0  }
0x42: {  	[tilespmem:s16], [sflag:$0x1] =	stream.linear.gather [hbm4b:s31+s3], $0x50, $0x38;
	[tilespmem:$0x16180] =	vst v63  }
0x43: {  	_ =	swait.ge [sflag:s15], $0x50  }
0x44: {  	[sflag:s15] =	ssyncset.done $0x0  }
0x45: {  	[sflag:s15] =	ssyncadd.s32 $0xFFFFFFB0  }
0x46: {  	[tilespmem:s18], [sflag:$0x1] =	stream.indirect.gather [hbm4b:s4+s17], $0x80, s16, s17, $0xb8;
	[tilespmem:$0x16180] =	vst v63  }
0x47: {  	_ =	swait.ge [sflag:s15], $0x2800  }
0x48: {  	[sflag:s15] =	ssyncset.done $0x0  }
0x49: {  	[sflag:s15] =	ssyncadd.s32 $0xFFFFD800  }
0x4a: {  	[spmem:s2] =	stream.indirect.scatter.add.f32 [tilespmem:s18], [sflag:$0x1], $0x80, s3, s17, $0xb8;
	[tilespmem:$0x16180] =	vst v63  }
0x4b: {  	_ =	swait.ge [sflag:s15], $0x2800  }
0x4c: {  	[sflag:s15] =	ssyncset.done $0x0  }
0x4d: {  	[sflag:s15] =	ssyncadd.s32 $0xFFFFD800  }
0x4e: {  	s20 =	simm.s32 @p0 $0x1FC1;
	[bflag:$0x0] =	sbarrier.arrive $0xFFFF  }
0x4f: {  	[hbm:s8], [sflag:s20] =	dma.local @p0 [spmem:s12], $0x2080  }
0x50: {  	s20 =	simm.s32 @p0 $0x1  }
0x51: {  	s19 =	sadd.s32 $0x1, s19;
	_ =	swait.ge @p0 [sflag:s20], $0x2080  }
0x52: {  	p1 =	sne.s32 s19, s9;
	[sflag:s20] =	ssyncset.done @p0 $0x0  }
.Ltmp1:
0x53: {  	[sflag:s20] =	ssyncadd.s32 @p0 $0xFFFFDF80;
	s20 =	simm.s32 @!p0 $0x1;
	(pc) =	sbr.rel @p1 .LBB2_1-.Ltmp1, $4  }
0x54: {  	[hbm:s7], [sflag:s13] =	dma.local @!p0 [spmem:s14], $0x2780  }
0x55: {  	_ =	swait.ge @!p0 [sflag:s20], $0x2780  }
0x56: {  	[sflag:s20] =	ssyncset.done @!p0 $0x0  }
0x57: {  	[sflag:s20] =	ssyncadd.s32 @!p0 $0xFFFFD880  }
0x58: {  	_ =	sfence.sel $0x180000  }
0x59: {  	[bflag:$0x0] =	sbarrier.arrive $0xFFFF  }
0x5a: {  	p0 =	sne.s32 s0, $0x0;
	_ =	strace $0x9000004D  }
0x5b: {  	s0 =	sadd.s32 @!p0 $0x100000, s1;
	[bflag:$0x2] =	sbarrier.arrive $0xFFFF  }
0x5c: {  	[sflag:s0] =	ssyncadd.tile.s32 @!p0 $0x1;
	_ =	shalt  }
.Lfunc_end2:
_tile_overlayer_lowered:
.L_overlay_start_2:
0x5d: {  	(tag) =	ssettag $0x2  }
0x5e: {  	s0 =	rddreg [dreg:$0x0];
	s2 =	stileid.u32  }
0x5f: {  	s1 =	rddreg [dreg:$0x1];
	p0 =	sne.s32 s2, $0x0  }
0x60: {  	s3 =	rddreg [dreg:$0x2];
	[bflag:$0x3] =	sbarrier.arrive $0xFFFF;
	s2 =	simm.s32 @!p0 $0x1C01  }
0x61: {  	[timem:s3], [sflag:s2] =	dma.local @!p0 [hbm:s0], s1  }
0x62: {  	s0 =	simm.s32 @!p0 $0x1  }
0x63: {  	_ =	swait.ge @!p0 [sflag:s0], s1  }
0x64: {  	s1 =	ssub.s32 @!p0 $0x0, s1;
	[sflag:s0] =	ssyncset.done @!p0 $0x0  }
0x65: {  	[sflag:s0] =	ssyncadd.s32 @!p0 s1  }
0x66: {  	[bflag:$0x3] =	sbarrier.arrive $0xFFFF  }
0x67: {  	_ =	shalt  }

// kernel: kernel.9.cloned.1.call-start
scs
__scs_entry_jumppad:
0x0: {  	(pc) =	sbr.rel $0x88, $3  }
0x1: {  	(tag) =	ssettag $0x0;
	lr =	simm.s32 $0x1  }
0x2: {  	[smem:$0x3F8D] =	sst lr;
	_ =	strace $0xD0000000  }
0x3: {  	_ = 	snop  }
0x4: {  	_ = 	snop  }
0x5: {  	_ = 	snop  }
0x6: {  	_ = 	snop  }
0x7: {  	_ = 	snop  }
__scs_overlays_trampoline_lowered:
0x8: {  	[smem:$0x3F9C] =	sst s0  }
0x9: {  	[smem:$0x3F9D] =	sst s1  }
0xa: {  	[smem:$0x3F9E] =	sst s2  }
0xb: {  	[smem:$0x3F9F] =	sst s3  }
0xc: {  	[smem:$0x3FA0] =	sst s4  }
0xd: {  	[smem:$0x3FA1] =	sst s5  }
0xe: {  	[smem:$0x3FA2] =	sst s6  }
0xf: {  	[smem:$0x3FA3] =	sst s7  }
0x10: {  	[smem:$0x3FA4] =	sst s8  }
0x11: {  	[smem:$0x3FA5] =	sst s9;
	s0 =	simm.s32 @!p0 $0x0  }
0x12: {  	s1 =	sld [smem:$0x3F8B];
	s0 =	simm.s32 @p0 $0x1  }
0x13: {  	[smem:$0x3FA6] =	sst s0;
	s0 =	simm.s32 @!p1 $0x0  }
0x14: {  	s2 =	sld [smem:$0x3F8A];
	s0 =	simm.s32 @p1 $0x1  }
0x15: {  	[smem:$0x3FA7] =	sst s0;
	s0 =	simm.s32 @!p2 $0x0  }
0x16: {  	s3 =	sld [smem:$0x3FDB];
	s0 =	simm.s32 @p2 $0x1  }
0x17: {  	s4 =	simm.s32 $0x1BF5;
	[smem:$0x3FA9] =	sst s0  }
0x18: {  	s0 =	sld [smem:$0x3F8C];
	_ =	swait.ge [sflag:s4], $0x0  }
0x19: {  	s7 =	sld [smem:$0x3F8D]  }
0x1a: {  	s8 =	sadd.s32 $0xFFFFE003, lr  }
0x1b: {  	s9 =	sadd.s32 $0xFFFFFEF7, lr;
	s5 =	simm.s32 $0xFFFFFFFF;
	p2 =	slt.u32 s8, $0xFFFFF086  }
0x1c: {  	p1 =	slt.u32 s9, $0xF7A;
	s5 =	simm.s32 @!p2 $0x0  }
0x1d: {  	s5 =	simm.s32 @p1 $0x1;
	p0 =	seq.s32 s7, s2  }
0x1e: {  	s7 =	smul.u32 @!p0 $0xF7A, s2;
	p2 =	seq.s32 @!p0 s5, $0x0  }
0x1f: {  	s9 =	smul.u32 $0xF7A, s1;
	s8 =	simm.s32 @!p0 $0x1BF5;
	p2 =	por !p2, p0  }
0x20: {  	[sflag:s8] =	ssyncset.s32 @!p0 $0xFFFFF086;
	s6 =	sadd.s32 @!p0 s3, s7;
	s7 =	simm.s32 @!p0 $0x108  }
0x21: {  	s3 =	sadd.s32 s3, s9;
	s6 =	sadd.s32 @!p0 $0x88, s6;
	s7 =	simm.s32 @p2 $0x1082  }
0x22: {  	[simem:s7], [sflag:s8] =	dma.local @!p0 [hbm:s6], $0xF7A  }
0x23: {  	s9 =	sor.u32 $0xD0000000, s2;
	s6 =	simm.s32 $0x108;
	_ =	swait.ge @!p0 [sflag:s8], $0x0  }
0x24: {  	s3 =	sadd.s32 $0x88, s3;
	s6 =	simm.s32 @!p1 $0x1082;
	[sflag:s4] =	ssyncset.s32 $0xFFFFF086  }
0x25: {  	[simem:s6], [sflag:s4] =	dma.local [hbm:s3], $0xF7A  }
0x26: {  	[smem:$0x3F8D] =	sst s1;
	(tag) =	ssettag s2;
	_ =	strace s9  }
0x27: {  	s1 =	sld [smem:$0x3F9D]  }
0x28: {  	s2 =	sld [smem:$0x3F9E]  }
0x29: {  	s4 =	sld [smem:$0x3FA0]  }
0x2a: {  	p0 =	seq.s32 s5, $0x0;
	s5 =	sld [smem:$0x3FA1]  }
0x2b: {  	s6 =	sld [smem:$0x3FA2]  }
0x2c: {  	s7 =	sld [smem:$0x3FA3]  }
0x2d: {  	s3 =	simm.s32 $0x108;
	s8 =	sld [smem:$0x3FA4]  }
0x2e: {  	s3 =	simm.s32 @!p0 $0x1082;
	s9 =	sld [smem:$0x3FA5]  }
0x2f: {  	lr =	sadd.s32 s0, s3;
	s0 =	sld [smem:$0x3F9C]  }
0x30: {  	s3 =	sld [smem:$0x3F9F]  }
0x31: {  	[smem:$0x3FA8] =	sst s10  }
0x32: {  	s10 =	sld [smem:$0x3FA6];
	_ =	sdelay $0x3  }
0x33: {  	p0 =	seq.s32 s10, $0x1;
	s10 =	sld [smem:$0x3FA8];
	_ =	sdelay $0x3  }
0x34: {  	[smem:$0x3FA8] =	sst s10  }
0x35: {  	s10 =	sld [smem:$0x3FA7];
	_ =	sdelay $0x3  }
0x36: {  	p1 =	seq.s32 s10, $0x1;
	s10 =	sld [smem:$0x3FA8];
	_ =	sdelay $0x3  }
0x37: {  	[smem:$0x3FA8] =	sst s10  }
0x38: {  	s10 =	sld [smem:$0x3FA9]  }
0x39: {  	_ = 	snop;
	(pc) =	sbr.ind lr, $3  }
0x3a: {  	_ = 	snop  }
0x3b: {  	_ = 	snop  }
0x3c: {  	p2 =	seq.s32 s10, $0x1;
	s10 =	sld [smem:$0x3FA8]  }
0x3d: {  	_ =	shalt  }
0x3e: {  	_ =	shalt  }
0x3f: {  	_ =	shalt  }
0x40: {  	_ =	shalt  }
0x41: {  	_ =	shalt  }
0x42: {  	_ =	shalt  }
0x43: {  	_ =	shalt  }
0x44: {  	_ =	shalt  }
0x45: {  	_ =	shalt  }
0x46: {  	_ =	shalt  }
0x47: {  	_ =	shalt  }
0x48: {  	_ =	shalt  }
0x49: {  	_ =	shalt  }
0x4a: {  	_ =	shalt  }
0x4b: {  	_ =	shalt  }
0x4c: {  	_ =	shalt  }
0x4d: {  	_ =	shalt  }
0x4e: {  	_ =	shalt  }
0x4f: {  	_ =	shalt  }
0x50: {  	_ =	shalt  }
0x51: {  	_ =	shalt  }
0x52: {  	_ =	shalt  }
0x53: {  	_ =	shalt  }
0x54: {  	_ =	shalt  }
0x55: {  	_ =	shalt  }
0x56: {  	_ =	shalt  }
0x57: {  	_ =	shalt  }
0x58: {  	_ =	shalt  }
0x59: {  	_ =	shalt  }
0x5a: {  	_ =	shalt  }
0x5b: {  	_ =	shalt  }
0x5c: {  	_ =	shalt  }
0x5d: {  	_ =	shalt  }
0x5e: {  	_ =	shalt  }
0x5f: {  	_ =	shalt  }
0x60: {  	_ =	shalt  }
0x61: {  	_ =	shalt  }
0x62: {  	_ =	shalt  }
0x63: {  	_ =	shalt  }
0x64: {  	_ =	shalt  }
0x65: {  	_ =	shalt  }
0x66: {  	_ =	shalt  }
0x67: {  	_ =	shalt  }
0x68: {  	_ =	shalt  }
0x69: {  	_ =	shalt  }
0x6a: {  	_ =	shalt  }
0x6b: {  	_ =	shalt  }
0x6c: {  	_ =	shalt  }
0x6d: {  	_ =	shalt  }
0x6e: {  	_ =	shalt  }
0x6f: {  	_ =	shalt  }
0x70: {  	_ =	shalt  }
0x71: {  	_ =	shalt  }
0x72: {  	_ =	shalt  }
0x73: {  	_ =	shalt  }
0x74: {  	_ =	shalt  }
0x75: {  	_ =	shalt  }
0x76: {  	_ =	shalt  }
0x77: {  	_ =	shalt  }
0x78: {  	_ =	shalt  }
0x79: {  	_ =	shalt  }
0x7a: {  	_ =	shalt  }
0x7b: {  	_ =	shalt  }
0x7c: {  	_ =	shalt  }
0x7d: {  	_ =	shalt  }
0x7e: {  	_ =	shalt  }
0x7f: {  	_ =	shalt  }
0x80: {  	_ =	shalt  }
0x81: {  	_ =	shalt  }
0x82: {  	_ =	shalt  }
0x83: {  	_ =	shalt  }
0x84: {  	_ =	shalt  }
0x85: {  	_ =	shalt  }
0x86: {  	_ =	shalt  }
0x87: {  	_ =	shalt  }
.Lfunc_end0:
.L_simem_size_0:
called_computation.1_lowered:
.L_overlay_start_0:
0x88: {  	s2 =	sld [smem:$0x3FD9]  }
0x89: {  	s3 =	sld [smem:$0x3FFE];
	_ =	sdelay $0x1  }
0x8a: {  	s1 =	srdreg.scid  }
0x8b: {  	s0 =	sand.u32 $0x1, s1  }
0x8c: {  	s15 =	sshll.u32 s0, $0xA;
	s2 =	sadd.s32 s3, s2  }
0x8d: {  	s2 =	sadd.s32 s2, s15  }
0x8e: {  	[smem:$0x3FB4] =	sst s2  }
0x8f: {  	_ = 	snop  }
0x90: {  	s2 =	sld [smem:$0x3FD0];
	_ =	sdelay $0x2  }
0x91: {  	s16 =	simm.s32 $0xB;
	s4 =	simm.s32 $0x10  }
0x92: {  	[smem:s4], [sflag:s16] =	dma.local [hbm:s2], $0x1  }
0x93: {  	_ =	swait.eq [sflag:s16], $0x1  }
0x94: {  	[sflag:s16] =	ssyncset.done $0x0  }
0x95: {  	[sflag:s16] =	ssyncadd.s32 $0xFFFFFFFF  }
0x96: {  	s17 =	sld [smem:$0x12];
	(tm) =	ssettm $0x1  }
0x97: {  	s18 =	sld [smem:$0x3FFB];
	_ =	sdelay $0x3  }
0x98: {  	_ =	strace s18  }
0x99: {  	s2 =	sld [smem:$0x3FFC];
	_ =	sdelay $0x3  }
0x9a: {  	_ =	strace s2  }
0x9b: {  	s2 =	sld [smem:$0x3FFD];
	_ =	sdelay $0x3  }
0x9c: {  	_ =	strace s2  }
0x9d: {  	_ =	strace $0x8FFFFFFF  }
0x9e: {  	s19 =	sld [smem:$0x3FDB];
	_ =	sdelay $0x1  }
0x9f: {  	s20 =	simm.s32 $_scs_section_size  }
0xa0: {  	s5 =	simm.s32 $_size__tile_overlayer_lowered;
	s6 =	simm.s32 $_tile_overlayer_lowered  }
0xa1: {  	s7 =	simm.s32 $0x1BFF;
	s21 =	sshll.u32 s6, $0x1;
	s4 =	sadd.s32 s20, s19  }
0xa2: {  	s22 =	simm.s32 $0x0;
	s5 =	sshll.u32 s5, $0x1;
	s6 =	sadd.s32 s21, s4  }
0xa3: {  	[timem:s22], [sflag:s7] =	dma.local [hbm:s6], s5  }
0xa4: {  	_ =	swait.ge [sflag:s7], s5  }
0xa5: {  	s5 =	ssub.s32 $0x0, s5;
	[sflag:s7] =	ssyncset.done $0x0  }
0xa6: {  	[sflag:s7] =	ssyncadd.s32 s5;
	_ =	sdelay $0x1  }
0xa7: {  	s23 =	simm.s32 $0x1B8B  }
0xa8: {  	_ =	swait.ge [sflag:s23], $0x1  }
0xa9: {  	[sflag:s23] =	ssyncset.done $0x0  }
0xaa: {  	[sflag:s23] =	ssyncadd.s32 $0xFFFFFFFF  }
0xab: {  	s5 =	sld [smem:$0x0]  }
0xac: {  	s6 =	sand.u32 $0xFFFFFFFE, s1  }
0xad: {  	p0 =	sne.s32 s1, s6  }
0xae: {  	s6 =	sshll.u32 @p0 s6, $0xE  }
0xaf: {  	s6 =	sadd.s32 @p0 $0x11B8D, s6;
	s7 =	sshll.u32 @p0 s5, $0x11  }
0xb0: {  	s6 =	sor.u32 @p0 s7, s6  }
0xb1: {  	[sflag:s6] =	ssyncadd.remote.s32 @p0 $0x1;
	_ =	sdelay $0x1  }
0xb2: {  	s6 =	simm.s32 @p0 $0x1B8D  }
0xb3: {  	_ =	swait.eq @p0 [sflag:s6], $0x1  }
0xb4: {  	[sflag:s6] =	ssyncadd.s32 @p0 $0xFFFFFFFF  }
0xb5: {  	s7 =	sshll.u32 @!p0 s1, $0xE  }
0xb6: {  	s7 =	sor.u32 @!p0 $0x4000, s7;
	s6 =	simm.s32 @!p0 $0x1B8D  }
0xb7: {  	s5 =	sshll.u32 @!p0 s5, $0x11;
	s7 =	sadd.s32 @!p0 $0x11B8D, s7;
	_ =	swait.eq @!p0 [sflag:s6], $0x1  }
0xb8: {  	s5 =	sor.u32 @!p0 s5, s7;
	[sflag:s6] =	ssyncadd.s32 @!p0 $0xFFFFFFFF  }
0xb9: {  	s25 =	simm.s32 $0x1B8E;
	s24 =	sld [smem:$0x3FFE];
	[sflag:s5] =	ssyncadd.remote.s32 @!p0 $0x1  }
0xba: {  	s26 =	simm.s32 $execute0_lowered;
	[smem:$0x3FD2] =	sst s25  }
0xbb: {  	s6 =	sshll.u32 s26, $0x1;
	_ =	strace $0x80000049;
	[dreg:$0x1] =	wrdreg $0xFFFFFFFF  }
0xbc: {  	s28 =	simm.s32 $_size_execute0_lowered;
	s4 =	sadd.s32 s4, s6;
	[dreg:$0x0] =	wrdreg $0x0  }
0xbd: {  	s6 =	sshll.u32 s28, $0x1;
	[dreg:$0x2] =	wrdreg s4  }
0xbe: {  	[dreg:$0x3] =	wrdreg s6  }
0xbf: {  	[dreg:$0x4] =	wrdreg $0xC0  }
0xc0: {  	_ =	task [dreg:s22], $0x5FFFF  }
0xc1: {  	[dreg:$0x1] =	wrdreg $0xFFFFFFFF  }
0xc2: {  	[dreg:$0x0] =	wrdreg $0x60  }
0xc3: {  	[dreg:$0x2] =	wrdreg s17  }
0xc4: {  	[dreg:$0x3] =	wrdreg s24  }
0xc5: {  	[dreg:$0x4] =	wrdreg $0xA  }
0xc6: {  	_ =	task.clear_ibuf [dreg:s22], $0x5FFFF;
	_ =	strace $0x90000049  }
0xc7: {  	s29 =	simm.s32 $0xA;
	_ =	strace $0x8000004B  }
0xc8: {  	_ =	swait.ge [sflag:s29], $0x1  }
0xc9: {  	[sflag:s29] =	ssyncadd.s32 $0xFFFFFFFF  }
0xca: {  	_ =	strace $0x9000004B  }
0xcb: {  	_ =	sfence  }
0xcc: {  	s30 =	sld [smem:$0x0];
	_ =	sdelay $0x2  }
0xcd: {  	s31 =	sshll.u32 s1, $0xD;
	s1 =	sshrl.u32 s1, $0x2  }
0xce: {  	s4 =	sand.u32 $0x4000, s31;
	s1 =	sadd.s32 s1, s30  }
0xcf: {  	s0 =	sor.u32 s4, s0;
	s1 =	sshll.u32 s1, $0x11  }
0xd0: {  	s0 =	sor.u32 s1, s0  }
0xd1: {  	s0 =	sadd.s32 $0x8F2B, s0  }
0xd2: {  	[sflag:s0] =	ssyncadd.remote.s32 $0x1  }
0xd3: {  	_ =	sfence.sel $0xFFFF  }
0xd4: {  	[dreg:$0x0] =	wrdreg $0xFFFFFFFF;
	(pc) =	sbr.abs _section_cstart, $3  }
0xd5: {  	[dreg:$0x1] =	wrdreg $0xFFFFFFFF  }
0xd6: {  	_ =	task.clear_ibuf [dreg:s22], $0x2FFFF;
	_ =	strace $0x9FFFFFFF  }
0xd7: {  	(tm) =	ssettm $0x7FFFFFFF  }
tec
execute0_lowered:
.L_overlay_start_1:
0x0: {  	(tag) =	ssettag $0x1  }
0x1: {  	v0 =	vlaneseq.u32  }
0x2: {  	s1 =	rddreg [dreg:$0x0];
	v0 =	vmul.u32 $0x80, v0  }
0x3: {  	s9 =	rddreg [dreg:$0x1]  }
0x4: {  	s0 =	rddreg [dreg:$0x2];
	s2 =	simm.s32 $0x0;
	s6 =	srdreg.scid;
	v1 =	vor.u32 $0x1, v0;
	v2 =	vor.u32 $0x2, v0  }
0x5: {  	s14 =	simm.s32 $0x9D00;
	s15 =	simm.s32 $0x50;
	s16 =	simm.s32 $0x9D80;
	v3 =	vor.u32 $0x3, v0;
	v4 =	vor.u32 $0x4, v0;
	v5 =	vor.u32 $0x5, v0  }
0x6: {  	s17 =	simm.s32 $0xC580;
	s18 =	simm.s32 $0xED80;
	s19 =	simm.s32 $0x1;
	v6 =	vor.u32 $0x800, v0;
	v7 =	vor.u32 $0x801, v0;
	v8 =	vor.u32 $0x802, v0  }
0x7: {  	s20 =	simm.s32 $0x2;
	s21 =	simm.s32 $0x0;
	[smem:$0x7FF] =	sst s2;
	v9 =	vor.u32 $0x803, v0;
	v10 =	vor.u32 $0x804, v0;
	v11 =	vor.u32 $0x805, v0  }
0x8: {  	s3 =	sadd.s32 $0x2CE00, s9;
	s4 =	sadd.s32 $0x17E00, s9;
	s5 =	sadd.s32 $0xE000, s9;
	v12 =	vor.u32 $0x1000, v0;
	v13 =	vor.u32 $0x1001, v0;
	v14 =	vor.u32 $0x1002, v0  }
0x9: {  	s10 =	sand.u32 $0x1, s6;
	s7 =	sadd.s32 $0x4200, s9;
	s6 =	stileid.u32;
	v15 =	vor.u32 $0x1003, v0;
	v16 =	vor.u32 $0x1004, v0;
	v17 =	vor.u32 $0x1005, v0  }
0xa: {  	s8 =	sadd.s32 $0x5DE00, s9;
	s9 =	sadd.s32 $0x53FE00, s9;
	s11 =	ssub.s32 $0x2, s10;
	v18 =	vor.u32 $0x1800, v0;
	v19 =	vor.u32 $0x1801, v0;
	v20 =	vor.u32 $0x1802, v0  }
0xb: {  	_ =	strace $0x8000004A;
	s13 =	sshll.u32 s6, $0x1;
	s12 =	sshrl.u32 s11, $0x1;
	v21 =	vor.u32 $0x1803, v0;
	v22 =	vor.u32 $0x1804, v0;
	v23 =	vor.u32 $0x1805, v0  }
0xc: {  	s10 =	sor.u32 s10, s13;
	s13 =	simm.s32 $0x9C80;
	v24 =	vor.u32 $0x2000, v0;
	v25 =	vor.u32 $0x2001, v0;
	v26 =	vor.u32 $0x2002, v0;
	s11 =	ssub.s32 s11, s12  }
0xd: {  	v27 =	vor.u32 $0x2003, v0;
	v28 =	vor.u32 $0x2004, v0;
	v29 =	vor.u32 $0x2005, v0;
	s10 =	smul.u32 $0x2710, s10;
	s12 =	simm.s32 $0x3;
	s11 =	smax.u32 s11, $0x1  }
.LBB2_1:
0xe: {  	[tilespmem:s2], [sflag:$0x3] =	stream.linear.gather [hbm4b:s4+s2], $0x9C80, $0x38;
	[tilespmem:$0x11580] =	vst v63  }
0xf: {  	_ =	swait.ge [sflag:s12], $0x9C80  }
0x10: {  	[sflag:s12] =	ssyncset.done $0x0  }
0x11: {  	s22 =	simm.s32 $0x0;
	[sflag:s12] =	ssyncadd.s32 $0xFFFF6380  }
.LBB2_2:
0x12: {  	s23 =	smul.u32 $0x50, s22;
	_ =	sdelay $0x1  }
0x13: {  	s23 =	sadd.s32 s10, s23  }
0x14: {  	s25 =	sshrl.u32 s23, $0x3  }
0x15: {  	s24 =	simm.s32 $0x0;
	s26 =	sadd.s32 s5, s25  }
0x16: {  	[tilespmem:s13], [sflag:$0x3] =	stream.linear.gather [hbm4b:s26+s24], $0x50, $0x38;
	[tilespmem:$0x11580] =	vst v63  }
0x17: {  	_ =	swait.ge [sflag:s12], $0x50  }
0x18: {  	[sflag:s12] =	ssyncset.done $0x0  }
0x19: {  	s25 =	sadd.s32 s7, s25;
	[sflag:s12] =	ssyncadd.s32 $0xFFFFFFB0  }
0x1a: {  	[tilespmem:s14], [sflag:$0x3] =	stream.linear.gather [hbm4b:s25+s24], $0x50, $0x38;
	[tilespmem:$0x11580] =	vst v63  }
0x1b: {  	_ =	swait.ge [sflag:s12], $0x50  }
0x1c: {  	[sflag:s12] =	ssyncset.done $0x0  }
0x1d: {  	[sflag:s12] =	ssyncadd.s32 $0xFFFFFFB0  }
0x1e: {  	[tilespmem:s16], [sflag:$0x1] =	stream.indirect.gather [hbm4b:s1+s15], $0x80, s13, s15, $0xb8;
	[tilespmem:$0x11580] =	vst v63  }
0x1f: {  	_ = 	snop  }
0x20: {  	[tilespmem:s17], [sflag:$0x2] =	stream.indirect.gather [hbm4b:s3+s15], $0x80, s14, s15, $0xb8;
	[tilespmem:$0x11580] =	vst v63  }
0x21: {  	v30 =	vld [tilespmem:$0x9C80]  }
0x22: {  	v31 =	vld [tilespmem:$0x9D00];
	_ =	sdelay $0x3  }
0x23: {  	v30 =	vshll.u32 v30, $0x2  }
0x24: {  	v31 =	vshll.u32 v31, $0x2  }
0x25: {  	v32 =	vor.u32 $0x1, v30  }
0x26: {  	v33 =	vor.u32 $0x1, v31  }
0x27: {  	v34 =	vor.u32 $0x2, v30  }
0x28: {  	v36 =	vor.u32 $0x2, v31;
	v35 =	vld.idx.msk [tilespmem:v30+s24+$0x0], $0xffff  }
0x29: {  	v30 =	vor.u32 $0x3, v30;
	v37 =	vld.idx.msk [tilespmem:v31+s24+$0x0], $0xffff  }
0x2a: {  	v31 =	vor.u32 $0x3, v31;
	v32 =	vld.idx.msk [tilespmem:v32+s24+$0x0], $0xffff  }
0x2b: {  	v33 =	vld.idx.msk [tilespmem:v33+s24+$0x0], $0xffff  }
0x2c: {  	v34 =	vld.idx.msk [tilespmem:v34+s24+$0x0], $0xffff  }
0x2d: {  	v36 =	vld.idx.msk [tilespmem:v36+s24+$0x0], $0xffff  }
0x2e: {  	v30 =	vld.idx.msk [tilespmem:v30+s24+$0x0], $0xffff  }
0x2f: {  	v31 =	vld.idx.msk [tilespmem:v31+s24+$0x0], $0xffff  }
0x30: {  	v38 =	vsub.f32 v35, v37;
	v39 =	vsub.f32 v32, v33;
	_ =	sdelay $0x1  }
0x31: {  	v40 =	vsub.f32 v34, v36;
	v41 =	vmul.f32 v38, v38;
	v42 =	vmul.f32 v39, v39  }
0x32: {  	v35 =	vmul.f32 v37, v35;
	v32 =	vmul.f32 v33, v32  }
0x33: {  	v53 =	vmul.f32 v40, v40;
	v52 =	vsub.f32 v30, v31;
	v41 =	vsub.f32 v41, v42  }
0x34: {  	v34 =	vmul.f32 v36, v34;
	v32 =	vsub.f32 v35, v32  }
0x35: {  	[tilespmem:v0+s18+$0x0] =	vst.idx.msk $0xffff, v38;
	v54 =	vmul.f32 v52, v52;
	v55 =	vsub.f32 v41, v53  }
0x36: {  	[tilespmem:v1+s18+$0x0] =	vst.idx.msk $0xffff, v39;
	v30 =	vmul.f32 v31, v30;
	v31 =	vsub.f32 v32, v34  }
0x37: {  	[tilespmem:v2+s18+$0x0] =	vst.idx.msk $0xffff, v40;
	v56 =	vsub.f32 v55, v54  }
0x38: {  	v30 =	vsub.f32 v31, v30;
	[tilespmem:v3+s18+$0x0] =	vst.idx.msk $0xffff, v52  }
0x39: {  	[tilespmem:v4+s18+$0x0] =	vst.idx.msk $0xffff, v56  }
0x3a: {  	[tilespmem:v5+s18+$0x0] =	vst.idx.msk $0xffff, v30  }
0x3b: {  	v30 =	vld [tilespmem:$0x9C90]  }
0x3c: {  	v31 =	vld [tilespmem:$0x9D10];
	_ =	sdelay $0x3  }
0x3d: {  	v30 =	vshll.u32 v30, $0x2  }
0x3e: {  	v31 =	vshll.u32 v31, $0x2  }
0x3f: {  	v57 =	vor.u32 $0x1, v30  }
0x40: {  	v58 =	vor.u32 $0x1, v31  }
0x41: {  	v59 =	vor.u32 $0x2, v30  }
0x42: {  	v61 =	vor.u32 $0x2, v31;
	v60 =	vld.idx.msk [tilespmem:v30+s24+$0x0], $0xffff  }
0x43: {  	v30 =	vor.u32 $0x3, v30;
	v62 =	vld.idx.msk [tilespmem:v31+s24+$0x0], $0xffff  }
0x44: {  	v31 =	vor.u32 $0x3, v31;
	v32 =	vld.idx.msk [tilespmem:v57+s24+$0x0], $0xffff  }
0x45: {  	v33 =	vld.idx.msk [tilespmem:v58+s24+$0x0], $0xffff  }
0x46: {  	v34 =	vld.idx.msk [tilespmem:v59+s24+$0x0], $0xffff  }
0x47: {  	v36 =	vld.idx.msk [tilespmem:v61+s24+$0x0], $0xffff  }
0x48: {  	v30 =	vld.idx.msk [tilespmem:v30+s24+$0x0], $0xffff  }
0x49: {  	v31 =	vld.idx.msk [tilespmem:v31+s24+$0x0], $0xffff  }
0x4a: {  	v63 =	vsub.f32 v60, v62;
	v45 =	vsub.f32 v32, v33;
	_ =	sdelay $0x1  }
0x4b: {  	v46 =	vsub.f32 v34, v36;
	v47 =	vmul.f32 v63, v63;
	v48 =	vmul.f32 v45, v45  }
0x4c: {  	v35 =	vmul.f32 v62, v60;
	v32 =	vmul.f32 v33, v32  }
0x4d: {  	v50 =	vmul.f32 v46, v46;
	v49 =	vsub.f32 v30, v31;
	v41 =	vsub.f32 v47, v48  }
0x4e: {  	v34 =	vmul.f32 v36, v34;
	v32 =	vsub.f32 v35, v32  }
0x4f: {  	[tilespmem:v6+s18+$0x0] =	vst.idx.msk $0xffff, v63;
	v51 =	vmul.f32 v49, v49;
	v52 =	vsub.f32 v41, v50  }
0x50: {  	[tilespmem:v7+s18+$0x0] =	vst.idx.msk $0xffff, v45;
	v30 =	vmul.f32 v31, v30;
	v31 =	vsub.f32 v32, v34  }
0x51: {  	[tilespmem:v8+s18+$0x0] =	vst.idx.msk $0xffff, v46;
	v53 =	vsub.f32 v52, v51  }
0x52: {  	v30 =	vsub.f32 v31, v30;
	[tilespmem:v9+s18+$0x0] =	vst.idx.msk $0xffff, v49  }
0x53: {  	[tilespmem:v10+s18+$0x0] =	vst.idx.msk $0xffff, v53  }
0x54: {  	[tilespmem:v11+s18+$0x0] =	vst.idx.msk $0xffff, v30  }
0x55: {  	v30 =	vld [tilespmem:$0x9CA0]  }
0x56: {  	v31 =	vld [tilespmem:$0x9D20];
	_ =	sdelay $0x3  }
0x57: {  	v30 =	vshll.u32 v30, $0x2  }
0x58: {  	v31 =	vshll.u32 v31, $0x2  }
0x59: {  	v54 =	vor.u32 $0x1, v30  }
0x5a: {  	v55 =	vor.u32 $0x1, v31  }
0x5b: {  	v56 =	vor.u32 $0x2, v30  }
0x5c: {  	v58 =	vor.u32 $0x2, v31;
	v57 =	vld.idx.msk [tilespmem:v30+s24+$0x0], $0xffff  }
0x5d: {  	v30 =	vor.u32 $0x3, v30;
	v59 =	vld.idx.msk [tilespmem:v31+s24+$0x0], $0xffff  }
0x5e: {  	v31 =	vor.u32 $0x3, v31;
	v32 =	vld.idx.msk [tilespmem:v54+s24+$0x0], $0xffff  }
0x5f: {  	v33 =	vld.idx.msk [tilespmem:v55+s24+$0x0], $0xffff  }
0x60: {  	v34 =	vld.idx.msk [tilespmem:v56+s24+$0x0], $0xffff  }
0x61: {  	v36 =	vld.idx.msk [tilespmem:v58+s24+$0x0], $0xffff  }
0x62: {  	v30 =	vld.idx.msk [tilespmem:v30+s24+$0x0], $0xffff  }
0x63: {  	v31 =	vld.idx.msk [tilespmem:v31+s24+$0x0], $0xffff  }
0x64: {  	v60 =	vsub.f32 v57, v59;
	v61 =	vsub.f32 v32, v33;
	_ =	sdelay $0x1  }
0x65: {  	v62 =	vsub.f32 v34, v36;
	v63 =	vmul.f32 v60, v60;
	v45 =	vmul.f32 v61, v61  }
0x66: {  	v35 =	vmul.f32 v59, v57;
	v32 =	vmul.f32 v33, v32  }
0x67: {  	v47 =	vmul.f32 v62, v62;
	v46 =	vsub.f32 v30, v31;
	v41 =	vsub.f32 v63, v45  }
0x68: {  	v34 =	vmul.f32 v36, v34;
	v32 =	vsub.f32 v35, v32  }
0x69: {  	[tilespmem:v12+s18+$0x0] =	vst.idx.msk $0xffff, v60;
	v48 =	vmul.f32 v46, v46;
	v49 =	vsub.f32 v41, v47  }
0x6a: {  	[tilespmem:v13+s18+$0x0] =	vst.idx.msk $0xffff, v61;
	v30 =	vmul.f32 v31, v30;
	v31 =	vsub.f32 v32, v34  }
0x6b: {  	[tilespmem:v14+s18+$0x0] =	vst.idx.msk $0xffff, v62;
	v50 =	vsub.f32 v49, v48  }
0x6c: {  	v30 =	vsub.f32 v31, v30;
	[tilespmem:v15+s18+$0x0] =	vst.idx.msk $0xffff, v46  }
0x6d: {  	[tilespmem:v16+s18+$0x0] =	vst.idx.msk $0xffff, v50  }
0x6e: {  	[tilespmem:v17+s18+$0x0] =	vst.idx.msk $0xffff, v30  }
0x6f: {  	v30 =	vld [tilespmem:$0x9CB0]  }
0x70: {  	v31 =	vld [tilespmem:$0x9D30];
	_ =	sdelay $0x3  }
0x71: {  	v30 =	vshll.u32 v30, $0x2  }
0x72: {  	v31 =	vshll.u32 v31, $0x2  }
0x73: {  	v51 =	vor.u32 $0x1, v30  }
0x74: {  	v52 =	vor.u32 $0x1, v31  }
0x75: {  	v53 =	vor.u32 $0x2, v30  }
0x76: {  	v55 =	vor.u32 $0x2, v31;
	v54 =	vld.idx.msk [tilespmem:v30+s24+$0x0], $0xffff  }
0x77: {  	v30 =	vor.u32 $0x3, v30;
	v56 =	vld.idx.msk [tilespmem:v31+s24+$0x0], $0xffff  }
0x78: {  	v31 =	vor.u32 $0x3, v31;
	v32 =	vld.idx.msk [tilespmem:v51+s24+$0x0], $0xffff  }
0x79: {  	v33 =	vld.idx.msk [tilespmem:v52+s24+$0x0], $0xffff  }
0x7a: {  	v34 =	vld.idx.msk [tilespmem:v53+s24+$0x0], $0xffff  }
0x7b: {  	v36 =	vld.idx.msk [tilespmem:v55+s24+$0x0], $0xffff  }
0x7c: {  	v30 =	vld.idx.msk [tilespmem:v30+s24+$0x0], $0xffff  }
0x7d: {  	v31 =	vld.idx.msk [tilespmem:v31+s24+$0x0], $0xffff  }
0x7e: {  	v57 =	vsub.f32 v54, v56;
	v58 =	vsub.f32 v32, v33;
	_ =	sdelay $0x1  }
0x7f: {  	v59 =	vsub.f32 v34, v36;
	v60 =	vmul.f32 v57, v57;
	v61 =	vmul.f32 v58, v58  }
0x80: {  	v35 =	vmul.f32 v56, v54;
	v32 =	vmul.f32 v33, v32  }
0x81: {  	v63 =	vmul.f32 v59, v59;
	v62 =	vsub.f32 v30, v31;
	v41 =	vsub.f32 v60, v61  }
0x82: {  	v34 =	vmul.f32 v36, v34;
	v32 =	vsub.f32 v35, v32  }
0x83: {  	[tilespmem:v18+s18+$0x0] =	vst.idx.msk $0xffff, v57;
	v42 =	vmul.f32 v62, v62;
	v43 =	vsub.f32 v41, v63  }
0x84: {  	[tilespmem:v19+s18+$0x0] =	vst.idx.msk $0xffff, v58;
	v30 =	vmul.f32 v31, v30;
	v31 =	vsub.f32 v32, v34  }
0x85: {  	[tilespmem:v20+s18+$0x0] =	vst.idx.msk $0xffff, v59;
	v44 =	vsub.f32 v43, v42  }
0x86: {  	v30 =	vsub.f32 v31, v30;
	[tilespmem:v21+s18+$0x0] =	vst.idx.msk $0xffff, v62  }
0x87: {  	[tilespmem:v22+s18+$0x0] =	vst.idx.msk $0xffff, v44  }
0x88: {  	[tilespmem:v23+s18+$0x0] =	vst.idx.msk $0xffff, v30  }
0x89: {  	v30 =	vld [tilespmem:$0x9CC0]  }
0x8a: {  	v31 =	vld [tilespmem:$0x9D40];
	_ =	sdelay $0x3  }
0x8b: {  	v30 =	vshll.u32 v30, $0x2  }
0x8c: {  	v31 =	vshll.u32 v31, $0x2  }
0x8d: {  	v45 =	vor.u32 $0x1, v30  }
0x8e: {  	v46 =	vor.u32 $0x1, v31  }
0x8f: {  	v47 =	vor.u32 $0x2, v30  }
0x90: {  	v49 =	vor.u32 $0x2, v31;
	v48 =	vld.idx.msk [tilespmem:v30+s24+$0x0], $0xffff  }
0x91: {  	v30 =	vor.u32 $0x3, v30;
	v50 =	vld.idx.msk [tilespmem:v31+s24+$0x0], $0xffff  }
0x92: {  	v31 =	vor.u32 $0x3, v31;
	v32 =	vld.idx.msk [tilespmem:v45+s24+$0x0], $0xffff  }
0x93: {  	v33 =	vld.idx.msk [tilespmem:v46+s24+$0x0], $0xffff  }
0x94: {  	v34 =	vld.idx.msk [tilespmem:v47+s24+$0x0], $0xffff  }
0x95: {  	v36 =	vld.idx.msk [tilespmem:v49+s24+$0x0], $0xffff  }
0x96: {  	v30 =	vld.idx.msk [tilespmem:v30+s24+$0x0], $0xffff  }
0x97: {  	v31 =	vld.idx.msk [tilespmem:v31+s24+$0x0], $0xffff  }
0x98: {  	v51 =	vsub.f32 v48, v50;
	v52 =	vsub.f32 v32, v33;
	_ =	sdelay $0x1  }
0x99: {  	v53 =	vsub.f32 v34, v36;
	v54 =	vmul.f32 v51, v51;
	v55 =	vmul.f32 v52, v52  }
0x9a: {  	v35 =	vmul.f32 v50, v48;
	v32 =	vmul.f32 v33, v32  }
0x9b: {  	v57 =	vmul.f32 v53, v53;
	v56 =	vsub.f32 v30, v31;
	v41 =	vsub.f32 v54, v55  }
0x9c: {  	v34 =	vmul.f32 v36, v34;
	v32 =	vsub.f32 v35, v32  }
0x9d: {  	[tilespmem:v24+s18+$0x0] =	vst.idx.msk $0xffff, v51;
	v58 =	vmul.f32 v56, v56;
	v59 =	vsub.f32 v41, v57  }
0x9e: {  	[tilespmem:v25+s18+$0x0] =	vst.idx.msk $0xffff, v52;
	v30 =	vmul.f32 v31, v30;
	v31 =	vsub.f32 v32, v34  }
0x9f: {  	[tilespmem:v26+s18+$0x0] =	vst.idx.msk $0xffff, v53;
	v60 =	vsub.f32 v59, v58  }
0xa0: {  	v30 =	vsub.f32 v31, v30;
	[tilespmem:v27+s18+$0x0] =	vst.idx.msk $0xffff, v56  }
0xa1: {  	[tilespmem:v28+s18+$0x0] =	vst.idx.msk $0xffff, v60  }
0xa2: {  	[tilespmem:v29+s18+$0x0] =	vst.idx.msk $0xffff, v30  }
0xa3: {  	_ =	swait.ge [sflag:s19], $0x2800  }
0xa4: {  	[sflag:s19] =	ssyncset.done $0x0  }
0xa5: {  	[sflag:s19] =	ssyncadd.s32 $0xFFFFD800  }
0xa6: {  	_ =	swait.ge [sflag:s20], $0x2800  }
0xa7: {  	[sflag:s20] =	ssyncset.done $0x0  }
0xa8: {  	s24 =	simm.s32 $0x0;
	[sflag:s20] =	ssyncadd.s32 $0xFFFFD800  }
0xa9: {  	v61 =	vld [tilespmem:s24+$0xC580]  }
0xaa: {  	v62 =	vld [tilespmem:s24+$0xC590]  }
0xab: {  	v35 =	vld [tilespmem:s24+$0xC5A0]  }
0xac: {  	v34 =	vld [tilespmem:s24+$0xC5B0]  }
0xad: {  	v33 =	vld [tilespmem:s24+$0xC5C0]  }
0xae: {  	v32 =	vld [tilespmem:s24+$0xC5D0]  }
0xaf: {  	v31 =	vld [tilespmem:s24+$0xC5E0]  }
0xb0: {  	v30 =	vld [tilespmem:s24+$0xC5F0]  }
0xb1: {  	v63 =	vld [tilespmem:s24+$0x9D80]  }
0xb2: {  	v43 =	vld [tilespmem:s24+$0x9D90]  }
0xb3: {  	v40 =	vld [tilespmem:s24+$0x9DA0]  }
0xb4: {  	v39 =	vld [tilespmem:s24+$0x9DB0]  }
0xb5: {  	v38 =	vld [tilespmem:s24+$0x9DC0]  }
0xb6: {  	v36 =	vld [tilespmem:s24+$0x9DD0];
	v42 =	vadd.f32 v61, v63  }
0xb7: {  	s25 =	simm.s32 $0x200;
	v37 =	vld [tilespmem:s24+$0x9DE0];
	v41 =	vadd.f32 v62, v43  }
.LBB2_3:
0xb8: {  	s26 =	sshra.s32 s25, $0x2;
	p0 =	sne.s32 s25, $0x9E00;
	[tilespmem:s24+$0x9D80] =	vst v42;
	v35 =	vadd.f32 v35, v40;
	v40 =	vld [tilespmem:s24+$0x9DF0]  }
0xb9: {  	v42 =	vld [tilespmem:s26+$0xC580];
	[tilespmem:s24+$0x9D90] =	vst v41;
	v34 =	vadd.f32 v34, v39  }
0xba: {  	v41 =	vld [tilespmem:s26+$0xC590];
	[tilespmem:s24+$0x9DA0] =	vst v35;
	v33 =	vadd.f32 v33, v38  }
0xbb: {  	v35 =	vld [tilespmem:s26+$0xC5A0];
	[tilespmem:s24+$0x9DB0] =	vst v34;
	v32 =	vadd.f32 v32, v36  }
0xbc: {  	v34 =	vld [tilespmem:s26+$0xC5B0];
	[tilespmem:s24+$0x9DC0] =	vst v33;
	v31 =	vadd.f32 v31, v37  }
0xbd: {  	v33 =	vld [tilespmem:s26+$0xC5C0];
	[tilespmem:s24+$0x9DD0] =	vst v32;
	v30 =	vadd.f32 v30, v40  }
0xbe: {  	v32 =	vld [tilespmem:s26+$0xC5D0];
	[tilespmem:s24+$0x9DE0] =	vst v31  }
0xbf: {  	v31 =	vld [tilespmem:s26+$0xC5E0];
	[tilespmem:s24+$0x9DF0] =	vst v30;
	s24 =	smov.u32 s26  }
0xc0: {  	v30 =	vld [tilespmem:s24+$0xC5F0]  }
0xc1: {  	v36 =	vld [tilespmem:s24+$0x9D80]  }
0xc2: {  	v37 =	vld [tilespmem:s24+$0x9D90]  }
.Ltmp0:
0xc3: {  	v40 =	vld [tilespmem:s24+$0x9DA0];
	(pc) =	sbr.rel @p0 .LBB2_3-.Ltmp0, $4  }
0xc4: {  	v39 =	vld [tilespmem:s24+$0x9DB0]  }
0xc5: {  	v38 =	vld [tilespmem:s24+$0x9DC0]  }
0xc6: {  	v42 =	vadd.f32 v42, v36;
	v36 =	vld [tilespmem:s24+$0x9DD0]  }
0xc7: {  	s25 =	sadd.s32 $0x200, s25;
	v41 =	vadd.f32 v41, v37;
	v37 =	vld [tilespmem:s24+$0x9DE0]  }
0xc8: {  	[tilespmem:s24+$0x9D80] =	vst v42;
	v35 =	vadd.f32 v35, v40;
	v63 =	vld [tilespmem:s24+$0x9DF0]  }
0xc9: {  	[tilespmem:s24+$0x9D90] =	vst v41;
	v34 =	vadd.f32 v34, v39  }
0xca: {  	[tilespmem:s24+$0x9DA0] =	vst v35;
	v33 =	vadd.f32 v33, v38  }
0xcb: {  	[tilespmem:s24+$0x9DB0] =	vst v34;
	v32 =	vadd.f32 v32, v36  }
0xcc: {  	[tilespmem:s24+$0x9DC0] =	vst v33;
	v31 =	vadd.f32 v31, v37  }
0xcd: {  	[tilespmem:s24+$0x9DD0] =	vst v32;
	v30 =	vadd.f32 v30, v63  }
0xce: {  	s23 =	sshll.u32 s23, $0x4;
	[tilespmem:s24+$0x9DE0] =	vst v31  }
0xcf: {  	s31 =	sadd.s32 s8, s23;
	[tilespmem:s24+$0x9DF0] =	vst v30  }
0xd0: {  	[hbm4b:s31+s2] =	stream.linear.scatter [tilespmem:s16], [sflag:$0x3], $0x2800, $0x38;
	[tilespmem:$0x11580] =	vst v63  }
0xd1: {  	s22 =	sadd.s32 $0x1, s22;
	_ =	swait.ge [sflag:s12], $0x2800  }
0xd2: {  	p0 =	sne.s32 s22, $0x7D;
	[sflag:s12] =	ssyncset.done $0x0  }
.Ltmp1:
0xd3: {  	s23 =	sadd.s32 s9, s23;
	[sflag:s12] =	ssyncadd.s32 $0xFFFFD800;
	(pc) =	sbr.rel @p0 .LBB2_2-.Ltmp1, $4  }
0xd4: {  	[hbm4b:s23+s2] =	stream.linear.scatter [tilespmem:s18], [sflag:$0x3], $0x2800, $0x38;
	[tilespmem:$0x11580] =	vst v63  }
0xd5: {  	_ =	swait.ge [sflag:s12], $0x2800  }
0xd6: {  	[sflag:s12] =	ssyncset.done $0x0  }
0xd7: {  	[sflag:s12] =	ssyncadd.s32 $0xFFFFD800  }
0xd8: {  	s21 =	sadd.s32 $0x1, s21  }
0xd9: {  	p0 =	sne.s32 s21, s11  }
.Ltmp2:
0xda: {  	_ = 	snop;
	(pc) =	sbr.rel @p0 .LBB2_1-.Ltmp2, $1  }
0xdb: {  	_ =	sdelay $0x3  }
0xdc: {  	_ =	sfence.sel $0x180000  }
0xdd: {  	[bflag:$0x0] =	sbarrier.arrive $0xFFFF  }
0xde: {  	p0 =	sne.s32 s6, $0x0;
	_ =	strace $0x9000004A  }
0xdf: {  	s0 =	sadd.s32 @!p0 $0x100000, s0;
	[bflag:$0x2] =	sbarrier.arrive $0xFFFF  }
0xe0: {  	[sflag:s0] =	ssyncadd.tile.s32 @!p0 $0x1;
	_ =	shalt  }
.Lfunc_end2:
_tile_overlayer_lowered:
.L_overlay_start_2:
0xe1: {  	(tag) =	ssettag $0x2  }
0xe2: {  	s0 =	rddreg [dreg:$0x0];
	s2 =	stileid.u32  }
0xe3: {  	s1 =	rddreg [dreg:$0x1];
	p0 =	sne.s32 s2, $0x0  }
0xe4: {  	s3 =	rddreg [dreg:$0x2];
	[bflag:$0x3] =	sbarrier.arrive $0xFFFF;
	s2 =	simm.s32 @!p0 $0x1C03  }
0xe5: {  	[timem:s3], [sflag:s2] =	dma.local @!p0 [hbm:s0], s1  }
0xe6: {  	s0 =	simm.s32 @!p0 $0x3  }
0xe7: {  	_ =	swait.ge @!p0 [sflag:s0], s1  }
0xe8: {  	s1 =	ssub.s32 @!p0 $0x0, s1;
	[sflag:s0] =	ssyncset.done @!p0 $0x0  }
0xe9: {  	[sflag:s0] =	ssyncadd.s32 @!p0 s1  }
0xea: {  	[bflag:$0x3] =	sbarrier.arrive $0xFFFF  }
0xeb: {  	_ =	shalt  }

</sc_bundles>
